<compile_context>
chip_gen: v7x
topology: tpu7x:2x2x1
jax: 0.10.2.dev20260603
libtpu: 0.0.44.dev20260713+nightly
codegen_flags: <defaults>
</compile_context>

<pallas_src>
import jax
import jax.numpy as jnp
from jax import lax
from jax.experimental import pallas as pl
from jax.experimental.pallas import tpu as pltpu
from jax.experimental.pallas import tpu_sc as plsc

D_MODEL = 1024
BATCH = 4
TOTAL = 4096

NUM_CORES = 2
NUM_SUBCORES = 16
NUM_WORKERS = NUM_CORES * NUM_SUBCORES
POS_PER_W = TOTAL // NUM_WORKERS

C = 8
NBUF = 3
NCHUNK = POS_PER_W // C
LANES = 16


def _addupdate(ref, x):
  plsc.addupdate(ref, x)


def _body(x_hbm, emb_hbm, ids_hbm, out_hbm,
          ids_v, emb_v, buf0, buf1, buf2,
          si0, si1, si2, so0, so1, so2):
  wid = lax.axis_index("s") * NUM_CORES + lax.axis_index("c")
  base = wid * POS_PER_W

  bufs = (buf0, buf1, buf2)
  sems_in = (si0, si1, si2)
  sems_out = (so0, so1, so2)

  def in_copy(g, b):
    pos0 = base + jnp.maximum(g, 0) * C
    return pltpu.make_async_copy(x_hbm.at[pl.ds(pos0, C)],
                                 bufs[b], sems_in[b])

  def out_copy(g, b):
    pos0 = base + jnp.maximum(g, 0) * C
    return pltpu.make_async_copy(bufs[b],
                                 out_hbm.at[pl.ds(pos0, C)], sems_out[b])

  in_copy(0, 0).start()
  in_copy(1, 1).start()
  stage_ids = pltpu.make_async_copy(
      ids_hbm.at[pl.ds(base, POS_PER_W)], ids_v, so0)
  stage_emb = pltpu.make_async_copy(emb_hbm, emb_v, so1)
  stage_ids.start()
  stage_emb.start()
  stage_ids.wait()
  stage_emb.wait()

  iota = lax.iota(jnp.int32, LANES)

  def compute_chunk(g, buf):
    idv = [
        plsc.load_gather(ids_v, [jnp.full((LANES,), g * C + p, jnp.int32)])
        for p in range(C)
    ]

    @plsc.parallel_loop(0, D_MODEL // LANES, unroll=1)
    def _(j):
      col = j * LANES + iota
      for p in range(C):
        ev = plsc.load_gather(emb_v, [idv[p], col])
        for bb in range(BATCH):
          _addupdate(buf.at[p, bb, pl.ds(j * LANES, LANES)], ev)

  def step(k, _):
    for b in range(NBUF):
      g = k * NBUF + b
      in_copy(g, b).wait()
      compute_chunk(g, bufs[b])
      out_copy(g, b).start()

      @pl.when(g + 2 < NCHUNK)
      def _():
        @pl.when(g >= 1)
        def _():
          out_copy(g - 1, (b + 2) % NBUF).wait()

        in_copy(g + 2, (b + 2) % NBUF).start()
    return 0

  lax.fori_loop(0, (NCHUNK - 1) // NBUF, step, 0)

  g = NCHUNK - 1
  in_copy(g, g % NBUF).wait()
  compute_chunk(g, bufs[g % NBUF])
  out_copy(g, g % NBUF).start()

  for gg in range(NCHUNK - 3, NCHUNK):
    out_copy(gg, gg % NBUF).wait()


@jax.jit
def _run(x, emb, src_ids):
  mesh = plsc.VectorSubcoreMesh(core_axis_name="c", subcore_axis_name="s")
  return pl.kernel(
      _body,
      out_type=jax.ShapeDtypeStruct((TOTAL, BATCH, D_MODEL), jnp.float32),
      mesh=mesh,
      compiler_params=pltpu.CompilerParams(
          needs_layout_passes=False, use_tc_tiling_on_sc=True),
      scratch_types=[
          pltpu.VMEM((POS_PER_W,), jnp.int32),
          pltpu.VMEM((BATCH, D_MODEL), jnp.float32),
          pltpu.VMEM((C, BATCH, D_MODEL), jnp.float32),
          pltpu.VMEM((C, BATCH, D_MODEL), jnp.float32),
          pltpu.VMEM((C, BATCH, D_MODEL), jnp.float32),
          pltpu.SemaphoreType.DMA,
          pltpu.SemaphoreType.DMA,
          pltpu.SemaphoreType.DMA,
          pltpu.SemaphoreType.DMA,
          pltpu.SemaphoreType.DMA,
          pltpu.SemaphoreType.DMA,
      ],
  )(x, emb, src_ids)


def kernel(x, emb, src_ids):
  return _run(x, emb, src_ids)

# --- scband reference (transcript-rebuilt; emitter-appended) ---
"""Pipeline reference for scband-src-encoding-1623497638591 (READ-ONLY COPY).

The authoritative reference and input builder live on the scoring server;
editing this copy changes nothing except your own understanding.
"""

import jax, jax.numpy as jnp
import numpy as np

D_MODEL = 1024
SOURCE_SIZES = [1024, 1024, 1024, 1024]
N_SOURCES = len(SOURCE_SIZES)
TOTAL = sum(SOURCE_SIZES)
BATCH = 4


def setup_inputs(seed: int = 0) -> dict:
    key = jax.random.key(seed)
    k1, k2 = jax.random.split(key)
    x = jax.random.normal(k1, (TOTAL, BATCH, D_MODEL), dtype=jnp.float32)
    # learned source embedding table, nn.Embedding default init ~ N(0,1)
    emb = jax.random.normal(k2, (N_SOURCES, D_MODEL), dtype=jnp.float32)
    # per-position source id: block i of length SOURCE_SIZES[i] maps to source i
    src_ids = jnp.asarray(np.repeat(np.arange(N_SOURCES), np.asarray(SOURCE_SIZES)), dtype=jnp.int32)
    return {"x": x, "emb": emb, "src_ids": src_ids}


def reference(x, emb, src_ids):
    # encoding(): [TOTAL, 1, d_model] built by gathering the per-source embedding
    # for each position (equivalent to the block-wise fill in the torch code)
    enc = jnp.take(emb, src_ids, axis=0)[:, None, :]  # [TOTAL, 1, D_MODEL]
    # dropout p=0.0 -> identity
    return x + enc

if __name__ == "__main__":
    import jax
    _d = setup_inputs()
    print(jax.jit(kernel)(*tuple(_d.values())))

</pallas_src>

<mosaic_0001>
#map = affine_map<(d0, d1) -> (0, 0, 0)>
#map1 = affine_map<(d0, d1) -> (0, 0)>
#map2 = affine_map<(d0, d1) -> (0)>
module attributes {stable_mosaic.version = 14 : i64} {
  func.func @_body(%arg0: i32, %arg1: i32, %arg2: memref<4096x4x1024xf32, #tpu.memory_space<hbm>>, %arg3: memref<4x1024xf32, #tpu.memory_space<hbm>>, %arg4: memref<4096xi32, #tpu.memory_space<hbm>>, %arg5: memref<4096x4x1024xf32, #tpu.memory_space<hbm>>, %arg6: memref<128xi32, #tpu.memory_space<vmem>>, %arg7: memref<4x1024xf32, #tpu.memory_space<vmem>>, %arg8: memref<8x4x1024xf32, #tpu.memory_space<vmem>>, %arg9: memref<8x4x1024xf32, #tpu.memory_space<vmem>>, %arg10: memref<8x4x1024xf32, #tpu.memory_space<vmem>>, %arg11: memref<!tpu.dma_semaphore, #tpu.memory_space<semaphore_mem>>, %arg12: memref<!tpu.dma_semaphore, #tpu.memory_space<semaphore_mem>>, %arg13: memref<!tpu.dma_semaphore, #tpu.memory_space<semaphore_mem>>, %arg14: memref<!tpu.dma_semaphore, #tpu.memory_space<semaphore_mem>>, %arg15: memref<!tpu.dma_semaphore, #tpu.memory_space<semaphore_mem>>, %arg16: memref<!tpu.dma_semaphore, #tpu.memory_space<semaphore_mem>>) attributes {dimension_semantics = [#tpu.dimension_semantics<core_parallel>, #tpu.dimension_semantics<subcore_parallel>], iteration_bounds = array<i64: 2, 16>, scalar_prefetch = 0 : i64, scratch_operands = 11 : i64, tpu.core_type = #tpu.core_type<sc_vector_subcore>, window_params = [{transform_indices = #map}, {transform_indices = #map1}, {transform_indices = #map2}, {transform_indices = #map}]} {
    %mul3A = arith.constant 2 : i32
    %mul3A_0 = arith.muli %arg1, %mul3A : i32
    %add3A = arith.addi %mul3A_0, %arg0 : i32
    %mul3A_1 = arith.constant 128 : i32
    %mul3A_2 = arith.muli %add3A, %mul3A_1 : i32
    %max3A = arith.constant 0 : i32
    %max3A_3 = arith.constant 0 : i32
    %max3A_4 = arith.maxsi %max3A, %max3A_3 : i32
    %mul3A_5 = arith.constant 8 : i32
    %mul3A_6 = arith.muli %max3A_4, %mul3A_5 : i32
    %add3A_7 = arith.addi %mul3A_2, %mul3A_6 : i32
    %dma_start3A = arith.constant 0 : i32
    %dma_start3A_8 = arith.constant 0 : i32
    %dma_start3A_9 = tpu.memref_slice %arg2[%add3A_7, %dma_start3A, %dma_start3A_8] : memref<4096x4x1024xf32, #tpu.memory_space<hbm>> -> memref<8x4x1024xf32, #tpu.memory_space<hbm>>
    %dma_start3A_10 = arith.constant 0 : i32
    %dma_start3A_11 = arith.constant 0 : i32
    %dma_start3A_12 = tpu.memref_slice %arg2[%add3A_7, %dma_start3A_10, %dma_start3A_11] : memref<4096x4x1024xf32, #tpu.memory_space<hbm>> -> memref<8x4x1024xf32, #tpu.memory_space<hbm>>
    tpu.enqueue_dma source(%dma_start3A_12 : memref<8x4x1024xf32, #tpu.memory_space<hbm>>) target(%arg8 : memref<8x4x1024xf32, #tpu.memory_space<vmem>>) target_semaphore(%arg11 : memref<!tpu.dma_semaphore, #tpu.memory_space<semaphore_mem>>)
    %max3A_13 = arith.constant 1 : i32
    %max3A_14 = arith.constant 0 : i32
    %max3A_15 = arith.maxsi %max3A_13, %max3A_14 : i32
    %mul3A_16 = arith.constant 8 : i32
    %mul3A_17 = arith.muli %max3A_15, %mul3A_16 : i32
    %add3A_18 = arith.addi %mul3A_2, %mul3A_17 : i32
    %dma_start3A_19 = arith.constant 0 : i32
    %dma_start3A_20 = arith.constant 0 : i32
    %dma_start3A_21 = tpu.memref_slice %arg2[%add3A_18, %dma_start3A_19, %dma_start3A_20] : memref<4096x4x1024xf32, #tpu.memory_space<hbm>> -> memref<8x4x1024xf32, #tpu.memory_space<hbm>>
    %dma_start3A_22 = arith.constant 0 : i32
    %dma_start3A_23 = arith.constant 0 : i32
    %dma_start3A_24 = tpu.memref_slice %arg2[%add3A_18, %dma_start3A_22, %dma_start3A_23] : memref<4096x4x1024xf32, #tpu.memory_space<hbm>> -> memref<8x4x1024xf32, #tpu.memory_space<hbm>>
    tpu.enqueue_dma source(%dma_start3A_24 : memref<8x4x1024xf32, #tpu.memory_space<hbm>>) target(%arg9 : memref<8x4x1024xf32, #tpu.memory_space<vmem>>) target_semaphore(%arg12 : memref<!tpu.dma_semaphore, #tpu.memory_space<semaphore_mem>>)
    %dma_start3A_25 = tpu.memref_slice %arg4[%mul3A_2] : memref<4096xi32, #tpu.memory_space<hbm>> -> memref<128xi32, #tpu.memory_space<hbm>>
    %dma_start3A_26 = tpu.memref_slice %arg4[%mul3A_2] : memref<4096xi32, #tpu.memory_space<hbm>> -> memref<128xi32, #tpu.memory_space<hbm>>
    tpu.enqueue_dma source(%dma_start3A_26 : memref<128xi32, #tpu.memory_space<hbm>>) target(%arg6 : memref<128xi32, #tpu.memory_space<vmem>>) target_semaphore(%arg14 : memref<!tpu.dma_semaphore, #tpu.memory_space<semaphore_mem>>)
    tpu.enqueue_dma source(%arg3 : memref<4x1024xf32, #tpu.memory_space<hbm>>) target(%arg7 : memref<4x1024xf32, #tpu.memory_space<vmem>>) target_semaphore(%arg15 : memref<!tpu.dma_semaphore, #tpu.memory_space<semaphore_mem>>)
    %dma_wait3A = tpu.memref_slice %arg4[%mul3A_2] : memref<4096xi32, #tpu.memory_space<hbm>> -> memref<128xi32, #tpu.memory_space<hbm>>
    %dma_wait3A_27 = tpu.memref_slice %arg4[%mul3A_2] : memref<4096xi32, #tpu.memory_space<hbm>> -> memref<128xi32, #tpu.memory_space<hbm>>
    tpu.wait_dma2 semaphore(%arg14 : memref<!tpu.dma_semaphore, #tpu.memory_space<semaphore_mem>>) src(%dma_wait3A_27 : memref<128xi32, #tpu.memory_space<hbm>>) dst(%arg6 : memref<128xi32, #tpu.memory_space<vmem>>)
    tpu.wait_dma2 semaphore(%arg15 : memref<!tpu.dma_semaphore, #tpu.memory_space<semaphore_mem>>) src(%arg3 : memref<4x1024xf32, #tpu.memory_space<hbm>>) dst(%arg7 : memref<4x1024xf32, #tpu.memory_space<vmem>>)
    %iota3A = tpu.iota {dimensions = array<i32: 0>} : vector<16xi32>
    %scan3A = arith.constant 0 : i32
    %scan3A_28 = arith.constant 0 : i32
    %scan3A_29 = arith.constant 5 : i32
    %scan3A_30 = arith.addi %scan3A_28, %scan3A_29 : i32
    %scan3A_31 = arith.constant 1 : i32
    %scan3A_32 = scf.for %scan3A_118 = %scan3A_28 to %scan3A_30 step %scan3A_31 iter_args(%scan3A_119 = %scan3A) -> (i32)  : i32 {
      %mul3A_120 = arith.constant 3 : i32
      %mul3A_121 = arith.muli %scan3A_118, %mul3A_120 : i32
      %add3A_122 = arith.constant 0 : i32
      %add3A_123 = arith.addi %mul3A_121, %add3A_122 : i32
      %max3A_124 = arith.constant 0 : i32
      %max3A_125 = arith.maxsi %add3A_123, %max3A_124 : i32
      %mul3A_126 = arith.constant 8 : i32
      %mul3A_127 = arith.muli %max3A_125, %mul3A_126 : i32
      %add3A_128 = arith.addi %mul3A_2, %mul3A_127 : i32
      %dma_wait3A_129 = arith.constant 0 : i32
      %dma_wait3A_130 = arith.constant 0 : i32
      %dma_wait3A_131 = tpu.memref_slice %arg2[%add3A_128, %dma_wait3A_129, %dma_wait3A_130] : memref<4096x4x1024xf32, #tpu.memory_space<hbm>> -> memref<8x4x1024xf32, #tpu.memory_space<hbm>>
      %dma_wait3A_132 = arith.constant 0 : i32
      %dma_wait3A_133 = arith.constant 0 : i32
      %dma_wait3A_134 = tpu.memref_slice %arg2[%add3A_128, %dma_wait3A_132, %dma_wait3A_133] : memref<4096x4x1024xf32, #tpu.memory_space<hbm>> -> memref<8x4x1024xf32, #tpu.memory_space<hbm>>
      tpu.wait_dma2 semaphore(%arg11 : memref<!tpu.dma_semaphore, #tpu.memory_space<semaphore_mem>>) src(%dma_wait3A_134 : memref<8x4x1024xf32, #tpu.memory_space<hbm>>) dst(%arg8 : memref<8x4x1024xf32, #tpu.memory_space<vmem>>)
      %mul3A_135 = arith.constant 8 : i32
      %mul3A_136 = arith.muli %add3A_123, %mul3A_135 : i32
      %add3A_137 = arith.constant 0 : i32
      %add3A_138 = arith.addi %mul3A_136, %add3A_137 : i32
      %broadcast_in_dim3A_139 = vector.broadcast %add3A_138 : i32 to vector<16xi32>
      %gather3A_140 = tpu.vector_load_idx %arg6[%broadcast_in_dim3A_139] : memref<128xi32, #tpu.memory_space<vmem>>[vector<16xi32>], vector<16xi32>,
      %mul3A_141 = arith.constant 8 : i32
      %mul3A_142 = arith.muli %add3A_123, %mul3A_141 : i32
      %add3A_143 = arith.constant 1 : i32
      %add3A_144 = arith.addi %mul3A_142, %add3A_143 : i32
      %broadcast_in_dim3A_145 = vector.broadcast %add3A_144 : i32 to vector<16xi32>
      %gather3A_146 = tpu.vector_load_idx %arg6[%broadcast_in_dim3A_145] : memref<128xi32, #tpu.memory_space<vmem>>[vector<16xi32>], vector<16xi32>,
      %mul3A_147 = arith.constant 8 : i32
      %mul3A_148 = arith.muli %add3A_123, %mul3A_147 : i32
      %add3A_149 = arith.constant 2 : i32
      %add3A_150 = arith.addi %mul3A_148, %add3A_149 : i32
      %broadcast_in_dim3A_151 = vector.broadcast %add3A_150 : i32 to vector<16xi32>
      %gather3A_152 = tpu.vector_load_idx %arg6[%broadcast_in_dim3A_151] : memref<128xi32, #tpu.memory_space<vmem>>[vector<16xi32>], vector<16xi32>,
      %mul3A_153 = arith.constant 8 : i32
      %mul3A_154 = arith.muli %add3A_123, %mul3A_153 : i32
      %add3A_155 = arith.constant 3 : i32
      %add3A_156 = arith.addi %mul3A_154, %add3A_155 : i32
      %broadcast_in_dim3A_157 = vector.broadcast %add3A_156 : i32 to vector<16xi32>
      %gather3A_158 = tpu.vector_load_idx %arg6[%broadcast_in_dim3A_157] : memref<128xi32, #tpu.memory_space<vmem>>[vector<16xi32>], vector<16xi32>,
      %mul3A_159 = arith.constant 8 : i32
      %mul3A_160 = arith.muli %add3A_123, %mul3A_159 : i32
      %add3A_161 = arith.constant 4 : i32
      %add3A_162 = arith.addi %mul3A_160, %add3A_161 : i32
      %broadcast_in_dim3A_163 = vector.broadcast %add3A_162 : i32 to vector<16xi32>
      %gather3A_164 = tpu.vector_load_idx %arg6[%broadcast_in_dim3A_163] : memref<128xi32, #tpu.memory_space<vmem>>[vector<16xi32>], vector<16xi32>,
      %mul3A_165 = arith.constant 8 : i32
      %mul3A_166 = arith.muli %add3A_123, %mul3A_165 : i32
      %add3A_167 = arith.constant 5 : i32
      %add3A_168 = arith.addi %mul3A_166, %add3A_167 : i32
      %broadcast_in_dim3A_169 = vector.broadcast %add3A_168 : i32 to vector<16xi32>
      %gather3A_170 = tpu.vector_load_idx %arg6[%broadcast_in_dim3A_169] : memref<128xi32, #tpu.memory_space<vmem>>[vector<16xi32>], vector<16xi32>,
      %mul3A_171 = arith.constant 8 : i32
      %mul3A_172 = arith.muli %add3A_123, %mul3A_171 : i32
      %add3A_173 = arith.constant 6 : i32
      %add3A_174 = arith.addi %mul3A_172, %add3A_173 : i32
      %broadcast_in_dim3A_175 = vector.broadcast %add3A_174 : i32 to vector<16xi32>
      %gather3A_176 = tpu.vector_load_idx %arg6[%broadcast_in_dim3A_175] : memref<128xi32, #tpu.memory_space<vmem>>[vector<16xi32>], vector<16xi32>,
      %mul3A_177 = arith.constant 8 : i32
      %mul3A_178 = arith.muli %add3A_123, %mul3A_177 : i32
      %add3A_179 = arith.constant 7 : i32
      %add3A_180 = arith.addi %mul3A_178, %add3A_179 : i32
      %broadcast_in_dim3A_181 = vector.broadcast %add3A_180 : i32 to vector<16xi32>
      %gather3A_182 = tpu.vector_load_idx %arg6[%broadcast_in_dim3A_181] : memref<128xi32, #tpu.memory_space<vmem>>[vector<16xi32>], vector<16xi32>,
      %parallel_loop3A_183 = arith.constant 0 : i32
      %parallel_loop3A_184 = arith.constant 64 : i32
      %parallel_loop3A_185 = arith.constant 1 : i32
      scf.for %parallel_loop3A_370 = %parallel_loop3A_183 to %parallel_loop3A_184 step %parallel_loop3A_185  : i32 {
        %parallel_loop3A_371 = arith.constant 16 : i32
        %parallel_loop3A_372 = arith.muli %parallel_loop3A_370, %parallel_loop3A_371 : i32
        %parallel_loop3A_373 = vector.broadcast %parallel_loop3A_372 : i32 to vector<16xi32>
        %parallel_loop3A_374 = arith.addi %parallel_loop3A_373, %iota3A : vector<16xi32>
        %parallel_loop3A_375 = tpu.vector_load_idx %arg7[%gather3A_140, %parallel_loop3A_374] : memref<4x1024xf32, #tpu.memory_space<vmem>>[vector<16xi32>, vector<16xi32>], vector<16xf32>,
        %parallel_loop3A_376 = arith.constant 16 : i32
        %parallel_loop3A_377 = arith.muli %parallel_loop3A_370, %parallel_loop3A_376 : i32
        %parallel_loop3A_378 = arith.constant 0 : i32
        %parallel_loop3A_379 = arith.constant 0 : i32
        %parallel_loop3A_380 = arith.index_cast %parallel_loop3A_378 : i32 to index
        %parallel_loop3A_381 = arith.index_cast %parallel_loop3A_379 : i32 to index
        %parallel_loop3A_382 = arith.index_cast %parallel_loop3A_377 : i32 to index
        %parallel_loop3A_383 = tpu.vector_load %arg8[%parallel_loop3A_380, %parallel_loop3A_381, %parallel_loop3A_382] {strides = array<i32>} : memref<8x4x1024xf32, #tpu.memory_space<vmem>>, vector<16xf32>,
        tpu.vector_store %arg8[%parallel_loop3A_380, %parallel_loop3A_381, %parallel_loop3A_382], %parallel_loop3A_375 {add = true, strides = array<i32>} : memref<8x4x1024xf32, #tpu.memory_space<vmem>>, vector<16xf32>,
        %parallel_loop3A_384 = arith.constant 16 : i32
        %parallel_loop3A_385 = arith.muli %parallel_loop3A_370, %parallel_loop3A_384 : i32
        %parallel_loop3A_386 = arith.constant 0 : i32
        %parallel_loop3A_387 = arith.constant 1 : i32
        %parallel_loop3A_388 = arith.index_cast %parallel_loop3A_386 : i32 to index
        %parallel_loop3A_389 = arith.index_cast %parallel_loop3A_387 : i32 to index
        %parallel_loop3A_390 = arith.index_cast %parallel_loop3A_385 : i32 to index
        %parallel_loop3A_391 = tpu.vector_load %arg8[%parallel_loop3A_388, %parallel_loop3A_389, %parallel_loop3A_390] {strides = array<i32>} : memref<8x4x1024xf32, #tpu.memory_space<vmem>>, vector<16xf32>,
        tpu.vector_store %arg8[%parallel_loop3A_388, %parallel_loop3A_389, %parallel_loop3A_390], %parallel_loop3A_375 {add = true, strides = array<i32>} : memref<8x4x1024xf32, #tpu.memory_space<vmem>>, vector<16xf32>,
        %parallel_loop3A_392 = arith.constant 16 : i32
        %parallel_loop3A_393 = arith.muli %parallel_loop3A_370, %parallel_loop3A_392 : i32
        %parallel_loop3A_394 = arith.constant 0 : i32
        %parallel_loop3A_395 = arith.constant 2 : i32
        %parallel_loop3A_396 = arith.index_cast %parallel_loop3A_394 : i32 to index
        %parallel_loop3A_397 = arith.index_cast %parallel_loop3A_395 : i32 to index
        %parallel_loop3A_398 = arith.index_cast %parallel_loop3A_393 : i32 to index
        %parallel_loop3A_399 = tpu.vector_load %arg8[%parallel_loop3A_396, %parallel_loop3A_397, %parallel_loop3A_398] {strides = array<i32>} : memref<8x4x1024xf32, #tpu.memory_space<vmem>>, vector<16xf32>,
        tpu.vector_store %arg8[%parallel_loop3A_396, %parallel_loop3A_397, %parallel_loop3A_398], %parallel_loop3A_375 {add = true, strides = array<i32>} : memref<8x4x1024xf32, #tpu.memory_space<vmem>>, vector<16xf32>,
        %parallel_loop3A_400 = arith.constant 16 : i32
        %parallel_loop3A_401 = arith.muli %parallel_loop3A_370, %parallel_loop3A_400 : i32
        %parallel_loop3A_402 = arith.constant 0 : i32
        %parallel_loop3A_403 = arith.constant 3 : i32
        %parallel_loop3A_404 = arith.index_cast %parallel_loop3A_402 : i32 to index
        %parallel_loop3A_405 = arith.index_cast %parallel_loop3A_403 : i32 to index
        %parallel_loop3A_406 = arith.index_cast %parallel_loop3A_401 : i32 to index
        %parallel_loop3A_407 = tpu.vector_load %arg8[%parallel_loop3A_404, %parallel_loop3A_405, %parallel_loop3A_406] {strides = array<i32>} : memref<8x4x1024xf32, #tpu.memory_space<vmem>>, vector<16xf32>,
        tpu.vector_store %arg8[%parallel_loop3A_404, %parallel_loop3A_405, %parallel_loop3A_406], %parallel_loop3A_375 {add = true, strides = array<i32>} : memref<8x4x1024xf32, #tpu.memory_space<vmem>>, vector<16xf32>,
        %parallel_loop3A_408 = tpu.vector_load_idx %arg7[%gather3A_146, %parallel_loop3A_374] : memref<4x1024xf32, #tpu.memory_space<vmem>>[vector<16xi32>, vector<16xi32>], vector<16xf32>,
        %parallel_loop3A_409 = arith.constant 16 : i32
        %parallel_loop3A_410 = arith.muli %parallel_loop3A_370, %parallel_loop3A_409 : i32
        %parallel_loop3A_411 = arith.constant 1 : i32
        %parallel_loop3A_412 = arith.constant 0 : i32
        %parallel_loop3A_413 = arith.index_cast %parallel_loop3A_411 : i32 to index
        %parallel_loop3A_414 = arith.index_cast %parallel_loop3A_412 : i32 to index
        %parallel_loop3A_415 = arith.index_cast %parallel_loop3A_410 : i32 to index
        %parallel_loop3A_416 = tpu.vector_load %arg8[%parallel_loop3A_413, %parallel_loop3A_414, %parallel_loop3A_415] {strides = array<i32>} : memref<8x4x1024xf32, #tpu.memory_space<vmem>>, vector<16xf32>,
        tpu.vector_store %arg8[%parallel_loop3A_413, %parallel_loop3A_414, %parallel_loop3A_415], %parallel_loop3A_408 {add = true, strides = array<i32>} : memref<8x4x1024xf32, #tpu.memory_space<vmem>>, vector<16xf32>,
        %parallel_loop3A_417 = arith.constant 16 : i32
        %parallel_loop3A_418 = arith.muli %parallel_loop3A_370, %parallel_loop3A_417 : i32
        %parallel_loop3A_419 = arith.constant 1 : i32
        %parallel_loop3A_420 = arith.constant 1 : i32
        %parallel_loop3A_421 = arith.index_cast %parallel_loop3A_419 : i32 to index
        %parallel_loop3A_422 = arith.index_cast %parallel_loop3A_420 : i32 to index
        %parallel_loop3A_423 = arith.index_cast %parallel_loop3A_418 : i32 to index
        %parallel_loop3A_424 = tpu.vector_load %arg8[%parallel_loop3A_421, %parallel_loop3A_422, %parallel_loop3A_423] {strides = array<i32>} : memref<8x4x1024xf32, #tpu.memory_space<vmem>>, vector<16xf32>,
        tpu.vector_store %arg8[%parallel_loop3A_421, %parallel_loop3A_422, %parallel_loop3A_423], %parallel_loop3A_408 {add = true, strides = array<i32>} : memref<8x4x1024xf32, #tpu.memory_space<vmem>>, vector<16xf32>,
        %parallel_loop3A_425 = arith.constant 16 : i32
        %parallel_loop3A_426 = arith.muli %parallel_loop3A_370, %parallel_loop3A_425 : i32
        %parallel_loop3A_427 = arith.constant 1 : i32
        %parallel_loop3A_428 = arith.constant 2 : i32
        %parallel_loop3A_429 = arith.index_cast %parallel_loop3A_427 : i32 to index
        %parallel_loop3A_430 = arith.index_cast %parallel_loop3A_428 : i32 to index
        %parallel_loop3A_431 = arith.index_cast %parallel_loop3A_426 : i32 to index
        %parallel_loop3A_432 = tpu.vector_load %arg8[%parallel_loop3A_429, %parallel_loop3A_430, %parallel_loop3A_431] {strides = array<i32>} : memref<8x4x1024xf32, #tpu.memory_space<vmem>>, vector<16xf32>,
        tpu.vector_store %arg8[%parallel_loop3A_429, %parallel_loop3A_430, %parallel_loop3A_431], %parallel_loop3A_408 {add = true, strides = array<i32>} : memref<8x4x1024xf32, #tpu.memory_space<vmem>>, vector<16xf32>,
        %parallel_loop3A_433 = arith.constant 16 : i32
        %parallel_loop3A_434 = arith.muli %parallel_loop3A_370, %parallel_loop3A_433 : i32
        %parallel_loop3A_435 = arith.constant 1 : i32
        %parallel_loop3A_436 = arith.constant 3 : i32
        %parallel_loop3A_437 = arith.index_cast %parallel_loop3A_435 : i32 to index
        %parallel_loop3A_438 = arith.index_cast %parallel_loop3A_436 : i32 to index
        %parallel_loop3A_439 = arith.index_cast %parallel_loop3A_434 : i32 to index
        %parallel_loop3A_440 = tpu.vector_load %arg8[%parallel_loop3A_437, %parallel_loop3A_438, %parallel_loop3A_439] {strides = array<i32>} : memref<8x4x1024xf32, #tpu.memory_space<vmem>>, vector<16xf32>,
        tpu.vector_store %arg8[%parallel_loop3A_437, %parallel_loop3A_438, %parallel_loop3A_439], %parallel_loop3A_408 {add = true, strides = array<i32>} : memref<8x4x1024xf32, #tpu.memory_space<vmem>>, vector<16xf32>,
        %parallel_loop3A_441 = tpu.vector_load_idx %arg7[%gather3A_152, %parallel_loop3A_374] : memref<4x1024xf32, #tpu.memory_space<vmem>>[vector<16xi32>, vector<16xi32>], vector<16xf32>,
        %parallel_loop3A_442 = arith.constant 16 : i32
        %parallel_loop3A_443 = arith.muli %parallel_loop3A_370, %parallel_loop3A_442 : i32
        %parallel_loop3A_444 = arith.constant 2 : i32
        %parallel_loop3A_445 = arith.constant 0 : i32
        %parallel_loop3A_446 = arith.index_cast %parallel_loop3A_444 : i32 to index
        %parallel_loop3A_447 = arith.index_cast %parallel_loop3A_445 : i32 to index
        %parallel_loop3A_448 = arith.index_cast %parallel_loop3A_443 : i32 to index
        %parallel_loop3A_449 = tpu.vector_load %arg8[%parallel_loop3A_446, %parallel_loop3A_447, %parallel_loop3A_448] {strides = array<i32>} : memref<8x4x1024xf32, #tpu.memory_space<vmem>>, vector<16xf32>,
        tpu.vector_store %arg8[%parallel_loop3A_446, %parallel_loop3A_447, %parallel_loop3A_448], %parallel_loop3A_441 {add = true, strides = array<i32>} : memref<8x4x1024xf32, #tpu.memory_space<vmem>>, vector<16xf32>,
        %parallel_loop3A_450 = arith.constant 16 : i32
        %parallel_loop3A_451 = arith.muli %parallel_loop3A_370, %parallel_loop3A_450 : i32
        %parallel_loop3A_452 = arith.constant 2 : i32
        %parallel_loop3A_453 = arith.constant 1 : i32
        %parallel_loop3A_454 = arith.index_cast %parallel_loop3A_452 : i32 to index
        %parallel_loop3A_455 = arith.index_cast %parallel_loop3A_453 : i32 to index
        %parallel_loop3A_456 = arith.index_cast %parallel_loop3A_451 : i32 to index
        %parallel_loop3A_457 = tpu.vector_load %arg8[%parallel_loop3A_454, %parallel_loop3A_455, %parallel_loop3A_456] {strides = array<i32>} : memref<8x4x1024xf32, #tpu.memory_space<vmem>>, vector<16xf32>,
        tpu.vector_store %arg8[%parallel_loop3A_454, %parallel_loop3A_455, %parallel_loop3A_456], %parallel_loop3A_441 {add = true, strides = array<i32>} : memref<8x4x1024xf32, #tpu.memory_space<vmem>>, vector<16xf32>,
        %parallel_loop3A_458 = arith.constant 16 : i32
        %parallel_loop3A_459 = arith.muli %parallel_loop3A_370, %parallel_loop3A_458 : i32
        %parallel_loop3A_460 = arith.constant 2 : i32
        %parallel_loop3A_461 = arith.constant 2 : i32
        %parallel_loop3A_462 = arith.index_cast %parallel_loop3A_460 : i32 to index
        %parallel_loop3A_463 = arith.index_cast %parallel_loop3A_461 : i32 to index
        %parallel_loop3A_464 = arith.index_cast %parallel_loop3A_459 : i32 to index
        %parallel_loop3A_465 = tpu.vector_load %arg8[%parallel_loop3A_462, %parallel_loop3A_463, %parallel_loop3A_464] {strides = array<i32>} : memref<8x4x1024xf32, #tpu.memory_space<vmem>>, vector<16xf32>,
        tpu.vector_store %arg8[%parallel_loop3A_462, %parallel_loop3A_463, %parallel_loop3A_464], %parallel_loop3A_441 {add = true, strides = array<i32>} : memref<8x4x1024xf32, #tpu.memory_space<vmem>>, vector<16xf32>,
        %parallel_loop3A_466 = arith.constant 16 : i32
        %parallel_loop3A_467 = arith.muli %parallel_loop3A_370, %parallel_loop3A_466 : i32
        %parallel_loop3A_468 = arith.constant 2 : i32
        %parallel_loop3A_469 = arith.constant 3 : i32
        %parallel_loop3A_470 = arith.index_cast %parallel_loop3A_468 : i32 to index
        %parallel_loop3A_471 = arith.index_cast %parallel_loop3A_469 : i32 to index
        %parallel_loop3A_472 = arith.index_cast %parallel_loop3A_467 : i32 to index
        %parallel_loop3A_473 = tpu.vector_load %arg8[%parallel_loop3A_470, %parallel_loop3A_471, %parallel_loop3A_472] {strides = array<i32>} : memref<8x4x1024xf32, #tpu.memory_space<vmem>>, vector<16xf32>,
        tpu.vector_store %arg8[%parallel_loop3A_470, %parallel_loop3A_471, %parallel_loop3A_472], %parallel_loop3A_441 {add = true, strides = array<i32>} : memref<8x4x1024xf32, #tpu.memory_space<vmem>>, vector<16xf32>,
        %parallel_loop3A_474 = tpu.vector_load_idx %arg7[%gather3A_158, %parallel_loop3A_374] : memref<4x1024xf32, #tpu.memory_space<vmem>>[vector<16xi32>, vector<16xi32>], vector<16xf32>,
        %parallel_loop3A_475 = arith.constant 16 : i32
        %parallel_loop3A_476 = arith.muli %parallel_loop3A_370, %parallel_loop3A_475 : i32
        %parallel_loop3A_477 = arith.constant 3 : i32
        %parallel_loop3A_478 = arith.constant 0 : i32
        %parallel_loop3A_479 = arith.index_cast %parallel_loop3A_477 : i32 to index
        %parallel_loop3A_480 = arith.index_cast %parallel_loop3A_478 : i32 to index
        %parallel_loop3A_481 = arith.index_cast %parallel_loop3A_476 : i32 to index
        %parallel_loop3A_482 = tpu.vector_load %arg8[%parallel_loop3A_479, %parallel_loop3A_480, %parallel_loop3A_481] {strides = array<i32>} : memref<8x4x1024xf32, #tpu.memory_space<vmem>>, vector<16xf32>,
        tpu.vector_store %arg8[%parallel_loop3A_479, %parallel_loop3A_480, %parallel_loop3A_481], %parallel_loop3A_474 {add = true, strides = array<i32>} : memref<8x4x1024xf32, #tpu.memory_space<vmem>>, vector<16xf32>,
        %parallel_loop3A_483 = arith.constant 16 : i32
        %parallel_loop3A_484 = arith.muli %parallel_loop3A_370, %parallel_loop3A_483 : i32
        %parallel_loop3A_485 = arith.constant 3 : i32
        %parallel_loop3A_486 = arith.constant 1 : i32
        %parallel_loop3A_487 = arith.index_cast %parallel_loop3A_485 : i32 to index
        %parallel_loop3A_488 = arith.index_cast %parallel_loop3A_486 : i32 to index
        %parallel_loop3A_489 = arith.index_cast %parallel_loop3A_484 : i32 to index
        %parallel_loop3A_490 = tpu.vector_load %arg8[%parallel_loop3A_487, %parallel_loop3A_488, %parallel_loop3A_489] {strides = array<i32>} : memref<8x4x1024xf32, #tpu.memory_space<vmem>>, vector<16xf32>,
        tpu.vector_store %arg8[%parallel_loop3A_487, %parallel_loop3A_488, %parallel_loop3A_489], %parallel_loop3A_474 {add = true, strides = array<i32>} : memref<8x4x1024xf32, #tpu.memory_space<vmem>>, vector<16xf32>,
        %parallel_loop3A_491 = arith.constant 16 : i32
        %parallel_loop3A_492 = arith.muli %parallel_loop3A_370, %parallel_loop3A_491 : i32
        %parallel_loop3A_493 = arith.constant 3 : i32
        %parallel_loop3A_494 = arith.constant 2 : i32
        %parallel_loop3A_495 = arith.index_cast %parallel_loop3A_493 : i32 to index
        %parallel_loop3A_496 = arith.index_cast %parallel_loop3A_494 : i32 to index
        %parallel_loop3A_497 = arith.index_cast %parallel_loop3A_492 : i32 to index
        %parallel_loop3A_498 = tpu.vector_load %arg8[%parallel_loop3A_495, %parallel_loop3A_496, %parallel_loop3A_497] {strides = array<i32>} : memref<8x4x1024xf32, #tpu.memory_space<vmem>>, vector<16xf32>,
        tpu.vector_store %arg8[%parallel_loop3A_495, %parallel_loop3A_496, %parallel_loop3A_497], %parallel_loop3A_474 {add = true, strides = array<i32>} : memref<8x4x1024xf32, #tpu.memory_space<vmem>>, vector<16xf32>,
        %parallel_loop3A_499 = arith.constant 16 : i32
        %parallel_loop3A_500 = arith.muli %parallel_loop3A_370, %parallel_loop3A_499 : i32
        %parallel_loop3A_501 = arith.constant 3 : i32
        %parallel_loop3A_502 = arith.constant 3 : i32
        %parallel_loop3A_503 = arith.index_cast %parallel_loop3A_501 : i32 to index
        %parallel_loop3A_504 = arith.index_cast %parallel_loop3A_502 : i32 to index
        %parallel_loop3A_505 = arith.index_cast %parallel_loop3A_500 : i32 to index
        %parallel_loop3A_506 = tpu.vector_load %arg8[%parallel_loop3A_503, %parallel_loop3A_504, %parallel_loop3A_505] {strides = array<i32>} : memref<8x4x1024xf32, #tpu.memory_space<vmem>>, vector<16xf32>,
        tpu.vector_store %arg8[%parallel_loop3A_503, %parallel_loop3A_504, %parallel_loop3A_505], %parallel_loop3A_474 {add = true, strides = array<i32>} : memref<8x4x1024xf32, #tpu.memory_space<vmem>>, vector<16xf32>,
        %parallel_loop3A_507 = tpu.vector_load_idx %arg7[%gather3A_164, %parallel_loop3A_374] : memref<4x1024xf32, #tpu.memory_space<vmem>>[vector<16xi32>, vector<16xi32>], vector<16xf32>,
        %parallel_loop3A_508 = arith.constant 16 : i32
        %parallel_loop3A_509 = arith.muli %parallel_loop3A_370, %parallel_loop3A_508 : i32
        %parallel_loop3A_510 = arith.constant 4 : i32
        %parallel_loop3A_511 = arith.constant 0 : i32
        %parallel_loop3A_512 = arith.index_cast %parallel_loop3A_510 : i32 to index
        %parallel_loop3A_513 = arith.index_cast %parallel_loop3A_511 : i32 to index
        %parallel_loop3A_514 = arith.index_cast %parallel_loop3A_509 : i32 to index
        %parallel_loop3A_515 = tpu.vector_load %arg8[%parallel_loop3A_512, %parallel_loop3A_513, %parallel_loop3A_514] {strides = array<i32>} : memref<8x4x1024xf32, #tpu.memory_space<vmem>>, vector<16xf32>,
        tpu.vector_store %arg8[%parallel_loop3A_512, %parallel_loop3A_513, %parallel_loop3A_514], %parallel_loop3A_507 {add = true, strides = array<i32>} : memref<8x4x1024xf32, #tpu.memory_space<vmem>>, vector<16xf32>,
        %parallel_loop3A_516 = arith.constant 16 : i32
        %parallel_loop3A_517 = arith.muli %parallel_loop3A_370, %parallel_loop3A_516 : i32
        %parallel_loop3A_518 = arith.constant 4 : i32
        %parallel_loop3A_519 = arith.constant 1 : i32
        %parallel_loop3A_520 = arith.index_cast %parallel_loop3A_518 : i32 to index
        %parallel_loop3A_521 = arith.index_cast %parallel_loop3A_519 : i32 to index
        %parallel_loop3A_522 = arith.index_cast %parallel_loop3A_517 : i32 to index
        %parallel_loop3A_523 = tpu.vector_load %arg8[%parallel_loop3A_520, %parallel_loop3A_521, %parallel_loop3A_522] {strides = array<i32>} : memref<8x4x1024xf32, #tpu.memory_space<vmem>>, vector<16xf32>,
        tpu.vector_store %arg8[%parallel_loop3A_520, %parallel_loop3A_521, %parallel_loop3A_522], %parallel_loop3A_507 {add = true, strides = array<i32>} : memref<8x4x1024xf32, #tpu.memory_space<vmem>>, vector<16xf32>,
        %parallel_loop3A_524 = arith.constant 16 : i32
        %parallel_loop3A_525 = arith.muli %parallel_loop3A_370, %parallel_loop3A_524 : i32
        %parallel_loop3A_526 = arith.constant 4 : i32
        %parallel_loop3A_527 = arith.constant 2 : i32
        %parallel_loop3A_528 = arith.index_cast %parallel_loop3A_526 : i32 to index
        %parallel_loop3A_529 = arith.index_cast %parallel_loop3A_527 : i32 to index
        %parallel_loop3A_530 = arith.index_cast %parallel_loop3A_525 : i32 to index
        %parallel_loop3A_531 = tpu.vector_load %arg8[%parallel_loop3A_528, %parallel_loop3A_529, %parallel_loop3A_530] {strides = array<i32>} : memref<8x4x1024xf32, #tpu.memory_space<vmem>>, vector<16xf32>,
        tpu.vector_store %arg8[%parallel_loop3A_528, %parallel_loop3A_529, %parallel_loop3A_530], %parallel_loop3A_507 {add = true, strides = array<i32>} : memref<8x4x1024xf32, #tpu.memory_space<vmem>>, vector<16xf32>,
        %parallel_loop3A_532 = arith.constant 16 : i32
        %parallel_loop3A_533 = arith.muli %parallel_loop3A_370, %parallel_loop3A_532 : i32
        %parallel_loop3A_534 = arith.constant 4 : i32
        %parallel_loop3A_535 = arith.constant 3 : i32
        %parallel_loop3A_536 = arith.index_cast %parallel_loop3A_534 : i32 to index
        %parallel_loop3A_537 = arith.index_cast %parallel_loop3A_535 : i32 to index
        %parallel_loop3A_538 = arith.index_cast %parallel_loop3A_533 : i32 to index
        %parallel_loop3A_539 = tpu.vector_load %arg8[%parallel_loop3A_536, %parallel_loop3A_537, %parallel_loop3A_538] {strides = array<i32>} : memref<8x4x1024xf32, #tpu.memory_space<vmem>>, vector<16xf32>,
        tpu.vector_store %arg8[%parallel_loop3A_536, %parallel_loop3A_537, %parallel_loop3A_538], %parallel_loop3A_507 {add = true, strides = array<i32>} : memref<8x4x1024xf32, #tpu.memory_space<vmem>>, vector<16xf32>,
        %parallel_loop3A_540 = tpu.vector_load_idx %arg7[%gather3A_170, %parallel_loop3A_374] : memref<4x1024xf32, #tpu.memory_space<vmem>>[vector<16xi32>, vector<16xi32>], vector<16xf32>,
        %parallel_loop3A_541 = arith.constant 16 : i32
        %parallel_loop3A_542 = arith.muli %parallel_loop3A_370, %parallel_loop3A_541 : i32
        %parallel_loop3A_543 = arith.constant 5 : i32
        %parallel_loop3A_544 = arith.constant 0 : i32
        %parallel_loop3A_545 = arith.index_cast %parallel_loop3A_543 : i32 to index
        %parallel_loop3A_546 = arith.index_cast %parallel_loop3A_544 : i32 to index
        %parallel_loop3A_547 = arith.index_cast %parallel_loop3A_542 : i32 to index
        %parallel_loop3A_548 = tpu.vector_load %arg8[%parallel_loop3A_545, %parallel_loop3A_546, %parallel_loop3A_547] {strides = array<i32>} : memref<8x4x1024xf32, #tpu.memory_space<vmem>>, vector<16xf32>,
        tpu.vector_store %arg8[%parallel_loop3A_545, %parallel_loop3A_546, %parallel_loop3A_547], %parallel_loop3A_540 {add = true, strides = array<i32>} : memref<8x4x1024xf32, #tpu.memory_space<vmem>>, vector<16xf32>,
        %parallel_loop3A_549 = arith.constant 16 : i32
        %parallel_loop3A_550 = arith.muli %parallel_loop3A_370, %parallel_loop3A_549 : i32
        %parallel_loop3A_551 = arith.constant 5 : i32
        %parallel_loop3A_552 = arith.constant 1 : i32
        %parallel_loop3A_553 = arith.index_cast %parallel_loop3A_551 : i32 to index
        %parallel_loop3A_554 = arith.index_cast %parallel_loop3A_552 : i32 to index
        %parallel_loop3A_555 = arith.index_cast %parallel_loop3A_550 : i32 to index
        %parallel_loop3A_556 = tpu.vector_load %arg8[%parallel_loop3A_553, %parallel_loop3A_554, %parallel_loop3A_555] {strides = array<i32>} : memref<8x4x1024xf32, #tpu.memory_space<vmem>>, vector<16xf32>,
        tpu.vector_store %arg8[%parallel_loop3A_553, %parallel_loop3A_554, %parallel_loop3A_555], %parallel_loop3A_540 {add = true, strides = array<i32>} : memref<8x4x1024xf32, #tpu.memory_space<vmem>>, vector<16xf32>,
        %parallel_loop3A_557 = arith.constant 16 : i32
        %parallel_loop3A_558 = arith.muli %parallel_loop3A_370, %parallel_loop3A_557 : i32
        %parallel_loop3A_559 = arith.constant 5 : i32
        %parallel_loop3A_560 = arith.constant 2 : i32
        %parallel_loop3A_561 = arith.index_cast %parallel_loop3A_559 : i32 to index
        %parallel_loop3A_562 = arith.index_cast %parallel_loop3A_560 : i32 to index
        %parallel_loop3A_563 = arith.index_cast %parallel_loop3A_558 : i32 to index
        %parallel_loop3A_564 = tpu.vector_load %arg8[%parallel_loop3A_561, %parallel_loop3A_562, %parallel_loop3A_563] {strides = array<i32>} : memref<8x4x1024xf32, #tpu.memory_space<vmem>>, vector<16xf32>,
        tpu.vector_store %arg8[%parallel_loop3A_561, %parallel_loop3A_562, %parallel_loop3A_563], %parallel_loop3A_540 {add = true, strides = array<i32>} : memref<8x4x1024xf32, #tpu.memory_space<vmem>>, vector<16xf32>,
        %parallel_loop3A_565 = arith.constant 16 : i32
        %parallel_loop3A_566 = arith.muli %parallel_loop3A_370, %parallel_loop3A_565 : i32
        %parallel_loop3A_567 = arith.constant 5 : i32
        %parallel_loop3A_568 = arith.constant 3 : i32
        %parallel_loop3A_569 = arith.index_cast %parallel_loop3A_567 : i32 to index
        %parallel_loop3A_570 = arith.index_cast %parallel_loop3A_568 : i32 to index
        %parallel_loop3A_571 = arith.index_cast %parallel_loop3A_566 : i32 to index
        %parallel_loop3A_572 = tpu.vector_load %arg8[%parallel_loop3A_569, %parallel_loop3A_570, %parallel_loop3A_571] {strides = array<i32>} : memref<8x4x1024xf32, #tpu.memory_space<vmem>>, vector<16xf32>,
        tpu.vector_store %arg8[%parallel_loop3A_569, %parallel_loop3A_570, %parallel_loop3A_571], %parallel_loop3A_540 {add = true, strides = array<i32>} : memref<8x4x1024xf32, #tpu.memory_space<vmem>>, vector<16xf32>,
        %parallel_loop3A_573 = tpu.vector_load_idx %arg7[%gather3A_176, %parallel_loop3A_374] : memref<4x1024xf32, #tpu.memory_space<vmem>>[vector<16xi32>, vector<16xi32>], vector<16xf32>,
        %parallel_loop3A_574 = arith.constant 16 : i32
        %parallel_loop3A_575 = arith.muli %parallel_loop3A_370, %parallel_loop3A_574 : i32
        %parallel_loop3A_576 = arith.constant 6 : i32
        %parallel_loop3A_577 = arith.constant 0 : i32
        %parallel_loop3A_578 = arith.index_cast %parallel_loop3A_576 : i32 to index
        %parallel_loop3A_579 = arith.index_cast %parallel_loop3A_577 : i32 to index
        %parallel_loop3A_580 = arith.index_cast %parallel_loop3A_575 : i32 to index
        %parallel_loop3A_581 = tpu.vector_load %arg8[%parallel_loop3A_578, %parallel_loop3A_579, %parallel_loop3A_580] {strides = array<i32>} : memref<8x4x1024xf32, #tpu.memory_space<vmem>>, vector<16xf32>,
        tpu.vector_store %arg8[%parallel_loop3A_578, %parallel_loop3A_579, %parallel_loop3A_580], %parallel_loop3A_573 {add = true, strides = array<i32>} : memref<8x4x1024xf32, #tpu.memory_space<vmem>>, vector<16xf32>,
        %parallel_loop3A_582 = arith.constant 16 : i32
        %parallel_loop3A_583 = arith.muli %parallel_loop3A_370, %parallel_loop3A_582 : i32
        %parallel_loop3A_584 = arith.constant 6 : i32
        %parallel_loop3A_585 = arith.constant 1 : i32
        %parallel_loop3A_586 = arith.index_cast %parallel_loop3A_584 : i32 to index
        %parallel_loop3A_587 = arith.index_cast %parallel_loop3A_585 : i32 to index
        %parallel_loop3A_588 = arith.index_cast %parallel_loop3A_583 : i32 to index
        %parallel_loop3A_589 = tpu.vector_load %arg8[%parallel_loop3A_586, %parallel_loop3A_587, %parallel_loop3A_588] {strides = array<i32>} : memref<8x4x1024xf32, #tpu.memory_space<vmem>>, vector<16xf32>,
        tpu.vector_store %arg8[%parallel_loop3A_586, %parallel_loop3A_587, %parallel_loop3A_588], %parallel_loop3A_573 {add = true, strides = array<i32>} : memref<8x4x1024xf32, #tpu.memory_space<vmem>>, vector<16xf32>,
        %parallel_loop3A_590 = arith.constant 16 : i32
        %parallel_loop3A_591 = arith.muli %parallel_loop3A_370, %parallel_loop3A_590 : i32
        %parallel_loop3A_592 = arith.constant 6 : i32
        %parallel_loop3A_593 = arith.constant 2 : i32
        %parallel_loop3A_594 = arith.index_cast %parallel_loop3A_592 : i32 to index
        %parallel_loop3A_595 = arith.index_cast %parallel_loop3A_593 : i32 to index
        %parallel_loop3A_596 = arith.index_cast %parallel_loop3A_591 : i32 to index
        %parallel_loop3A_597 = tpu.vector_load %arg8[%parallel_loop3A_594, %parallel_loop3A_595, %parallel_loop3A_596] {strides = array<i32>} : memref<8x4x1024xf32, #tpu.memory_space<vmem>>, vector<16xf32>,
        tpu.vector_store %arg8[%parallel_loop3A_594, %parallel_loop3A_595, %parallel_loop3A_596], %parallel_loop3A_573 {add = true, strides = array<i32>} : memref<8x4x1024xf32, #tpu.memory_space<vmem>>, vector<16xf32>,
        %parallel_loop3A_598 = arith.constant 16 : i32
        %parallel_loop3A_599 = arith.muli %parallel_loop3A_370, %parallel_loop3A_598 : i32
        %parallel_loop3A_600 = arith.constant 6 : i32
        %parallel_loop3A_601 = arith.constant 3 : i32
        %parallel_loop3A_602 = arith.index_cast %parallel_loop3A_600 : i32 to index
        %parallel_loop3A_603 = arith.index_cast %parallel_loop3A_601 : i32 to index
        %parallel_loop3A_604 = arith.index_cast %parallel_loop3A_599 : i32 to index
        %parallel_loop3A_605 = tpu.vector_load %arg8[%parallel_loop3A_602, %parallel_loop3A_603, %parallel_loop3A_604] {strides = array<i32>} : memref<8x4x1024xf32, #tpu.memory_space<vmem>>, vector<16xf32>,
        tpu.vector_store %arg8[%parallel_loop3A_602, %parallel_loop3A_603, %parallel_loop3A_604], %parallel_loop3A_573 {add = true, strides = array<i32>} : memref<8x4x1024xf32, #tpu.memory_space<vmem>>, vector<16xf32>,
        %parallel_loop3A_606 = tpu.vector_load_idx %arg7[%gather3A_182, %parallel_loop3A_374] : memref<4x1024xf32, #tpu.memory_space<vmem>>[vector<16xi32>, vector<16xi32>], vector<16xf32>,
        %parallel_loop3A_607 = arith.constant 16 : i32
        %parallel_loop3A_608 = arith.muli %parallel_loop3A_370, %parallel_loop3A_607 : i32
        %parallel_loop3A_609 = arith.constant 7 : i32
        %parallel_loop3A_610 = arith.constant 0 : i32
        %parallel_loop3A_611 = arith.index_cast %parallel_loop3A_609 : i32 to index
        %parallel_loop3A_612 = arith.index_cast %parallel_loop3A_610 : i32 to index
        %parallel_loop3A_613 = arith.index_cast %parallel_loop3A_608 : i32 to index
        %parallel_loop3A_614 = tpu.vector_load %arg8[%parallel_loop3A_611, %parallel_loop3A_612, %parallel_loop3A_613] {strides = array<i32>} : memref<8x4x1024xf32, #tpu.memory_space<vmem>>, vector<16xf32>,
        tpu.vector_store %arg8[%parallel_loop3A_611, %parallel_loop3A_612, %parallel_loop3A_613], %parallel_loop3A_606 {add = true, strides = array<i32>} : memref<8x4x1024xf32, #tpu.memory_space<vmem>>, vector<16xf32>,
        %parallel_loop3A_615 = arith.constant 16 : i32
        %parallel_loop3A_616 = arith.muli %parallel_loop3A_370, %parallel_loop3A_615 : i32
        %parallel_loop3A_617 = arith.constant 7 : i32
        %parallel_loop3A_618 = arith.constant 1 : i32
        %parallel_loop3A_619 = arith.index_cast %parallel_loop3A_617 : i32 to index
        %parallel_loop3A_620 = arith.index_cast %parallel_loop3A_618 : i32 to index
        %parallel_loop3A_621 = arith.index_cast %parallel_loop3A_616 : i32 to index
        %parallel_loop3A_622 = tpu.vector_load %arg8[%parallel_loop3A_619, %parallel_loop3A_620, %parallel_loop3A_621] {strides = array<i32>} : memref<8x4x1024xf32, #tpu.memory_space<vmem>>, vector<16xf32>,
        tpu.vector_store %arg8[%parallel_loop3A_619, %parallel_loop3A_620, %parallel_loop3A_621], %parallel_loop3A_606 {add = true, strides = array<i32>} : memref<8x4x1024xf32, #tpu.memory_space<vmem>>, vector<16xf32>,
        %parallel_loop3A_623 = arith.constant 16 : i32
        %parallel_loop3A_624 = arith.muli %parallel_loop3A_370, %parallel_loop3A_623 : i32
        %parallel_loop3A_625 = arith.constant 7 : i32
        %parallel_loop3A_626 = arith.constant 2 : i32
        %parallel_loop3A_627 = arith.index_cast %parallel_loop3A_625 : i32 to index
        %parallel_loop3A_628 = arith.index_cast %parallel_loop3A_626 : i32 to index
        %parallel_loop3A_629 = arith.index_cast %parallel_loop3A_624 : i32 to index
        %parallel_loop3A_630 = tpu.vector_load %arg8[%parallel_loop3A_627, %parallel_loop3A_628, %parallel_loop3A_629] {strides = array<i32>} : memref<8x4x1024xf32, #tpu.memory_space<vmem>>, vector<16xf32>,
        tpu.vector_store %arg8[%parallel_loop3A_627, %parallel_loop3A_628, %parallel_loop3A_629], %parallel_loop3A_606 {add = true, strides = array<i32>} : memref<8x4x1024xf32, #tpu.memory_space<vmem>>, vector<16xf32>,
        %parallel_loop3A_631 = arith.constant 16 : i32
        %parallel_loop3A_632 = arith.muli %parallel_loop3A_370, %parallel_loop3A_631 : i32
        %parallel_loop3A_633 = arith.constant 7 : i32
        %parallel_loop3A_634 = arith.constant 3 : i32
        %parallel_loop3A_635 = arith.index_cast %parallel_loop3A_633 : i32 to index
        %parallel_loop3A_636 = arith.index_cast %parallel_loop3A_634 : i32 to index
        %parallel_loop3A_637 = arith.index_cast %parallel_loop3A_632 : i32 to index
        %parallel_loop3A_638 = tpu.vector_load %arg8[%parallel_loop3A_635, %parallel_loop3A_636, %parallel_loop3A_637] {strides = array<i32>} : memref<8x4x1024xf32, #tpu.memory_space<vmem>>, vector<16xf32>,
        tpu.vector_store %arg8[%parallel_loop3A_635, %parallel_loop3A_636, %parallel_loop3A_637], %parallel_loop3A_606 {add = true, strides = array<i32>} : memref<8x4x1024xf32, #tpu.memory_space<vmem>>, vector<16xf32>,
      } {sc.loop_unroll_factor = 1 : i64, sc.parallel_access}
      %max3A_186 = arith.constant 0 : i32
      %max3A_187 = arith.maxsi %add3A_123, %max3A_186 : i32
      %mul3A_188 = arith.constant 8 : i32
      %mul3A_189 = arith.muli %max3A_187, %mul3A_188 : i32
      %add3A_190 = arith.addi %mul3A_2, %mul3A_189 : i32
      %dma_start3A_191 = arith.constant 0 : i32
      %dma_start3A_192 = arith.constant 0 : i32
      %dma_start3A_193 = tpu.memref_slice %arg5[%add3A_190, %dma_start3A_191, %dma_start3A_192] : memref<4096x4x1024xf32, #tpu.memory_space<hbm>> -> memref<8x4x1024xf32, #tpu.memory_space<hbm>>
      %dma_start3A_194 = arith.constant 0 : i32
      %dma_start3A_195 = arith.constant 0 : i32
      %dma_start3A_196 = tpu.memref_slice %arg5[%add3A_190, %dma_start3A_194, %dma_start3A_195] : memref<4096x4x1024xf32, #tpu.memory_space<hbm>> -> memref<8x4x1024xf32, #tpu.memory_space<hbm>>
      tpu.enqueue_dma source(%arg8 : memref<8x4x1024xf32, #tpu.memory_space<vmem>>) target(%dma_start3A_196 : memref<8x4x1024xf32, #tpu.memory_space<hbm>>) target_semaphore(%arg14 : memref<!tpu.dma_semaphore, #tpu.memory_space<semaphore_mem>>)
      %add3A_197 = arith.constant 2 : i32
      %add3A_198 = arith.addi %add3A_123, %add3A_197 : i32
      %lt3A = arith.constant 16 : i32
      %lt3A_199 = arith.cmpi slt, %add3A_198, %lt3A : i32
      %convert_element_type3A = arith.extui %lt3A_199 : i1 to i32
      %cond3A = arith.constant 0 : i32
      %cond3A_200 = arith.cmpi ne, %convert_element_type3A, %cond3A : i32
      scf.if %cond3A_200 {
        %ge3A = arith.constant 1 : i32
        %ge3A_370 = arith.cmpi sge, %add3A_123, %ge3A : i32
        %convert_element_type3A_371 = arith.extui %ge3A_370 : i1 to i32
        %cond3A_372 = arith.constant 0 : i32
        %cond3A_373 = arith.cmpi ne, %convert_element_type3A_371, %cond3A_372 : i32
        scf.if %cond3A_373 {
          %sub3A = arith.constant 1 : i32
          %sub3A_387 = arith.subi %add3A_123, %sub3A : i32
          %max3A_388 = arith.constant 0 : i32
          %max3A_389 = arith.maxsi %sub3A_387, %max3A_388 : i32
          %mul3A_390 = arith.constant 8 : i32
          %mul3A_391 = arith.muli %max3A_389, %mul3A_390 : i32
          %add3A_392 = arith.addi %mul3A_2, %mul3A_391 : i32
          %dma_wait3A_393 = arith.constant 0 : i32
          %dma_wait3A_394 = arith.constant 0 : i32
          %dma_wait3A_395 = tpu.memref_slice %arg5[%add3A_392, %dma_wait3A_393, %dma_wait3A_394] : memref<4096x4x1024xf32, #tpu.memory_space<hbm>> -> memref<8x4x1024xf32, #tpu.memory_space<hbm>>
          %dma_wait3A_396 = arith.constant 0 : i32
          %dma_wait3A_397 = arith.constant 0 : i32
          %dma_wait3A_398 = tpu.memref_slice %arg5[%add3A_392, %dma_wait3A_396, %dma_wait3A_397] : memref<4096x4x1024xf32, #tpu.memory_space<hbm>> -> memref<8x4x1024xf32, #tpu.memory_space<hbm>>
          tpu.wait_dma2 semaphore(%arg16 : memref<!tpu.dma_semaphore, #tpu.memory_space<semaphore_mem>>) src(%arg10 : memref<8x4x1024xf32, #tpu.memory_space<vmem>>) dst(%dma_wait3A_398 : memref<8x4x1024xf32, #tpu.memory_space<hbm>>)
        } else {
        }
        %add3A_374 = arith.constant 2 : i32
        %add3A_375 = arith.addi %add3A_123, %add3A_374 : i32
        %max3A_376 = arith.constant 0 : i32
        %max3A_377 = arith.maxsi %add3A_375, %max3A_376 : i32
        %mul3A_378 = arith.constant 8 : i32
        %mul3A_379 = arith.muli %max3A_377, %mul3A_378 : i32
        %add3A_380 = arith.addi %mul3A_2, %mul3A_379 : i32
        %dma_start3A_381 = arith.constant 0 : i32
        %dma_start3A_382 = arith.constant 0 : i32
        %dma_start3A_383 = tpu.memref_slice %arg2[%add3A_380, %dma_start3A_381, %dma_start3A_382] : memref<4096x4x1024xf32, #tpu.memory_space<hbm>> -> memref<8x4x1024xf32, #tpu.memory_space<hbm>>
        %dma_start3A_384 = arith.constant 0 : i32
        %dma_start3A_385 = arith.constant 0 : i32
        %dma_start3A_386 = tpu.memref_slice %arg2[%add3A_380, %dma_start3A_384, %dma_start3A_385] : memref<4096x4x1024xf32, #tpu.memory_space<hbm>> -> memref<8x4x1024xf32, #tpu.memory_space<hbm>>
        tpu.enqueue_dma source(%dma_start3A_386 : memref<8x4x1024xf32, #tpu.memory_space<hbm>>) target(%arg10 : memref<8x4x1024xf32, #tpu.memory_space<vmem>>) target_semaphore(%arg13 : memref<!tpu.dma_semaphore, #tpu.memory_space<semaphore_mem>>)
      } else {
      }
      %mul3A_201 = arith.constant 3 : i32
      %mul3A_202 = arith.muli %scan3A_118, %mul3A_201 : i32
      %add3A_203 = arith.constant 1 : i32
      %add3A_204 = arith.addi %mul3A_202, %add3A_203 : i32
      %max3A_205 = arith.constant 0 : i32
      %max3A_206 = arith.maxsi %add3A_204, %max3A_205 : i32
      %mul3A_207 = arith.constant 8 : i32
      %mul3A_208 = arith.muli %max3A_206, %mul3A_207 : i32
      %add3A_209 = arith.addi %mul3A_2, %mul3A_208 : i32
      %dma_wait3A_210 = arith.constant 0 : i32
      %dma_wait3A_211 = arith.constant 0 : i32
      %dma_wait3A_212 = tpu.memref_slice %arg2[%add3A_209, %dma_wait3A_210, %dma_wait3A_211] : memref<4096x4x1024xf32, #tpu.memory_space<hbm>> -> memref<8x4x1024xf32, #tpu.memory_space<hbm>>
      %dma_wait3A_213 = arith.constant 0 : i32
      %dma_wait3A_214 = arith.constant 0 : i32
      %dma_wait3A_215 = tpu.memref_slice %arg2[%add3A_209, %dma_wait3A_213, %dma_wait3A_214] : memref<4096x4x1024xf32, #tpu.memory_space<hbm>> -> memref<8x4x1024xf32, #tpu.memory_space<hbm>>
      tpu.wait_dma2 semaphore(%arg12 : memref<!tpu.dma_semaphore, #tpu.memory_space<semaphore_mem>>) src(%dma_wait3A_215 : memref<8x4x1024xf32, #tpu.memory_space<hbm>>) dst(%arg9 : memref<8x4x1024xf32, #tpu.memory_space<vmem>>)
      %mul3A_216 = arith.constant 8 : i32
      %mul3A_217 = arith.muli %add3A_204, %mul3A_216 : i32
      %add3A_218 = arith.constant 0 : i32
      %add3A_219 = arith.addi %mul3A_217, %add3A_218 : i32
      %broadcast_in_dim3A_220 = vector.broadcast %add3A_219 : i32 to vector<16xi32>
      %gather3A_221 = tpu.vector_load_idx %arg6[%broadcast_in_dim3A_220] : memref<128xi32, #tpu.memory_space<vmem>>[vector<16xi32>], vector<16xi32>,
      %mul3A_222 = arith.constant 8 : i32
      %mul3A_223 = arith.muli %add3A_204, %mul3A_222 : i32
      %add3A_224 = arith.constant 1 : i32
      %add3A_225 = arith.addi %mul3A_223, %add3A_224 : i32
      %broadcast_in_dim3A_226 = vector.broadcast %add3A_225 : i32 to vector<16xi32>
      %gather3A_227 = tpu.vector_load_idx %arg6[%broadcast_in_dim3A_226] : memref<128xi32, #tpu.memory_space<vmem>>[vector<16xi32>], vector<16xi32>,
      %mul3A_228 = arith.constant 8 : i32
      %mul3A_229 = arith.muli %add3A_204, %mul3A_228 : i32
      %add3A_230 = arith.constant 2 : i32
      %add3A_231 = arith.addi %mul3A_229, %add3A_230 : i32
      %broadcast_in_dim3A_232 = vector.broadcast %add3A_231 : i32 to vector<16xi32>
      %gather3A_233 = tpu.vector_load_idx %arg6[%broadcast_in_dim3A_232] : memref<128xi32, #tpu.memory_space<vmem>>[vector<16xi32>], vector<16xi32>,
      %mul3A_234 = arith.constant 8 : i32
      %mul3A_235 = arith.muli %add3A_204, %mul3A_234 : i32
      %add3A_236 = arith.constant 3 : i32
      %add3A_237 = arith.addi %mul3A_235, %add3A_236 : i32
      %broadcast_in_dim3A_238 = vector.broadcast %add3A_237 : i32 to vector<16xi32>
      %gather3A_239 = tpu.vector_load_idx %arg6[%broadcast_in_dim3A_238] : memref<128xi32, #tpu.memory_space<vmem>>[vector<16xi32>], vector<16xi32>,
      %mul3A_240 = arith.constant 8 : i32
      %mul3A_241 = arith.muli %add3A_204, %mul3A_240 : i32
      %add3A_242 = arith.constant 4 : i32
      %add3A_243 = arith.addi %mul3A_241, %add3A_242 : i32
      %broadcast_in_dim3A_244 = vector.broadcast %add3A_243 : i32 to vector<16xi32>
      %gather3A_245 = tpu.vector_load_idx %arg6[%broadcast_in_dim3A_244] : memref<128xi32, #tpu.memory_space<vmem>>[vector<16xi32>], vector<16xi32>,
      %mul3A_246 = arith.constant 8 : i32
      %mul3A_247 = arith.muli %add3A_204, %mul3A_246 : i32
      %add3A_248 = arith.constant 5 : i32
      %add3A_249 = arith.addi %mul3A_247, %add3A_248 : i32
      %broadcast_in_dim3A_250 = vector.broadcast %add3A_249 : i32 to vector<16xi32>
      %gather3A_251 = tpu.vector_load_idx %arg6[%broadcast_in_dim3A_250] : memref<128xi32, #tpu.memory_space<vmem>>[vector<16xi32>], vector<16xi32>,
      %mul3A_252 = arith.constant 8 : i32
      %mul3A_253 = arith.muli %add3A_204, %mul3A_252 : i32
      %add3A_254 = arith.constant 6 : i32
      %add3A_255 = arith.addi %mul3A_253, %add3A_254 : i32
      %broadcast_in_dim3A_256 = vector.broadcast %add3A_255 : i32 to vector<16xi32>
      %gather3A_257 = tpu.vector_load_idx %arg6[%broadcast_in_dim3A_256] : memref<128xi32, #tpu.memory_space<vmem>>[vector<16xi32>], vector<16xi32>,
      %mul3A_258 = arith.constant 8 : i32
      %mul3A_259 = arith.muli %add3A_204, %mul3A_258 : i32
      %add3A_260 = arith.constant 7 : i32
      %add3A_261 = arith.addi %mul3A_259, %add3A_260 : i32
      %broadcast_in_dim3A_262 = vector.broadcast %add3A_261 : i32 to vector<16xi32>
      %gather3A_263 = tpu.vector_load_idx %arg6[%broadcast_in_dim3A_262] : memref<128xi32, #tpu.memory_space<vmem>>[vector<16xi32>], vector<16xi32>,
      %parallel_loop3A_264 = arith.constant 0 : i32
      %parallel_loop3A_265 = arith.constant 64 : i32
      %parallel_loop3A_266 = arith.constant 1 : i32
      scf.for %parallel_loop3A_370 = %parallel_loop3A_264 to %parallel_loop3A_265 step %parallel_loop3A_266  : i32 {
        %parallel_loop3A_371 = arith.constant 16 : i32
        %parallel_loop3A_372 = arith.muli %parallel_loop3A_370, %parallel_loop3A_371 : i32
        %parallel_loop3A_373 = vector.broadcast %parallel_loop3A_372 : i32 to vector<16xi32>
        %parallel_loop3A_374 = arith.addi %parallel_loop3A_373, %iota3A : vector<16xi32>
        %parallel_loop3A_375 = tpu.vector_load_idx %arg7[%gather3A_221, %parallel_loop3A_374] : memref<4x1024xf32, #tpu.memory_space<vmem>>[vector<16xi32>, vector<16xi32>], vector<16xf32>,
        %parallel_loop3A_376 = arith.constant 16 : i32
        %parallel_loop3A_377 = arith.muli %parallel_loop3A_370, %parallel_loop3A_376 : i32
        %parallel_loop3A_378 = arith.constant 0 : i32
        %parallel_loop3A_379 = arith.constant 0 : i32
        %parallel_loop3A_380 = arith.index_cast %parallel_loop3A_378 : i32 to index
        %parallel_loop3A_381 = arith.index_cast %parallel_loop3A_379 : i32 to index
        %parallel_loop3A_382 = arith.index_cast %parallel_loop3A_377 : i32 to index
        %parallel_loop3A_383 = tpu.vector_load %arg9[%parallel_loop3A_380, %parallel_loop3A_381, %parallel_loop3A_382] {strides = array<i32>} : memref<8x4x1024xf32, #tpu.memory_space<vmem>>, vector<16xf32>,
        tpu.vector_store %arg9[%parallel_loop3A_380, %parallel_loop3A_381, %parallel_loop3A_382], %parallel_loop3A_375 {add = true, strides = array<i32>} : memref<8x4x1024xf32, #tpu.memory_space<vmem>>, vector<16xf32>,
        %parallel_loop3A_384 = arith.constant 16 : i32
        %parallel_loop3A_385 = arith.muli %parallel_loop3A_370, %parallel_loop3A_384 : i32
        %parallel_loop3A_386 = arith.constant 0 : i32
        %parallel_loop3A_387 = arith.constant 1 : i32
        %parallel_loop3A_388 = arith.index_cast %parallel_loop3A_386 : i32 to index
        %parallel_loop3A_389 = arith.index_cast %parallel_loop3A_387 : i32 to index
        %parallel_loop3A_390 = arith.index_cast %parallel_loop3A_385 : i32 to index
        %parallel_loop3A_391 = tpu.vector_load %arg9[%parallel_loop3A_388, %parallel_loop3A_389, %parallel_loop3A_390] {strides = array<i32>} : memref<8x4x1024xf32, #tpu.memory_space<vmem>>, vector<16xf32>,
        tpu.vector_store %arg9[%parallel_loop3A_388, %parallel_loop3A_389, %parallel_loop3A_390], %parallel_loop3A_375 {add = true, strides = array<i32>} : memref<8x4x1024xf32, #tpu.memory_space<vmem>>, vector<16xf32>,
        %parallel_loop3A_392 = arith.constant 16 : i32
        %parallel_loop3A_393 = arith.muli %parallel_loop3A_370, %parallel_loop3A_392 : i32
        %parallel_loop3A_394 = arith.constant 0 : i32
        %parallel_loop3A_395 = arith.constant 2 : i32
        %parallel_loop3A_396 = arith.index_cast %parallel_loop3A_394 : i32 to index
        %parallel_loop3A_397 = arith.index_cast %parallel_loop3A_395 : i32 to index
        %parallel_loop3A_398 = arith.index_cast %parallel_loop3A_393 : i32 to index
        %parallel_loop3A_399 = tpu.vector_load %arg9[%parallel_loop3A_396, %parallel_loop3A_397, %parallel_loop3A_398] {strides = array<i32>} : memref<8x4x1024xf32, #tpu.memory_space<vmem>>, vector<16xf32>,
        tpu.vector_store %arg9[%parallel_loop3A_396, %parallel_loop3A_397, %parallel_loop3A_398], %parallel_loop3A_375 {add = true, strides = array<i32>} : memref<8x4x1024xf32, #tpu.memory_space<vmem>>, vector<16xf32>,
        %parallel_loop3A_400 = arith.constant 16 : i32
        %parallel_loop3A_401 = arith.muli %parallel_loop3A_370, %parallel_loop3A_400 : i32
        %parallel_loop3A_402 = arith.constant 0 : i32
        %parallel_loop3A_403 = arith.constant 3 : i32
        %parallel_loop3A_404 = arith.index_cast %parallel_loop3A_402 : i32 to index
        %parallel_loop3A_405 = arith.index_cast %parallel_loop3A_403 : i32 to index
        %parallel_loop3A_406 = arith.index_cast %parallel_loop3A_401 : i32 to index
        %parallel_loop3A_407 = tpu.vector_load %arg9[%parallel_loop3A_404, %parallel_loop3A_405, %parallel_loop3A_406] {strides = array<i32>} : memref<8x4x1024xf32, #tpu.memory_space<vmem>>, vector<16xf32>,
        tpu.vector_store %arg9[%parallel_loop3A_404, %parallel_loop3A_405, %parallel_loop3A_406], %parallel_loop3A_375 {add = true, strides = array<i32>} : memref<8x4x1024xf32, #tpu.memory_space<vmem>>, vector<16xf32>,
        %parallel_loop3A_408 = tpu.vector_load_idx %arg7[%gather3A_227, %parallel_loop3A_374] : memref<4x1024xf32, #tpu.memory_space<vmem>>[vector<16xi32>, vector<16xi32>], vector<16xf32>,
        %parallel_loop3A_409 = arith.constant 16 : i32
        %parallel_loop3A_410 = arith.muli %parallel_loop3A_370, %parallel_loop3A_409 : i32
        %parallel_loop3A_411 = arith.constant 1 : i32
        %parallel_loop3A_412 = arith.constant 0 : i32
        %parallel_loop3A_413 = arith.index_cast %parallel_loop3A_411 : i32 to index
        %parallel_loop3A_414 = arith.index_cast %parallel_loop3A_412 : i32 to index
        %parallel_loop3A_415 = arith.index_cast %parallel_loop3A_410 : i32 to index
        %parallel_loop3A_416 = tpu.vector_load %arg9[%parallel_loop3A_413, %parallel_loop3A_414, %parallel_loop3A_415] {strides = array<i32>} : memref<8x4x1024xf32, #tpu.memory_space<vmem>>, vector<16xf32>,
        tpu.vector_store %arg9[%parallel_loop3A_413, %parallel_loop3A_414, %parallel_loop3A_415], %parallel_loop3A_408 {add = true, strides = array<i32>} : memref<8x4x1024xf32, #tpu.memory_space<vmem>>, vector<16xf32>,
        %parallel_loop3A_417 = arith.constant 16 : i32
        %parallel_loop3A_418 = arith.muli %parallel_loop3A_370, %parallel_loop3A_417 : i32
        %parallel_loop3A_419 = arith.constant 1 : i32
        %parallel_loop3A_420 = arith.constant 1 : i32
        %parallel_loop3A_421 = arith.index_cast %parallel_loop3A_419 : i32 to index
        %parallel_loop3A_422 = arith.index_cast %parallel_loop3A_420 : i32 to index
        %parallel_loop3A_423 = arith.index_cast %parallel_loop3A_418 : i32 to index
        %parallel_loop3A_424 = tpu.vector_load %arg9[%parallel_loop3A_421, %parallel_loop3A_422, %parallel_loop3A_423] {strides = array<i32>} : memref<8x4x1024xf32, #tpu.memory_space<vmem>>, vector<16xf32>,
        tpu.vector_store %arg9[%parallel_loop3A_421, %parallel_loop3A_422, %parallel_loop3A_423], %parallel_loop3A_408 {add = true, strides = array<i32>} : memref<8x4x1024xf32, #tpu.memory_space<vmem>>, vector<16xf32>,
        %parallel_loop3A_425 = arith.constant 16 : i32
        %parallel_loop3A_426 = arith.muli %parallel_loop3A_370, %parallel_loop3A_425 : i32
        %parallel_loop3A_427 = arith.constant 1 : i32
        %parallel_loop3A_428 = arith.constant 2 : i32
        %parallel_loop3A_429 = arith.index_cast %parallel_loop3A_427 : i32 to index
        %parallel_loop3A_430 = arith.index_cast %parallel_loop3A_428 : i32 to index
        %parallel_loop3A_431 = arith.index_cast %parallel_loop3A_426 : i32 to index
        %parallel_loop3A_432 = tpu.vector_load %arg9[%parallel_loop3A_429, %parallel_loop3A_430, %parallel_loop3A_431] {strides = array<i32>} : memref<8x4x1024xf32, #tpu.memory_space<vmem>>, vector<16xf32>,
        tpu.vector_store %arg9[%parallel_loop3A_429, %parallel_loop3A_430, %parallel_loop3A_431], %parallel_loop3A_408 {add = true, strides = array<i32>} : memref<8x4x1024xf32, #tpu.memory_space<vmem>>, vector<16xf32>,
        %parallel_loop3A_433 = arith.constant 16 : i32
        %parallel_loop3A_434 = arith.muli %parallel_loop3A_370, %parallel_loop3A_433 : i32
        %parallel_loop3A_435 = arith.constant 1 : i32
        %parallel_loop3A_436 = arith.constant 3 : i32
        %parallel_loop3A_437 = arith.index_cast %parallel_loop3A_435 : i32 to index
        %parallel_loop3A_438 = arith.index_cast %parallel_loop3A_436 : i32 to index
        %parallel_loop3A_439 = arith.index_cast %parallel_loop3A_434 : i32 to index
        %parallel_loop3A_440 = tpu.vector_load %arg9[%parallel_loop3A_437, %parallel_loop3A_438, %parallel_loop3A_439] {strides = array<i32>} : memref<8x4x1024xf32, #tpu.memory_space<vmem>>, vector<16xf32>,
        tpu.vector_store %arg9[%parallel_loop3A_437, %parallel_loop3A_438, %parallel_loop3A_439], %parallel_loop3A_408 {add = true, strides = array<i32>} : memref<8x4x1024xf32, #tpu.memory_space<vmem>>, vector<16xf32>,
        %parallel_loop3A_441 = tpu.vector_load_idx %arg7[%gather3A_233, %parallel_loop3A_374] : memref<4x1024xf32, #tpu.memory_space<vmem>>[vector<16xi32>, vector<16xi32>], vector<16xf32>,
        %parallel_loop3A_442 = arith.constant 16 : i32
        %parallel_loop3A_443 = arith.muli %parallel_loop3A_370, %parallel_loop3A_442 : i32
        %parallel_loop3A_444 = arith.constant 2 : i32
        %parallel_loop3A_445 = arith.constant 0 : i32
        %parallel_loop3A_446 = arith.index_cast %parallel_loop3A_444 : i32 to index
        %parallel_loop3A_447 = arith.index_cast %parallel_loop3A_445 : i32 to index
        %parallel_loop3A_448 = arith.index_cast %parallel_loop3A_443 : i32 to index
        %parallel_loop3A_449 = tpu.vector_load %arg9[%parallel_loop3A_446, %parallel_loop3A_447, %parallel_loop3A_448] {strides = array<i32>} : memref<8x4x1024xf32, #tpu.memory_space<vmem>>, vector<16xf32>,
        tpu.vector_store %arg9[%parallel_loop3A_446, %parallel_loop3A_447, %parallel_loop3A_448], %parallel_loop3A_441 {add = true, strides = array<i32>} : memref<8x4x1024xf32, #tpu.memory_space<vmem>>, vector<16xf32>,
        %parallel_loop3A_450 = arith.constant 16 : i32
        %parallel_loop3A_451 = arith.muli %parallel_loop3A_370, %parallel_loop3A_450 : i32
        %parallel_loop3A_452 = arith.constant 2 : i32
        %parallel_loop3A_453 = arith.constant 1 : i32
        %parallel_loop3A_454 = arith.index_cast %parallel_loop3A_452 : i32 to index
        %parallel_loop3A_455 = arith.index_cast %parallel_loop3A_453 : i32 to index
        %parallel_loop3A_456 = arith.index_cast %parallel_loop3A_451 : i32 to index
        %parallel_loop3A_457 = tpu.vector_load %arg9[%parallel_loop3A_454, %parallel_loop3A_455, %parallel_loop3A_456] {strides = array<i32>} : memref<8x4x1024xf32, #tpu.memory_space<vmem>>, vector<16xf32>,
        tpu.vector_store %arg9[%parallel_loop3A_454, %parallel_loop3A_455, %parallel_loop3A_456], %parallel_loop3A_441 {add = true, strides = array<i32>} : memref<8x4x1024xf32, #tpu.memory_space<vmem>>, vector<16xf32>,
        %parallel_loop3A_458 = arith.constant 16 : i32
        %parallel_loop3A_459 = arith.muli %parallel_loop3A_370, %parallel_loop3A_458 : i32
        %parallel_loop3A_460 = arith.constant 2 : i32
        %parallel_loop3A_461 = arith.constant 2 : i32
        %parallel_loop3A_462 = arith.index_cast %parallel_loop3A_460 : i32 to index
        %parallel_loop3A_463 = arith.index_cast %parallel_loop3A_461 : i32 to index
        %parallel_loop3A_464 = arith.index_cast %parallel_loop3A_459 : i32 to index
        %parallel_loop3A_465 = tpu.vector_load %arg9[%parallel_loop3A_462, %parallel_loop3A_463, %parallel_loop3A_464] {strides = array<i32>} : memref<8x4x1024xf32, #tpu.memory_space<vmem>>, vector<16xf32>,
        tpu.vector_store %arg9[%parallel_loop3A_462, %parallel_loop3A_463, %parallel_loop3A_464], %parallel_loop3A_441 {add = true, strides = array<i32>} : memref<8x4x1024xf32, #tpu.memory_space<vmem>>, vector<16xf32>,
        %parallel_loop3A_466 = arith.constant 16 : i32
        %parallel_loop3A_467 = arith.muli %parallel_loop3A_370, %parallel_loop3A_466 : i32
        %parallel_loop3A_468 = arith.constant 2 : i32
        %parallel_loop3A_469 = arith.constant 3 : i32
        %parallel_loop3A_470 = arith.index_cast %parallel_loop3A_468 : i32 to index
        %parallel_loop3A_471 = arith.index_cast %parallel_loop3A_469 : i32 to index
        %parallel_loop3A_472 = arith.index_cast %parallel_loop3A_467 : i32 to index
        %parallel_loop3A_473 = tpu.vector_load %arg9[%parallel_loop3A_470, %parallel_loop3A_471, %parallel_loop3A_472] {strides = array<i32>} : memref<8x4x1024xf32, #tpu.memory_space<vmem>>, vector<16xf32>,
        tpu.vector_store %arg9[%parallel_loop3A_470, %parallel_loop3A_471, %parallel_loop3A_472], %parallel_loop3A_441 {add = true, strides = array<i32>} : memref<8x4x1024xf32, #tpu.memory_space<vmem>>, vector<16xf32>,
        %parallel_loop3A_474 = tpu.vector_load_idx %arg7[%gather3A_239, %parallel_loop3A_374] : memref<4x1024xf32, #tpu.memory_space<vmem>>[vector<16xi32>, vector<16xi32>], vector<16xf32>,
        %parallel_loop3A_475 = arith.constant 16 : i32
        %parallel_loop3A_476 = arith.muli %parallel_loop3A_370, %parallel_loop3A_475 : i32
        %parallel_loop3A_477 = arith.constant 3 : i32
        %parallel_loop3A_478 = arith.constant 0 : i32
        %parallel_loop3A_479 = arith.index_cast %parallel_loop3A_477 : i32 to index
        %parallel_loop3A_480 = arith.index_cast %parallel_loop3A_478 : i32 to index
        %parallel_loop3A_481 = arith.index_cast %parallel_loop3A_476 : i32 to index
        %parallel_loop3A_482 = tpu.vector_load %arg9[%parallel_loop3A_479, %parallel_loop3A_480, %parallel_loop3A_481] {strides = array<i32>} : memref<8x4x1024xf32, #tpu.memory_space<vmem>>, vector<16xf32>,
        tpu.vector_store %arg9[%parallel_loop3A_479, %parallel_loop3A_480, %parallel_loop3A_481], %parallel_loop3A_474 {add = true, strides = array<i32>} : memref<8x4x1024xf32, #tpu.memory_space<vmem>>, vector<16xf32>,
        %parallel_loop3A_483 = arith.constant 16 : i32
        %parallel_loop3A_484 = arith.muli %parallel_loop3A_370, %parallel_loop3A_483 : i32
        %parallel_loop3A_485 = arith.constant 3 : i32
        %parallel_loop3A_486 = arith.constant 1 : i32
        %parallel_loop3A_487 = arith.index_cast %parallel_loop3A_485 : i32 to index
        %parallel_loop3A_488 = arith.index_cast %parallel_loop3A_486 : i32 to index
        %parallel_loop3A_489 = arith.index_cast %parallel_loop3A_484 : i32 to index
        %parallel_loop3A_490 = tpu.vector_load %arg9[%parallel_loop3A_487, %parallel_loop3A_488, %parallel_loop3A_489] {strides = array<i32>} : memref<8x4x1024xf32, #tpu.memory_space<vmem>>, vector<16xf32>,
        tpu.vector_store %arg9[%parallel_loop3A_487, %parallel_loop3A_488, %parallel_loop3A_489], %parallel_loop3A_474 {add = true, strides = array<i32>} : memref<8x4x1024xf32, #tpu.memory_space<vmem>>, vector<16xf32>,
        %parallel_loop3A_491 = arith.constant 16 : i32
        %parallel_loop3A_492 = arith.muli %parallel_loop3A_370, %parallel_loop3A_491 : i32
        %parallel_loop3A_493 = arith.constant 3 : i32
        %parallel_loop3A_494 = arith.constant 2 : i32
        %parallel_loop3A_495 = arith.index_cast %parallel_loop3A_493 : i32 to index
        %parallel_loop3A_496 = arith.index_cast %parallel_loop3A_494 : i32 to index
        %parallel_loop3A_497 = arith.index_cast %parallel_loop3A_492 : i32 to index
        %parallel_loop3A_498 = tpu.vector_load %arg9[%parallel_loop3A_495, %parallel_loop3A_496, %parallel_loop3A_497] {strides = array<i32>} : memref<8x4x1024xf32, #tpu.memory_space<vmem>>, vector<16xf32>,
        tpu.vector_store %arg9[%parallel_loop3A_495, %parallel_loop3A_496, %parallel_loop3A_497], %parallel_loop3A_474 {add = true, strides = array<i32>} : memref<8x4x1024xf32, #tpu.memory_space<vmem>>, vector<16xf32>,
        %parallel_loop3A_499 = arith.constant 16 : i32
        %parallel_loop3A_500 = arith.muli %parallel_loop3A_370, %parallel_loop3A_499 : i32
        %parallel_loop3A_501 = arith.constant 3 : i32
        %parallel_loop3A_502 = arith.constant 3 : i32
        %parallel_loop3A_503 = arith.index_cast %parallel_loop3A_501 : i32 to index
        %parallel_loop3A_504 = arith.index_cast %parallel_loop3A_502 : i32 to index
        %parallel_loop3A_505 = arith.index_cast %parallel_loop3A_500 : i32 to index
        %parallel_loop3A_506 = tpu.vector_load %arg9[%parallel_loop3A_503, %parallel_loop3A_504, %parallel_loop3A_505] {strides = array<i32>} : memref<8x4x1024xf32, #tpu.memory_space<vmem>>, vector<16xf32>,
        tpu.vector_store %arg9[%parallel_loop3A_503, %parallel_loop3A_504, %parallel_loop3A_505], %parallel_loop3A_474 {add = true, strides = array<i32>} : memref<8x4x1024xf32, #tpu.memory_space<vmem>>, vector<16xf32>,
        %parallel_loop3A_507 = tpu.vector_load_idx %arg7[%gather3A_245, %parallel_loop3A_374] : memref<4x1024xf32, #tpu.memory_space<vmem>>[vector<16xi32>, vector<16xi32>], vector<16xf32>,
        %parallel_loop3A_508 = arith.constant 16 : i32
        %parallel_loop3A_509 = arith.muli %parallel_loop3A_370, %parallel_loop3A_508 : i32
        %parallel_loop3A_510 = arith.constant 4 : i32
        %parallel_loop3A_511 = arith.constant 0 : i32
        %parallel_loop3A_512 = arith.index_cast %parallel_loop3A_510 : i32 to index
        %parallel_loop3A_513 = arith.index_cast %parallel_loop3A_511 : i32 to index
        %parallel_loop3A_514 = arith.index_cast %parallel_loop3A_509 : i32 to index
        %parallel_loop3A_515 = tpu.vector_load %arg9[%parallel_loop3A_512, %parallel_loop3A_513, %parallel_loop3A_514] {strides = array<i32>} : memref<8x4x1024xf32, #tpu.memory_space<vmem>>, vector<16xf32>,
        tpu.vector_store %arg9[%parallel_loop3A_512, %parallel_loop3A_513, %parallel_loop3A_514], %parallel_loop3A_507 {add = true, strides = array<i32>} : memref<8x4x1024xf32, #tpu.memory_space<vmem>>, vector<16xf32>,
        %parallel_loop3A_516 = arith.constant 16 : i32
        %parallel_loop3A_517 = arith.muli %parallel_loop3A_370, %parallel_loop3A_516 : i32
        %parallel_loop3A_518 = arith.constant 4 : i32
        %parallel_loop3A_519 = arith.constant 1 : i32
        %parallel_loop3A_520 = arith.index_cast %parallel_loop3A_518 : i32 to index
        %parallel_loop3A_521 = arith.index_cast %parallel_loop3A_519 : i32 to index
        %parallel_loop3A_522 = arith.index_cast %parallel_loop3A_517 : i32 to index
        %parallel_loop3A_523 = tpu.vector_load %arg9[%parallel_loop3A_520, %parallel_loop3A_521, %parallel_loop3A_522] {strides = array<i32>} : memref<8x4x1024xf32, #tpu.memory_space<vmem>>, vector<16xf32>,
        tpu.vector_store %arg9[%parallel_loop3A_520, %parallel_loop3A_521, %parallel_loop3A_522], %parallel_loop3A_507 {add = true, strides = array<i32>} : memref<8x4x1024xf32, #tpu.memory_space<vmem>>, vector<16xf32>,
        %parallel_loop3A_524 = arith.constant 16 : i32
        %parallel_loop3A_525 = arith.muli %parallel_loop3A_370, %parallel_loop3A_524 : i32
        %parallel_loop3A_526 = arith.constant 4 : i32
        %parallel_loop3A_527 = arith.constant 2 : i32
        %parallel_loop3A_528 = arith.index_cast %parallel_loop3A_526 : i32 to index
        %parallel_loop3A_529 = arith.index_cast %parallel_loop3A_527 : i32 to index
        %parallel_loop3A_530 = arith.index_cast %parallel_loop3A_525 : i32 to index
        %parallel_loop3A_531 = tpu.vector_load %arg9[%parallel_loop3A_528, %parallel_loop3A_529, %parallel_loop3A_530] {strides = array<i32>} : memref<8x4x1024xf32, #tpu.memory_space<vmem>>, vector<16xf32>,
        tpu.vector_store %arg9[%parallel_loop3A_528, %parallel_loop3A_529, %parallel_loop3A_530], %parallel_loop3A_507 {add = true, strides = array<i32>} : memref<8x4x1024xf32, #tpu.memory_space<vmem>>, vector<16xf32>,
        %parallel_loop3A_532 = arith.constant 16 : i32
        %parallel_loop3A_533 = arith.muli %parallel_loop3A_370, %parallel_loop3A_532 : i32
        %parallel_loop3A_534 = arith.constant 4 : i32
        %parallel_loop3A_535 = arith.constant 3 : i32
        %parallel_loop3A_536 = arith.index_cast %parallel_loop3A_534 : i32 to index
        %parallel_loop3A_537 = arith.index_cast %parallel_loop3A_535 : i32 to index
        %parallel_loop3A_538 = arith.index_cast %parallel_loop3A_533 : i32 to index
        %parallel_loop3A_539 = tpu.vector_load %arg9[%parallel_loop3A_536, %parallel_loop3A_537, %parallel_loop3A_538] {strides = array<i32>} : memref<8x4x1024xf32, #tpu.memory_space<vmem>>, vector<16xf32>,
        tpu.vector_store %arg9[%parallel_loop3A_536, %parallel_loop3A_537, %parallel_loop3A_538], %parallel_loop3A_507 {add = true, strides = array<i32>} : memref<8x4x1024xf32, #tpu.memory_space<vmem>>, vector<16xf32>,
        %parallel_loop3A_540 = tpu.vector_load_idx %arg7[%gather3A_251, %parallel_loop3A_374] : memref<4x1024xf32, #tpu.memory_space<vmem>>[vector<16xi32>, vector<16xi32>], vector<16xf32>,
        %parallel_loop3A_541 = arith.constant 16 : i32
        %parallel_loop3A_542 = arith.muli %parallel_loop3A_370, %parallel_loop3A_541 : i32
        %parallel_loop3A_543 = arith.constant 5 : i32
        %parallel_loop3A_544 = arith.constant 0 : i32
        %parallel_loop3A_545 = arith.index_cast %parallel_loop3A_543 : i32 to index
        %parallel_loop3A_546 = arith.index_cast %parallel_loop3A_544 : i32 to index
        %parallel_loop3A_547 = arith.index_cast %parallel_loop3A_542 : i32 to index
        %parallel_loop3A_548 = tpu.vector_load %arg9[%parallel_loop3A_545, %parallel_loop3A_546, %parallel_loop3A_547] {strides = array<i32>} : memref<8x4x1024xf32, #tpu.memory_space<vmem>>, vector<16xf32>,
        tpu.vector_store %arg9[%parallel_loop3A_545, %parallel_loop3A_546, %parallel_loop3A_547], %parallel_loop3A_540 {add = true, strides = array<i32>} : memref<8x4x1024xf32, #tpu.memory_space<vmem>>, vector<16xf32>,
        %parallel_loop3A_549 = arith.constant 16 : i32
        %parallel_loop3A_550 = arith.muli %parallel_loop3A_370, %parallel_loop3A_549 : i32
        %parallel_loop3A_551 = arith.constant 5 : i32
        %parallel_loop3A_552 = arith.constant 1 : i32
        %parallel_loop3A_553 = arith.index_cast %parallel_loop3A_551 : i32 to index
        %parallel_loop3A_554 = arith.index_cast %parallel_loop3A_552 : i32 to index
        %parallel_loop3A_555 = arith.index_cast %parallel_loop3A_550 : i32 to index
        %parallel_loop3A_556 = tpu.vector_load %arg9[%parallel_loop3A_553, %parallel_loop3A_554, %parallel_loop3A_555] {strides = array<i32>} : memref<8x4x1024xf32, #tpu.memory_space<vmem>>, vector<16xf32>,
        tpu.vector_store %arg9[%parallel_loop3A_553, %parallel_loop3A_554, %parallel_loop3A_555], %parallel_loop3A_540 {add = true, strides = array<i32>} : memref<8x4x1024xf32, #tpu.memory_space<vmem>>, vector<16xf32>,
        %parallel_loop3A_557 = arith.constant 16 : i32
        %parallel_loop3A_558 = arith.muli %parallel_loop3A_370, %parallel_loop3A_557 : i32
        %parallel_loop3A_559 = arith.constant 5 : i32
        %parallel_loop3A_560 = arith.constant 2 : i32
        %parallel_loop3A_561 = arith.index_cast %parallel_loop3A_559 : i32 to index
        %parallel_loop3A_562 = arith.index_cast %parallel_loop3A_560 : i32 to index
        %parallel_loop3A_563 = arith.index_cast %parallel_loop3A_558 : i32 to index
        %parallel_loop3A_564 = tpu.vector_load %arg9[%parallel_loop3A_561, %parallel_loop3A_562, %parallel_loop3A_563] {strides = array<i32>} : memref<8x4x1024xf32, #tpu.memory_space<vmem>>, vector<16xf32>,
        tpu.vector_store %arg9[%parallel_loop3A_561, %parallel_loop3A_562, %parallel_loop3A_563], %parallel_loop3A_540 {add = true, strides = array<i32>} : memref<8x4x1024xf32, #tpu.memory_space<vmem>>, vector<16xf32>,
        %parallel_loop3A_565 = arith.constant 16 : i32
        %parallel_loop3A_566 = arith.muli %parallel_loop3A_370, %parallel_loop3A_565 : i32
        %parallel_loop3A_567 = arith.constant 5 : i32
        %parallel_loop3A_568 = arith.constant 3 : i32
        %parallel_loop3A_569 = arith.index_cast %parallel_loop3A_567 : i32 to index
        %parallel_loop3A_570 = arith.index_cast %parallel_loop3A_568 : i32 to index
        %parallel_loop3A_571 = arith.index_cast %parallel_loop3A_566 : i32 to index
        %parallel_loop3A_572 = tpu.vector_load %arg9[%parallel_loop3A_569, %parallel_loop3A_570, %parallel_loop3A_571] {strides = array<i32>} : memref<8x4x1024xf32, #tpu.memory_space<vmem>>, vector<16xf32>,
        tpu.vector_store %arg9[%parallel_loop3A_569, %parallel_loop3A_570, %parallel_loop3A_571], %parallel_loop3A_540 {add = true, strides = array<i32>} : memref<8x4x1024xf32, #tpu.memory_space<vmem>>, vector<16xf32>,
        %parallel_loop3A_573 = tpu.vector_load_idx %arg7[%gather3A_257, %parallel_loop3A_374] : memref<4x1024xf32, #tpu.memory_space<vmem>>[vector<16xi32>, vector<16xi32>], vector<16xf32>,
        %parallel_loop3A_574 = arith.constant 16 : i32
        %parallel_loop3A_575 = arith.muli %parallel_loop3A_370, %parallel_loop3A_574 : i32
        %parallel_loop3A_576 = arith.constant 6 : i32
        %parallel_loop3A_577 = arith.constant 0 : i32
        %parallel_loop3A_578 = arith.index_cast %parallel_loop3A_576 : i32 to index
        %parallel_loop3A_579 = arith.index_cast %parallel_loop3A_577 : i32 to index
        %parallel_loop3A_580 = arith.index_cast %parallel_loop3A_575 : i32 to index
        %parallel_loop3A_581 = tpu.vector_load %arg9[%parallel_loop3A_578, %parallel_loop3A_579, %parallel_loop3A_580] {strides = array<i32>} : memref<8x4x1024xf32, #tpu.memory_space<vmem>>, vector<16xf32>,
        tpu.vector_store %arg9[%parallel_loop3A_578, %parallel_loop3A_579, %parallel_loop3A_580], %parallel_loop3A_573 {add = true, strides = array<i32>} : memref<8x4x1024xf32, #tpu.memory_space<vmem>>, vector<16xf32>,
        %parallel_loop3A_582 = arith.constant 16 : i32
        %parallel_loop3A_583 = arith.muli %parallel_loop3A_370, %parallel_loop3A_582 : i32
        %parallel_loop3A_584 = arith.constant 6 : i32
        %parallel_loop3A_585 = arith.constant 1 : i32
        %parallel_loop3A_586 = arith.index_cast %parallel_loop3A_584 : i32 to index
        %parallel_loop3A_587 = arith.index_cast %parallel_loop3A_585 : i32 to index
        %parallel_loop3A_588 = arith.index_cast %parallel_loop3A_583 : i32 to index
        %parallel_loop3A_589 = tpu.vector_load %arg9[%parallel_loop3A_586, %parallel_loop3A_587, %parallel_loop3A_588] {strides = array<i32>} : memref<8x4x1024xf32, #tpu.memory_space<vmem>>, vector<16xf32>,
        tpu.vector_store %arg9[%parallel_loop3A_586, %parallel_loop3A_587, %parallel_loop3A_588], %parallel_loop3A_573 {add = true, strides = array<i32>} : memref<8x4x1024xf32, #tpu.memory_space<vmem>>, vector<16xf32>,
        %parallel_loop3A_590 = arith.constant 16 : i32
        %parallel_loop3A_591 = arith.muli %parallel_loop3A_370, %parallel_loop3A_590 : i32
        %parallel_loop3A_592 = arith.constant 6 : i32
        %parallel_loop3A_593 = arith.constant 2 : i32
        %parallel_loop3A_594 = arith.index_cast %parallel_loop3A_592 : i32 to index
        %parallel_loop3A_595 = arith.index_cast %parallel_loop3A_593 : i32 to index
        %parallel_loop3A_596 = arith.index_cast %parallel_loop3A_591 : i32 to index
        %parallel_loop3A_597 = tpu.vector_load %arg9[%parallel_loop3A_594, %parallel_loop3A_595, %parallel_loop3A_596] {strides = array<i32>} : memref<8x4x1024xf32, #tpu.memory_space<vmem>>, vector<16xf32>,
        tpu.vector_store %arg9[%parallel_loop3A_594, %parallel_loop3A_595, %parallel_loop3A_596], %parallel_loop3A_573 {add = true, strides = array<i32>} : memref<8x4x1024xf32, #tpu.memory_space<vmem>>, vector<16xf32>,
        %parallel_loop3A_598 = arith.constant 16 : i32
        %parallel_loop3A_599 = arith.muli %parallel_loop3A_370, %parallel_loop3A_598 : i32
        %parallel_loop3A_600 = arith.constant 6 : i32
        %parallel_loop3A_601 = arith.constant 3 : i32
        %parallel_loop3A_602 = arith.index_cast %parallel_loop3A_600 : i32 to index
        %parallel_loop3A_603 = arith.index_cast %parallel_loop3A_601 : i32 to index
        %parallel_loop3A_604 = arith.index_cast %parallel_loop3A_599 : i32 to index
        %parallel_loop3A_605 = tpu.vector_load %arg9[%parallel_loop3A_602, %parallel_loop3A_603, %parallel_loop3A_604] {strides = array<i32>} : memref<8x4x1024xf32, #tpu.memory_space<vmem>>, vector<16xf32>,
        tpu.vector_store %arg9[%parallel_loop3A_602, %parallel_loop3A_603, %parallel_loop3A_604], %parallel_loop3A_573 {add = true, strides = array<i32>} : memref<8x4x1024xf32, #tpu.memory_space<vmem>>, vector<16xf32>,
        %parallel_loop3A_606 = tpu.vector_load_idx %arg7[%gather3A_263, %parallel_loop3A_374] : memref<4x1024xf32, #tpu.memory_space<vmem>>[vector<16xi32>, vector<16xi32>], vector<16xf32>,
        %parallel_loop3A_607 = arith.constant 16 : i32
        %parallel_loop3A_608 = arith.muli %parallel_loop3A_370, %parallel_loop3A_607 : i32
        %parallel_loop3A_609 = arith.constant 7 : i32
        %parallel_loop3A_610 = arith.constant 0 : i32
        %parallel_loop3A_611 = arith.index_cast %parallel_loop3A_609 : i32 to index
        %parallel_loop3A_612 = arith.index_cast %parallel_loop3A_610 : i32 to index
        %parallel_loop3A_613 = arith.index_cast %parallel_loop3A_608 : i32 to index
        %parallel_loop3A_614 = tpu.vector_load %arg9[%parallel_loop3A_611, %parallel_loop3A_612, %parallel_loop3A_613] {strides = array<i32>} : memref<8x4x1024xf32, #tpu.memory_space<vmem>>, vector<16xf32>,
        tpu.vector_store %arg9[%parallel_loop3A_611, %parallel_loop3A_612, %parallel_loop3A_613], %parallel_loop3A_606 {add = true, strides = array<i32>} : memref<8x4x1024xf32, #tpu.memory_space<vmem>>, vector<16xf32>,
        %parallel_loop3A_615 = arith.constant 16 : i32
        %parallel_loop3A_616 = arith.muli %parallel_loop3A_370, %parallel_loop3A_615 : i32
        %parallel_loop3A_617 = arith.constant 7 : i32
        %parallel_loop3A_618 = arith.constant 1 : i32
        %parallel_loop3A_619 = arith.index_cast %parallel_loop3A_617 : i32 to index
        %parallel_loop3A_620 = arith.index_cast %parallel_loop3A_618 : i32 to index
        %parallel_loop3A_621 = arith.index_cast %parallel_loop3A_616 : i32 to index
        %parallel_loop3A_622 = tpu.vector_load %arg9[%parallel_loop3A_619, %parallel_loop3A_620, %parallel_loop3A_621] {strides = array<i32>} : memref<8x4x1024xf32, #tpu.memory_space<vmem>>, vector<16xf32>,
        tpu.vector_store %arg9[%parallel_loop3A_619, %parallel_loop3A_620, %parallel_loop3A_621], %parallel_loop3A_606 {add = true, strides = array<i32>} : memref<8x4x1024xf32, #tpu.memory_space<vmem>>, vector<16xf32>,
        %parallel_loop3A_623 = arith.constant 16 : i32
        %parallel_loop3A_624 = arith.muli %parallel_loop3A_370, %parallel_loop3A_623 : i32
        %parallel_loop3A_625 = arith.constant 7 : i32
        %parallel_loop3A_626 = arith.constant 2 : i32
        %parallel_loop3A_627 = arith.index_cast %parallel_loop3A_625 : i32 to index
        %parallel_loop3A_628 = arith.index_cast %parallel_loop3A_626 : i32 to index
        %parallel_loop3A_629 = arith.index_cast %parallel_loop3A_624 : i32 to index
        %parallel_loop3A_630 = tpu.vector_load %arg9[%parallel_loop3A_627, %parallel_loop3A_628, %parallel_loop3A_629] {strides = array<i32>} : memref<8x4x1024xf32, #tpu.memory_space<vmem>>, vector<16xf32>,
        tpu.vector_store %arg9[%parallel_loop3A_627, %parallel_loop3A_628, %parallel_loop3A_629], %parallel_loop3A_606 {add = true, strides = array<i32>} : memref<8x4x1024xf32, #tpu.memory_space<vmem>>, vector<16xf32>,
        %parallel_loop3A_631 = arith.constant 16 : i32
        %parallel_loop3A_632 = arith.muli %parallel_loop3A_370, %parallel_loop3A_631 : i32
        %parallel_loop3A_633 = arith.constant 7 : i32
        %parallel_loop3A_634 = arith.constant 3 : i32
        %parallel_loop3A_635 = arith.index_cast %parallel_loop3A_633 : i32 to index
        %parallel_loop3A_636 = arith.index_cast %parallel_loop3A_634 : i32 to index
        %parallel_loop3A_637 = arith.index_cast %parallel_loop3A_632 : i32 to index
        %parallel_loop3A_638 = tpu.vector_load %arg9[%parallel_loop3A_635, %parallel_loop3A_636, %parallel_loop3A_637] {strides = array<i32>} : memref<8x4x1024xf32, #tpu.memory_space<vmem>>, vector<16xf32>,
        tpu.vector_store %arg9[%parallel_loop3A_635, %parallel_loop3A_636, %parallel_loop3A_637], %parallel_loop3A_606 {add = true, strides = array<i32>} : memref<8x4x1024xf32, #tpu.memory_space<vmem>>, vector<16xf32>,
      } {sc.loop_unroll_factor = 1 : i64, sc.parallel_access}
      %max3A_267 = arith.constant 0 : i32
      %max3A_268 = arith.maxsi %add3A_204, %max3A_267 : i32
      %mul3A_269 = arith.constant 8 : i32
      %mul3A_270 = arith.muli %max3A_268, %mul3A_269 : i32
      %add3A_271 = arith.addi %mul3A_2, %mul3A_270 : i32
      %dma_start3A_272 = arith.constant 0 : i32
      %dma_start3A_273 = arith.constant 0 : i32
      %dma_start3A_274 = tpu.memref_slice %arg5[%add3A_271, %dma_start3A_272, %dma_start3A_273] : memref<4096x4x1024xf32, #tpu.memory_space<hbm>> -> memref<8x4x1024xf32, #tpu.memory_space<hbm>>
      %dma_start3A_275 = arith.constant 0 : i32
      %dma_start3A_276 = arith.constant 0 : i32
      %dma_start3A_277 = tpu.memref_slice %arg5[%add3A_271, %dma_start3A_275, %dma_start3A_276] : memref<4096x4x1024xf32, #tpu.memory_space<hbm>> -> memref<8x4x1024xf32, #tpu.memory_space<hbm>>
      tpu.enqueue_dma source(%arg9 : memref<8x4x1024xf32, #tpu.memory_space<vmem>>) target(%dma_start3A_277 : memref<8x4x1024xf32, #tpu.memory_space<hbm>>) target_semaphore(%arg15 : memref<!tpu.dma_semaphore, #tpu.memory_space<semaphore_mem>>)
      %add3A_278 = arith.constant 2 : i32
      %add3A_279 = arith.addi %add3A_204, %add3A_278 : i32
      %lt3A_280 = arith.constant 16 : i32
      %lt3A_281 = arith.cmpi slt, %add3A_279, %lt3A_280 : i32
      %convert_element_type3A_282 = arith.extui %lt3A_281 : i1 to i32
      %cond3A_283 = arith.constant 0 : i32
      %cond3A_284 = arith.cmpi ne, %convert_element_type3A_282, %cond3A_283 : i32
      scf.if %cond3A_284 {
        %ge3A = arith.constant 1 : i32
        %ge3A_370 = arith.cmpi sge, %add3A_204, %ge3A : i32
        %convert_element_type3A_371 = arith.extui %ge3A_370 : i1 to i32
        %cond3A_372 = arith.constant 0 : i32
        %cond3A_373 = arith.cmpi ne, %convert_element_type3A_371, %cond3A_372 : i32
        scf.if %cond3A_373 {
          %sub3A = arith.constant 1 : i32
          %sub3A_387 = arith.subi %add3A_204, %sub3A : i32
          %max3A_388 = arith.constant 0 : i32
          %max3A_389 = arith.maxsi %sub3A_387, %max3A_388 : i32
          %mul3A_390 = arith.constant 8 : i32
          %mul3A_391 = arith.muli %max3A_389, %mul3A_390 : i32
          %add3A_392 = arith.addi %mul3A_2, %mul3A_391 : i32
          %dma_wait3A_393 = arith.constant 0 : i32
          %dma_wait3A_394 = arith.constant 0 : i32
          %dma_wait3A_395 = tpu.memref_slice %arg5[%add3A_392, %dma_wait3A_393, %dma_wait3A_394] : memref<4096x4x1024xf32, #tpu.memory_space<hbm>> -> memref<8x4x1024xf32, #tpu.memory_space<hbm>>
          %dma_wait3A_396 = arith.constant 0 : i32
          %dma_wait3A_397 = arith.constant 0 : i32
          %dma_wait3A_398 = tpu.memref_slice %arg5[%add3A_392, %dma_wait3A_396, %dma_wait3A_397] : memref<4096x4x1024xf32, #tpu.memory_space<hbm>> -> memref<8x4x1024xf32, #tpu.memory_space<hbm>>
          tpu.wait_dma2 semaphore(%arg14 : memref<!tpu.dma_semaphore, #tpu.memory_space<semaphore_mem>>) src(%arg8 : memref<8x4x1024xf32, #tpu.memory_space<vmem>>) dst(%dma_wait3A_398 : memref<8x4x1024xf32, #tpu.memory_space<hbm>>)
        } else {
        }
        %add3A_374 = arith.constant 2 : i32
        %add3A_375 = arith.addi %add3A_204, %add3A_374 : i32
        %max3A_376 = arith.constant 0 : i32
        %max3A_377 = arith.maxsi %add3A_375, %max3A_376 : i32
        %mul3A_378 = arith.constant 8 : i32
        %mul3A_379 = arith.muli %max3A_377, %mul3A_378 : i32
        %add3A_380 = arith.addi %mul3A_2, %mul3A_379 : i32
        %dma_start3A_381 = arith.constant 0 : i32
        %dma_start3A_382 = arith.constant 0 : i32
        %dma_start3A_383 = tpu.memref_slice %arg2[%add3A_380, %dma_start3A_381, %dma_start3A_382] : memref<4096x4x1024xf32, #tpu.memory_space<hbm>> -> memref<8x4x1024xf32, #tpu.memory_space<hbm>>
        %dma_start3A_384 = arith.constant 0 : i32
        %dma_start3A_385 = arith.constant 0 : i32
        %dma_start3A_386 = tpu.memref_slice %arg2[%add3A_380, %dma_start3A_384, %dma_start3A_385] : memref<4096x4x1024xf32, #tpu.memory_space<hbm>> -> memref<8x4x1024xf32, #tpu.memory_space<hbm>>
        tpu.enqueue_dma source(%dma_start3A_386 : memref<8x4x1024xf32, #tpu.memory_space<hbm>>) target(%arg8 : memref<8x4x1024xf32, #tpu.memory_space<vmem>>) target_semaphore(%arg11 : memref<!tpu.dma_semaphore, #tpu.memory_space<semaphore_mem>>)
      } else {
      }
      %mul3A_285 = arith.constant 3 : i32
      %mul3A_286 = arith.muli %scan3A_118, %mul3A_285 : i32
      %add3A_287 = arith.constant 2 : i32
      %add3A_288 = arith.addi %mul3A_286, %add3A_287 : i32
      %max3A_289 = arith.constant 0 : i32
      %max3A_290 = arith.maxsi %add3A_288, %max3A_289 : i32
      %mul3A_291 = arith.constant 8 : i32
      %mul3A_292 = arith.muli %max3A_290, %mul3A_291 : i32
      %add3A_293 = arith.addi %mul3A_2, %mul3A_292 : i32
      %dma_wait3A_294 = arith.constant 0 : i32
      %dma_wait3A_295 = arith.constant 0 : i32
      %dma_wait3A_296 = tpu.memref_slice %arg2[%add3A_293, %dma_wait3A_294, %dma_wait3A_295] : memref<4096x4x1024xf32, #tpu.memory_space<hbm>> -> memref<8x4x1024xf32, #tpu.memory_space<hbm>>
      %dma_wait3A_297 = arith.constant 0 : i32
      %dma_wait3A_298 = arith.constant 0 : i32
      %dma_wait3A_299 = tpu.memref_slice %arg2[%add3A_293, %dma_wait3A_297, %dma_wait3A_298] : memref<4096x4x1024xf32, #tpu.memory_space<hbm>> -> memref<8x4x1024xf32, #tpu.memory_space<hbm>>
      tpu.wait_dma2 semaphore(%arg13 : memref<!tpu.dma_semaphore, #tpu.memory_space<semaphore_mem>>) src(%dma_wait3A_299 : memref<8x4x1024xf32, #tpu.memory_space<hbm>>) dst(%arg10 : memref<8x4x1024xf32, #tpu.memory_space<vmem>>)
      %mul3A_300 = arith.constant 8 : i32
      %mul3A_301 = arith.muli %add3A_288, %mul3A_300 : i32
      %add3A_302 = arith.constant 0 : i32
      %add3A_303 = arith.addi %mul3A_301, %add3A_302 : i32
      %broadcast_in_dim3A_304 = vector.broadcast %add3A_303 : i32 to vector<16xi32>
      %gather3A_305 = tpu.vector_load_idx %arg6[%broadcast_in_dim3A_304] : memref<128xi32, #tpu.memory_space<vmem>>[vector<16xi32>], vector<16xi32>,
      %mul3A_306 = arith.constant 8 : i32
      %mul3A_307 = arith.muli %add3A_288, %mul3A_306 : i32
      %add3A_308 = arith.constant 1 : i32
      %add3A_309 = arith.addi %mul3A_307, %add3A_308 : i32
      %broadcast_in_dim3A_310 = vector.broadcast %add3A_309 : i32 to vector<16xi32>
      %gather3A_311 = tpu.vector_load_idx %arg6[%broadcast_in_dim3A_310] : memref<128xi32, #tpu.memory_space<vmem>>[vector<16xi32>], vector<16xi32>,
      %mul3A_312 = arith.constant 8 : i32
      %mul3A_313 = arith.muli %add3A_288, %mul3A_312 : i32
      %add3A_314 = arith.constant 2 : i32
      %add3A_315 = arith.addi %mul3A_313, %add3A_314 : i32
      %broadcast_in_dim3A_316 = vector.broadcast %add3A_315 : i32 to vector<16xi32>
      %gather3A_317 = tpu.vector_load_idx %arg6[%broadcast_in_dim3A_316] : memref<128xi32, #tpu.memory_space<vmem>>[vector<16xi32>], vector<16xi32>,
      %mul3A_318 = arith.constant 8 : i32
      %mul3A_319 = arith.muli %add3A_288, %mul3A_318 : i32
      %add3A_320 = arith.constant 3 : i32
      %add3A_321 = arith.addi %mul3A_319, %add3A_320 : i32
      %broadcast_in_dim3A_322 = vector.broadcast %add3A_321 : i32 to vector<16xi32>
      %gather3A_323 = tpu.vector_load_idx %arg6[%broadcast_in_dim3A_322] : memref<128xi32, #tpu.memory_space<vmem>>[vector<16xi32>], vector<16xi32>,
      %mul3A_324 = arith.constant 8 : i32
      %mul3A_325 = arith.muli %add3A_288, %mul3A_324 : i32
      %add3A_326 = arith.constant 4 : i32
      %add3A_327 = arith.addi %mul3A_325, %add3A_326 : i32
      %broadcast_in_dim3A_328 = vector.broadcast %add3A_327 : i32 to vector<16xi32>
      %gather3A_329 = tpu.vector_load_idx %arg6[%broadcast_in_dim3A_328] : memref<128xi32, #tpu.memory_space<vmem>>[vector<16xi32>], vector<16xi32>,
      %mul3A_330 = arith.constant 8 : i32
      %mul3A_331 = arith.muli %add3A_288, %mul3A_330 : i32
      %add3A_332 = arith.constant 5 : i32
      %add3A_333 = arith.addi %mul3A_331, %add3A_332 : i32
      %broadcast_in_dim3A_334 = vector.broadcast %add3A_333 : i32 to vector<16xi32>
      %gather3A_335 = tpu.vector_load_idx %arg6[%broadcast_in_dim3A_334] : memref<128xi32, #tpu.memory_space<vmem>>[vector<16xi32>], vector<16xi32>,
      %mul3A_336 = arith.constant 8 : i32
      %mul3A_337 = arith.muli %add3A_288, %mul3A_336 : i32
      %add3A_338 = arith.constant 6 : i32
      %add3A_339 = arith.addi %mul3A_337, %add3A_338 : i32
      %broadcast_in_dim3A_340 = vector.broadcast %add3A_339 : i32 to vector<16xi32>
      %gather3A_341 = tpu.vector_load_idx %arg6[%broadcast_in_dim3A_340] : memref<128xi32, #tpu.memory_space<vmem>>[vector<16xi32>], vector<16xi32>,
      %mul3A_342 = arith.constant 8 : i32
      %mul3A_343 = arith.muli %add3A_288, %mul3A_342 : i32
      %add3A_344 = arith.constant 7 : i32
      %add3A_345 = arith.addi %mul3A_343, %add3A_344 : i32
      %broadcast_in_dim3A_346 = vector.broadcast %add3A_345 : i32 to vector<16xi32>
      %gather3A_347 = tpu.vector_load_idx %arg6[%broadcast_in_dim3A_346] : memref<128xi32, #tpu.memory_space<vmem>>[vector<16xi32>], vector<16xi32>,
      %parallel_loop3A_348 = arith.constant 0 : i32
      %parallel_loop3A_349 = arith.constant 64 : i32
      %parallel_loop3A_350 = arith.constant 1 : i32
      scf.for %parallel_loop3A_370 = %parallel_loop3A_348 to %parallel_loop3A_349 step %parallel_loop3A_350  : i32 {
        %parallel_loop3A_371 = arith.constant 16 : i32
        %parallel_loop3A_372 = arith.muli %parallel_loop3A_370, %parallel_loop3A_371 : i32
        %parallel_loop3A_373 = vector.broadcast %parallel_loop3A_372 : i32 to vector<16xi32>
        %parallel_loop3A_374 = arith.addi %parallel_loop3A_373, %iota3A : vector<16xi32>
        %parallel_loop3A_375 = tpu.vector_load_idx %arg7[%gather3A_305, %parallel_loop3A_374] : memref<4x1024xf32, #tpu.memory_space<vmem>>[vector<16xi32>, vector<16xi32>], vector<16xf32>,
        %parallel_loop3A_376 = arith.constant 16 : i32
        %parallel_loop3A_377 = arith.muli %parallel_loop3A_370, %parallel_loop3A_376 : i32
        %parallel_loop3A_378 = arith.constant 0 : i32
        %parallel_loop3A_379 = arith.constant 0 : i32
        %parallel_loop3A_380 = arith.index_cast %parallel_loop3A_378 : i32 to index
        %parallel_loop3A_381 = arith.index_cast %parallel_loop3A_379 : i32 to index
        %parallel_loop3A_382 = arith.index_cast %parallel_loop3A_377 : i32 to index
        %parallel_loop3A_383 = tpu.vector_load %arg10[%parallel_loop3A_380, %parallel_loop3A_381, %parallel_loop3A_382] {strides = array<i32>} : memref<8x4x1024xf32, #tpu.memory_space<vmem>>, vector<16xf32>,
        tpu.vector_store %arg10[%parallel_loop3A_380, %parallel_loop3A_381, %parallel_loop3A_382], %parallel_loop3A_375 {add = true, strides = array<i32>} : memref<8x4x1024xf32, #tpu.memory_space<vmem>>, vector<16xf32>,
        %parallel_loop3A_384 = arith.constant 16 : i32
        %parallel_loop3A_385 = arith.muli %parallel_loop3A_370, %parallel_loop3A_384 : i32
        %parallel_loop3A_386 = arith.constant 0 : i32
        %parallel_loop3A_387 = arith.constant 1 : i32
        %parallel_loop3A_388 = arith.index_cast %parallel_loop3A_386 : i32 to index
        %parallel_loop3A_389 = arith.index_cast %parallel_loop3A_387 : i32 to index
        %parallel_loop3A_390 = arith.index_cast %parallel_loop3A_385 : i32 to index
        %parallel_loop3A_391 = tpu.vector_load %arg10[%parallel_loop3A_388, %parallel_loop3A_389, %parallel_loop3A_390] {strides = array<i32>} : memref<8x4x1024xf32, #tpu.memory_space<vmem>>, vector<16xf32>,
        tpu.vector_store %arg10[%parallel_loop3A_388, %parallel_loop3A_389, %parallel_loop3A_390], %parallel_loop3A_375 {add = true, strides = array<i32>} : memref<8x4x1024xf32, #tpu.memory_space<vmem>>, vector<16xf32>,
        %parallel_loop3A_392 = arith.constant 16 : i32
        %parallel_loop3A_393 = arith.muli %parallel_loop3A_370, %parallel_loop3A_392 : i32
        %parallel_loop3A_394 = arith.constant 0 : i32
        %parallel_loop3A_395 = arith.constant 2 : i32
        %parallel_loop3A_396 = arith.index_cast %parallel_loop3A_394 : i32 to index
        %parallel_loop3A_397 = arith.index_cast %parallel_loop3A_395 : i32 to index
        %parallel_loop3A_398 = arith.index_cast %parallel_loop3A_393 : i32 to index
        %parallel_loop3A_399 = tpu.vector_load %arg10[%parallel_loop3A_396, %parallel_loop3A_397, %parallel_loop3A_398] {strides = array<i32>} : memref<8x4x1024xf32, #tpu.memory_space<vmem>>, vector<16xf32>,
        tpu.vector_store %arg10[%parallel_loop3A_396, %parallel_loop3A_397, %parallel_loop3A_398], %parallel_loop3A_375 {add = true, strides = array<i32>} : memref<8x4x1024xf32, #tpu.memory_space<vmem>>, vector<16xf32>,
        %parallel_loop3A_400 = arith.constant 16 : i32
        %parallel_loop3A_401 = arith.muli %parallel_loop3A_370, %parallel_loop3A_400 : i32
        %parallel_loop3A_402 = arith.constant 0 : i32
        %parallel_loop3A_403 = arith.constant 3 : i32
        %parallel_loop3A_404 = arith.index_cast %parallel_loop3A_402 : i32 to index
        %parallel_loop3A_405 = arith.index_cast %parallel_loop3A_403 : i32 to index
        %parallel_loop3A_406 = arith.index_cast %parallel_loop3A_401 : i32 to index
        %parallel_loop3A_407 = tpu.vector_load %arg10[%parallel_loop3A_404, %parallel_loop3A_405, %parallel_loop3A_406] {strides = array<i32>} : memref<8x4x1024xf32, #tpu.memory_space<vmem>>, vector<16xf32>,
        tpu.vector_store %arg10[%parallel_loop3A_404, %parallel_loop3A_405, %parallel_loop3A_406], %parallel_loop3A_375 {add = true, strides = array<i32>} : memref<8x4x1024xf32, #tpu.memory_space<vmem>>, vector<16xf32>,
        %parallel_loop3A_408 = tpu.vector_load_idx %arg7[%gather3A_311, %parallel_loop3A_374] : memref<4x1024xf32, #tpu.memory_space<vmem>>[vector<16xi32>, vector<16xi32>], vector<16xf32>,
        %parallel_loop3A_409 = arith.constant 16 : i32
        %parallel_loop3A_410 = arith.muli %parallel_loop3A_370, %parallel_loop3A_409 : i32
        %parallel_loop3A_411 = arith.constant 1 : i32
        %parallel_loop3A_412 = arith.constant 0 : i32
        %parallel_loop3A_413 = arith.index_cast %parallel_loop3A_411 : i32 to index
        %parallel_loop3A_414 = arith.index_cast %parallel_loop3A_412 : i32 to index
        %parallel_loop3A_415 = arith.index_cast %parallel_loop3A_410 : i32 to index
        %parallel_loop3A_416 = tpu.vector_load %arg10[%parallel_loop3A_413, %parallel_loop3A_414, %parallel_loop3A_415] {strides = array<i32>} : memref<8x4x1024xf32, #tpu.memory_space<vmem>>, vector<16xf32>,
        tpu.vector_store %arg10[%parallel_loop3A_413, %parallel_loop3A_414, %parallel_loop3A_415], %parallel_loop3A_408 {add = true, strides = array<i32>} : memref<8x4x1024xf32, #tpu.memory_space<vmem>>, vector<16xf32>,
        %parallel_loop3A_417 = arith.constant 16 : i32
        %parallel_loop3A_418 = arith.muli %parallel_loop3A_370, %parallel_loop3A_417 : i32
        %parallel_loop3A_419 = arith.constant 1 : i32
        %parallel_loop3A_420 = arith.constant 1 : i32
        %parallel_loop3A_421 = arith.index_cast %parallel_loop3A_419 : i32 to index
        %parallel_loop3A_422 = arith.index_cast %parallel_loop3A_420 : i32 to index
        %parallel_loop3A_423 = arith.index_cast %parallel_loop3A_418 : i32 to index
        %parallel_loop3A_424 = tpu.vector_load %arg10[%parallel_loop3A_421, %parallel_loop3A_422, %parallel_loop3A_423] {strides = array<i32>} : memref<8x4x1024xf32, #tpu.memory_space<vmem>>, vector<16xf32>,
        tpu.vector_store %arg10[%parallel_loop3A_421, %parallel_loop3A_422, %parallel_loop3A_423], %parallel_loop3A_408 {add = true, strides = array<i32>} : memref<8x4x1024xf32, #tpu.memory_space<vmem>>, vector<16xf32>,
        %parallel_loop3A_425 = arith.constant 16 : i32
        %parallel_loop3A_426 = arith.muli %parallel_loop3A_370, %parallel_loop3A_425 : i32
        %parallel_loop3A_427 = arith.constant 1 : i32
        %parallel_loop3A_428 = arith.constant 2 : i32
        %parallel_loop3A_429 = arith.index_cast %parallel_loop3A_427 : i32 to index
        %parallel_loop3A_430 = arith.index_cast %parallel_loop3A_428 : i32 to index
        %parallel_loop3A_431 = arith.index_cast %parallel_loop3A_426 : i32 to index
        %parallel_loop3A_432 = tpu.vector_load %arg10[%parallel_loop3A_429, %parallel_loop3A_430, %parallel_loop3A_431] {strides = array<i32>} : memref<8x4x1024xf32, #tpu.memory_space<vmem>>, vector<16xf32>,
        tpu.vector_store %arg10[%parallel_loop3A_429, %parallel_loop3A_430, %parallel_loop3A_431], %parallel_loop3A_408 {add = true, strides = array<i32>} : memref<8x4x1024xf32, #tpu.memory_space<vmem>>, vector<16xf32>,
        %parallel_loop3A_433 = arith.constant 16 : i32
        %parallel_loop3A_434 = arith.muli %parallel_loop3A_370, %parallel_loop3A_433 : i32
        %parallel_loop3A_435 = arith.constant 1 : i32
        %parallel_loop3A_436 = arith.constant 3 : i32
        %parallel_loop3A_437 = arith.index_cast %parallel_loop3A_435 : i32 to index
        %parallel_loop3A_438 = arith.index_cast %parallel_loop3A_436 : i32 to index
        %parallel_loop3A_439 = arith.index_cast %parallel_loop3A_434 : i32 to index
        %parallel_loop3A_440 = tpu.vector_load %arg10[%parallel_loop3A_437, %parallel_loop3A_438, %parallel_loop3A_439] {strides = array<i32>} : memref<8x4x1024xf32, #tpu.memory_space<vmem>>, vector<16xf32>,
        tpu.vector_store %arg10[%parallel_loop3A_437, %parallel_loop3A_438, %parallel_loop3A_439], %parallel_loop3A_408 {add = true, strides = array<i32>} : memref<8x4x1024xf32, #tpu.memory_space<vmem>>, vector<16xf32>,
        %parallel_loop3A_441 = tpu.vector_load_idx %arg7[%gather3A_317, %parallel_loop3A_374] : memref<4x1024xf32, #tpu.memory_space<vmem>>[vector<16xi32>, vector<16xi32>], vector<16xf32>,
        %parallel_loop3A_442 = arith.constant 16 : i32
        %parallel_loop3A_443 = arith.muli %parallel_loop3A_370, %parallel_loop3A_442 : i32
        %parallel_loop3A_444 = arith.constant 2 : i32
        %parallel_loop3A_445 = arith.constant 0 : i32
        %parallel_loop3A_446 = arith.index_cast %parallel_loop3A_444 : i32 to index
        %parallel_loop3A_447 = arith.index_cast %parallel_loop3A_445 : i32 to index
        %parallel_loop3A_448 = arith.index_cast %parallel_loop3A_443 : i32 to index
        %parallel_loop3A_449 = tpu.vector_load %arg10[%parallel_loop3A_446, %parallel_loop3A_447, %parallel_loop3A_448] {strides = array<i32>} : memref<8x4x1024xf32, #tpu.memory_space<vmem>>, vector<16xf32>,
        tpu.vector_store %arg10[%parallel_loop3A_446, %parallel_loop3A_447, %parallel_loop3A_448], %parallel_loop3A_441 {add = true, strides = array<i32>} : memref<8x4x1024xf32, #tpu.memory_space<vmem>>, vector<16xf32>,
        %parallel_loop3A_450 = arith.constant 16 : i32
        %parallel_loop3A_451 = arith.muli %parallel_loop3A_370, %parallel_loop3A_450 : i32
        %parallel_loop3A_452 = arith.constant 2 : i32
        %parallel_loop3A_453 = arith.constant 1 : i32
        %parallel_loop3A_454 = arith.index_cast %parallel_loop3A_452 : i32 to index
        %parallel_loop3A_455 = arith.index_cast %parallel_loop3A_453 : i32 to index
        %parallel_loop3A_456 = arith.index_cast %parallel_loop3A_451 : i32 to index
        %parallel_loop3A_457 = tpu.vector_load %arg10[%parallel_loop3A_454, %parallel_loop3A_455, %parallel_loop3A_456] {strides = array<i32>} : memref<8x4x1024xf32, #tpu.memory_space<vmem>>, vector<16xf32>,
        tpu.vector_store %arg10[%parallel_loop3A_454, %parallel_loop3A_455, %parallel_loop3A_456], %parallel_loop3A_441 {add = true, strides = array<i32>} : memref<8x4x1024xf32, #tpu.memory_space<vmem>>, vector<16xf32>,
        %parallel_loop3A_458 = arith.constant 16 : i32
        %parallel_loop3A_459 = arith.muli %parallel_loop3A_370, %parallel_loop3A_458 : i32
        %parallel_loop3A_460 = arith.constant 2 : i32
        %parallel_loop3A_461 = arith.constant 2 : i32
        %parallel_loop3A_462 = arith.index_cast %parallel_loop3A_460 : i32 to index
        %parallel_loop3A_463 = arith.index_cast %parallel_loop3A_461 : i32 to index
        %parallel_loop3A_464 = arith.index_cast %parallel_loop3A_459 : i32 to index
        %parallel_loop3A_465 = tpu.vector_load %arg10[%parallel_loop3A_462, %parallel_loop3A_463, %parallel_loop3A_464] {strides = array<i32>} : memref<8x4x1024xf32, #tpu.memory_space<vmem>>, vector<16xf32>,
        tpu.vector_store %arg10[%parallel_loop3A_462, %parallel_loop3A_463, %parallel_loop3A_464], %parallel_loop3A_441 {add = true, strides = array<i32>} : memref<8x4x1024xf32, #tpu.memory_space<vmem>>, vector<16xf32>,
        %parallel_loop3A_466 = arith.constant 16 : i32
        %parallel_loop3A_467 = arith.muli %parallel_loop3A_370, %parallel_loop3A_466 : i32
        %parallel_loop3A_468 = arith.constant 2 : i32
        %parallel_loop3A_469 = arith.constant 3 : i32
        %parallel_loop3A_470 = arith.index_cast %parallel_loop3A_468 : i32 to index
        %parallel_loop3A_471 = arith.index_cast %parallel_loop3A_469 : i32 to index
        %parallel_loop3A_472 = arith.index_cast %parallel_loop3A_467 : i32 to index
        %parallel_loop3A_473 = tpu.vector_load %arg10[%parallel_loop3A_470, %parallel_loop3A_471, %parallel_loop3A_472] {strides = array<i32>} : memref<8x4x1024xf32, #tpu.memory_space<vmem>>, vector<16xf32>,
        tpu.vector_store %arg10[%parallel_loop3A_470, %parallel_loop3A_471, %parallel_loop3A_472], %parallel_loop3A_441 {add = true, strides = array<i32>} : memref<8x4x1024xf32, #tpu.memory_space<vmem>>, vector<16xf32>,
        %parallel_loop3A_474 = tpu.vector_load_idx %arg7[%gather3A_323, %parallel_loop3A_374] : memref<4x1024xf32, #tpu.memory_space<vmem>>[vector<16xi32>, vector<16xi32>], vector<16xf32>,
        %parallel_loop3A_475 = arith.constant 16 : i32
        %parallel_loop3A_476 = arith.muli %parallel_loop3A_370, %parallel_loop3A_475 : i32
        %parallel_loop3A_477 = arith.constant 3 : i32
        %parallel_loop3A_478 = arith.constant 0 : i32
        %parallel_loop3A_479 = arith.index_cast %parallel_loop3A_477 : i32 to index
        %parallel_loop3A_480 = arith.index_cast %parallel_loop3A_478 : i32 to index
        %parallel_loop3A_481 = arith.index_cast %parallel_loop3A_476 : i32 to index
        %parallel_loop3A_482 = tpu.vector_load %arg10[%parallel_loop3A_479, %parallel_loop3A_480, %parallel_loop3A_481] {strides = array<i32>} : memref<8x4x1024xf32, #tpu.memory_space<vmem>>, vector<16xf32>,
        tpu.vector_store %arg10[%parallel_loop3A_479, %parallel_loop3A_480, %parallel_loop3A_481], %parallel_loop3A_474 {add = true, strides = array<i32>} : memref<8x4x1024xf32, #tpu.memory_space<vmem>>, vector<16xf32>,
        %parallel_loop3A_483 = arith.constant 16 : i32
        %parallel_loop3A_484 = arith.muli %parallel_loop3A_370, %parallel_loop3A_483 : i32
        %parallel_loop3A_485 = arith.constant 3 : i32
        %parallel_loop3A_486 = arith.constant 1 : i32
        %parallel_loop3A_487 = arith.index_cast %parallel_loop3A_485 : i32 to index
        %parallel_loop3A_488 = arith.index_cast %parallel_loop3A_486 : i32 to index
        %parallel_loop3A_489 = arith.index_cast %parallel_loop3A_484 : i32 to index
        %parallel_loop3A_490 = tpu.vector_load %arg10[%parallel_loop3A_487, %parallel_loop3A_488, %parallel_loop3A_489] {strides = array<i32>} : memref<8x4x1024xf32, #tpu.memory_space<vmem>>, vector<16xf32>,
        tpu.vector_store %arg10[%parallel_loop3A_487, %parallel_loop3A_488, %parallel_loop3A_489], %parallel_loop3A_474 {add = true, strides = array<i32>} : memref<8x4x1024xf32, #tpu.memory_space<vmem>>, vector<16xf32>,
        %parallel_loop3A_491 = arith.constant 16 : i32
        %parallel_loop3A_492 = arith.muli %parallel_loop3A_370, %parallel_loop3A_491 : i32
        %parallel_loop3A_493 = arith.constant 3 : i32
        %parallel_loop3A_494 = arith.constant 2 : i32
        %parallel_loop3A_495 = arith.index_cast %parallel_loop3A_493 : i32 to index
        %parallel_loop3A_496 = arith.index_cast %parallel_loop3A_494 : i32 to index
        %parallel_loop3A_497 = arith.index_cast %parallel_loop3A_492 : i32 to index
        %parallel_loop3A_498 = tpu.vector_load %arg10[%parallel_loop3A_495, %parallel_loop3A_496, %parallel_loop3A_497] {strides = array<i32>} : memref<8x4x1024xf32, #tpu.memory_space<vmem>>, vector<16xf32>,
        tpu.vector_store %arg10[%parallel_loop3A_495, %parallel_loop3A_496, %parallel_loop3A_497], %parallel_loop3A_474 {add = true, strides = array<i32>} : memref<8x4x1024xf32, #tpu.memory_space<vmem>>, vector<16xf32>,
        %parallel_loop3A_499 = arith.constant 16 : i32
        %parallel_loop3A_500 = arith.muli %parallel_loop3A_370, %parallel_loop3A_499 : i32
        %parallel_loop3A_501 = arith.constant 3 : i32
        %parallel_loop3A_502 = arith.constant 3 : i32
        %parallel_loop3A_503 = arith.index_cast %parallel_loop3A_501 : i32 to index
        %parallel_loop3A_504 = arith.index_cast %parallel_loop3A_502 : i32 to index
        %parallel_loop3A_505 = arith.index_cast %parallel_loop3A_500 : i32 to index
        %parallel_loop3A_506 = tpu.vector_load %arg10[%parallel_loop3A_503, %parallel_loop3A_504, %parallel_loop3A_505] {strides = array<i32>} : memref<8x4x1024xf32, #tpu.memory_space<vmem>>, vector<16xf32>,
        tpu.vector_store %arg10[%parallel_loop3A_503, %parallel_loop3A_504, %parallel_loop3A_505], %parallel_loop3A_474 {add = true, strides = array<i32>} : memref<8x4x1024xf32, #tpu.memory_space<vmem>>, vector<16xf32>,
        %parallel_loop3A_507 = tpu.vector_load_idx %arg7[%gather3A_329, %parallel_loop3A_374] : memref<4x1024xf32, #tpu.memory_space<vmem>>[vector<16xi32>, vector<16xi32>], vector<16xf32>,
        %parallel_loop3A_508 = arith.constant 16 : i32
        %parallel_loop3A_509 = arith.muli %parallel_loop3A_370, %parallel_loop3A_508 : i32
        %parallel_loop3A_510 = arith.constant 4 : i32
        %parallel_loop3A_511 = arith.constant 0 : i32
        %parallel_loop3A_512 = arith.index_cast %parallel_loop3A_510 : i32 to index
        %parallel_loop3A_513 = arith.index_cast %parallel_loop3A_511 : i32 to index
        %parallel_loop3A_514 = arith.index_cast %parallel_loop3A_509 : i32 to index
        %parallel_loop3A_515 = tpu.vector_load %arg10[%parallel_loop3A_512, %parallel_loop3A_513, %parallel_loop3A_514] {strides = array<i32>} : memref<8x4x1024xf32, #tpu.memory_space<vmem>>, vector<16xf32>,
        tpu.vector_store %arg10[%parallel_loop3A_512, %parallel_loop3A_513, %parallel_loop3A_514], %parallel_loop3A_507 {add = true, strides = array<i32>} : memref<8x4x1024xf32, #tpu.memory_space<vmem>>, vector<16xf32>,
        %parallel_loop3A_516 = arith.constant 16 : i32
        %parallel_loop3A_517 = arith.muli %parallel_loop3A_370, %parallel_loop3A_516 : i32
        %parallel_loop3A_518 = arith.constant 4 : i32
        %parallel_loop3A_519 = arith.constant 1 : i32
        %parallel_loop3A_520 = arith.index_cast %parallel_loop3A_518 : i32 to index
        %parallel_loop3A_521 = arith.index_cast %parallel_loop3A_519 : i32 to index
        %parallel_loop3A_522 = arith.index_cast %parallel_loop3A_517 : i32 to index
        %parallel_loop3A_523 = tpu.vector_load %arg10[%parallel_loop3A_520, %parallel_loop3A_521, %parallel_loop3A_522] {strides = array<i32>} : memref<8x4x1024xf32, #tpu.memory_space<vmem>>, vector<16xf32>,
        tpu.vector_store %arg10[%parallel_loop3A_520, %parallel_loop3A_521, %parallel_loop3A_522], %parallel_loop3A_507 {add = true, strides = array<i32>} : memref<8x4x1024xf32, #tpu.memory_space<vmem>>, vector<16xf32>,
        %parallel_loop3A_524 = arith.constant 16 : i32
        %parallel_loop3A_525 = arith.muli %parallel_loop3A_370, %parallel_loop3A_524 : i32
        %parallel_loop3A_526 = arith.constant 4 : i32
        %parallel_loop3A_527 = arith.constant 2 : i32
        %parallel_loop3A_528 = arith.index_cast %parallel_loop3A_526 : i32 to index
        %parallel_loop3A_529 = arith.index_cast %parallel_loop3A_527 : i32 to index
        %parallel_loop3A_530 = arith.index_cast %parallel_loop3A_525 : i32 to index
        %parallel_loop3A_531 = tpu.vector_load %arg10[%parallel_loop3A_528, %parallel_loop3A_529, %parallel_loop3A_530] {strides = array<i32>} : memref<8x4x1024xf32, #tpu.memory_space<vmem>>, vector<16xf32>,
        tpu.vector_store %arg10[%parallel_loop3A_528, %parallel_loop3A_529, %parallel_loop3A_530], %parallel_loop3A_507 {add = true, strides = array<i32>} : memref<8x4x1024xf32, #tpu.memory_space<vmem>>, vector<16xf32>,
        %parallel_loop3A_532 = arith.constant 16 : i32
        %parallel_loop3A_533 = arith.muli %parallel_loop3A_370, %parallel_loop3A_532 : i32
        %parallel_loop3A_534 = arith.constant 4 : i32
        %parallel_loop3A_535 = arith.constant 3 : i32
        %parallel_loop3A_536 = arith.index_cast %parallel_loop3A_534 : i32 to index
        %parallel_loop3A_537 = arith.index_cast %parallel_loop3A_535 : i32 to index
        %parallel_loop3A_538 = arith.index_cast %parallel_loop3A_533 : i32 to index
        %parallel_loop3A_539 = tpu.vector_load %arg10[%parallel_loop3A_536, %parallel_loop3A_537, %parallel_loop3A_538] {strides = array<i32>} : memref<8x4x1024xf32, #tpu.memory_space<vmem>>, vector<16xf32>,
        tpu.vector_store %arg10[%parallel_loop3A_536, %parallel_loop3A_537, %parallel_loop3A_538], %parallel_loop3A_507 {add = true, strides = array<i32>} : memref<8x4x1024xf32, #tpu.memory_space<vmem>>, vector<16xf32>,
        %parallel_loop3A_540 = tpu.vector_load_idx %arg7[%gather3A_335, %parallel_loop3A_374] : memref<4x1024xf32, #tpu.memory_space<vmem>>[vector<16xi32>, vector<16xi32>], vector<16xf32>,
        %parallel_loop3A_541 = arith.constant 16 : i32
        %parallel_loop3A_542 = arith.muli %parallel_loop3A_370, %parallel_loop3A_541 : i32
        %parallel_loop3A_543 = arith.constant 5 : i32
        %parallel_loop3A_544 = arith.constant 0 : i32
        %parallel_loop3A_545 = arith.index_cast %parallel_loop3A_543 : i32 to index
        %parallel_loop3A_546 = arith.index_cast %parallel_loop3A_544 : i32 to index
        %parallel_loop3A_547 = arith.index_cast %parallel_loop3A_542 : i32 to index
        %parallel_loop3A_548 = tpu.vector_load %arg10[%parallel_loop3A_545, %parallel_loop3A_546, %parallel_loop3A_547] {strides = array<i32>} : memref<8x4x1024xf32, #tpu.memory_space<vmem>>, vector<16xf32>,
        tpu.vector_store %arg10[%parallel_loop3A_545, %parallel_loop3A_546, %parallel_loop3A_547], %parallel_loop3A_540 {add = true, strides = array<i32>} : memref<8x4x1024xf32, #tpu.memory_space<vmem>>, vector<16xf32>,
        %parallel_loop3A_549 = arith.constant 16 : i32
        %parallel_loop3A_550 = arith.muli %parallel_loop3A_370, %parallel_loop3A_549 : i32
        %parallel_loop3A_551 = arith.constant 5 : i32
        %parallel_loop3A_552 = arith.constant 1 : i32
        %parallel_loop3A_553 = arith.index_cast %parallel_loop3A_551 : i32 to index
        %parallel_loop3A_554 = arith.index_cast %parallel_loop3A_552 : i32 to index
        %parallel_loop3A_555 = arith.index_cast %parallel_loop3A_550 : i32 to index
        %parallel_loop3A_556 = tpu.vector_load %arg10[%parallel_loop3A_553, %parallel_loop3A_554, %parallel_loop3A_555] {strides = array<i32>} : memref<8x4x1024xf32, #tpu.memory_space<vmem>>, vector<16xf32>,
        tpu.vector_store %arg10[%parallel_loop3A_553, %parallel_loop3A_554, %parallel_loop3A_555], %parallel_loop3A_540 {add = true, strides = array<i32>} : memref<8x4x1024xf32, #tpu.memory_space<vmem>>, vector<16xf32>,
        %parallel_loop3A_557 = arith.constant 16 : i32
        %parallel_loop3A_558 = arith.muli %parallel_loop3A_370, %parallel_loop3A_557 : i32
        %parallel_loop3A_559 = arith.constant 5 : i32
        %parallel_loop3A_560 = arith.constant 2 : i32
        %parallel_loop3A_561 = arith.index_cast %parallel_loop3A_559 : i32 to index
        %parallel_loop3A_562 = arith.index_cast %parallel_loop3A_560 : i32 to index
        %parallel_loop3A_563 = arith.index_cast %parallel_loop3A_558 : i32 to index
        %parallel_loop3A_564 = tpu.vector_load %arg10[%parallel_loop3A_561, %parallel_loop3A_562, %parallel_loop3A_563] {strides = array<i32>} : memref<8x4x1024xf32, #tpu.memory_space<vmem>>, vector<16xf32>,
        tpu.vector_store %arg10[%parallel_loop3A_561, %parallel_loop3A_562, %parallel_loop3A_563], %parallel_loop3A_540 {add = true, strides = array<i32>} : memref<8x4x1024xf32, #tpu.memory_space<vmem>>, vector<16xf32>,
        %parallel_loop3A_565 = arith.constant 16 : i32
        %parallel_loop3A_566 = arith.muli %parallel_loop3A_370, %parallel_loop3A_565 : i32
        %parallel_loop3A_567 = arith.constant 5 : i32
        %parallel_loop3A_568 = arith.constant 3 : i32
        %parallel_loop3A_569 = arith.index_cast %parallel_loop3A_567 : i32 to index
        %parallel_loop3A_570 = arith.index_cast %parallel_loop3A_568 : i32 to index
        %parallel_loop3A_571 = arith.index_cast %parallel_loop3A_566 : i32 to index
        %parallel_loop3A_572 = tpu.vector_load %arg10[%parallel_loop3A_569, %parallel_loop3A_570, %parallel_loop3A_571] {strides = array<i32>} : memref<8x4x1024xf32, #tpu.memory_space<vmem>>, vector<16xf32>,
        tpu.vector_store %arg10[%parallel_loop3A_569, %parallel_loop3A_570, %parallel_loop3A_571], %parallel_loop3A_540 {add = true, strides = array<i32>} : memref<8x4x1024xf32, #tpu.memory_space<vmem>>, vector<16xf32>,
        %parallel_loop3A_573 = tpu.vector_load_idx %arg7[%gather3A_341, %parallel_loop3A_374] : memref<4x1024xf32, #tpu.memory_space<vmem>>[vector<16xi32>, vector<16xi32>], vector<16xf32>,
        %parallel_loop3A_574 = arith.constant 16 : i32
        %parallel_loop3A_575 = arith.muli %parallel_loop3A_370, %parallel_loop3A_574 : i32
        %parallel_loop3A_576 = arith.constant 6 : i32
        %parallel_loop3A_577 = arith.constant 0 : i32
        %parallel_loop3A_578 = arith.index_cast %parallel_loop3A_576 : i32 to index
        %parallel_loop3A_579 = arith.index_cast %parallel_loop3A_577 : i32 to index
        %parallel_loop3A_580 = arith.index_cast %parallel_loop3A_575 : i32 to index
        %parallel_loop3A_581 = tpu.vector_load %arg10[%parallel_loop3A_578, %parallel_loop3A_579, %parallel_loop3A_580] {strides = array<i32>} : memref<8x4x1024xf32, #tpu.memory_space<vmem>>, vector<16xf32>,
        tpu.vector_store %arg10[%parallel_loop3A_578, %parallel_loop3A_579, %parallel_loop3A_580], %parallel_loop3A_573 {add = true, strides = array<i32>} : memref<8x4x1024xf32, #tpu.memory_space<vmem>>, vector<16xf32>,
        %parallel_loop3A_582 = arith.constant 16 : i32
        %parallel_loop3A_583 = arith.muli %parallel_loop3A_370, %parallel_loop3A_582 : i32
        %parallel_loop3A_584 = arith.constant 6 : i32
        %parallel_loop3A_585 = arith.constant 1 : i32
        %parallel_loop3A_586 = arith.index_cast %parallel_loop3A_584 : i32 to index
        %parallel_loop3A_587 = arith.index_cast %parallel_loop3A_585 : i32 to index
        %parallel_loop3A_588 = arith.index_cast %parallel_loop3A_583 : i32 to index
        %parallel_loop3A_589 = tpu.vector_load %arg10[%parallel_loop3A_586, %parallel_loop3A_587, %parallel_loop3A_588] {strides = array<i32>} : memref<8x4x1024xf32, #tpu.memory_space<vmem>>, vector<16xf32>,
        tpu.vector_store %arg10[%parallel_loop3A_586, %parallel_loop3A_587, %parallel_loop3A_588], %parallel_loop3A_573 {add = true, strides = array<i32>} : memref<8x4x1024xf32, #tpu.memory_space<vmem>>, vector<16xf32>,
        %parallel_loop3A_590 = arith.constant 16 : i32
        %parallel_loop3A_591 = arith.muli %parallel_loop3A_370, %parallel_loop3A_590 : i32
        %parallel_loop3A_592 = arith.constant 6 : i32
        %parallel_loop3A_593 = arith.constant 2 : i32
        %parallel_loop3A_594 = arith.index_cast %parallel_loop3A_592 : i32 to index
        %parallel_loop3A_595 = arith.index_cast %parallel_loop3A_593 : i32 to index
        %parallel_loop3A_596 = arith.index_cast %parallel_loop3A_591 : i32 to index
        %parallel_loop3A_597 = tpu.vector_load %arg10[%parallel_loop3A_594, %parallel_loop3A_595, %parallel_loop3A_596] {strides = array<i32>} : memref<8x4x1024xf32, #tpu.memory_space<vmem>>, vector<16xf32>,
        tpu.vector_store %arg10[%parallel_loop3A_594, %parallel_loop3A_595, %parallel_loop3A_596], %parallel_loop3A_573 {add = true, strides = array<i32>} : memref<8x4x1024xf32, #tpu.memory_space<vmem>>, vector<16xf32>,
        %parallel_loop3A_598 = arith.constant 16 : i32
        %parallel_loop3A_599 = arith.muli %parallel_loop3A_370, %parallel_loop3A_598 : i32
        %parallel_loop3A_600 = arith.constant 6 : i32
        %parallel_loop3A_601 = arith.constant 3 : i32
        %parallel_loop3A_602 = arith.index_cast %parallel_loop3A_600 : i32 to index
        %parallel_loop3A_603 = arith.index_cast %parallel_loop3A_601 : i32 to index
        %parallel_loop3A_604 = arith.index_cast %parallel_loop3A_599 : i32 to index
        %parallel_loop3A_605 = tpu.vector_load %arg10[%parallel_loop3A_602, %parallel_loop3A_603, %parallel_loop3A_604] {strides = array<i32>} : memref<8x4x1024xf32, #tpu.memory_space<vmem>>, vector<16xf32>,
        tpu.vector_store %arg10[%parallel_loop3A_602, %parallel_loop3A_603, %parallel_loop3A_604], %parallel_loop3A_573 {add = true, strides = array<i32>} : memref<8x4x1024xf32, #tpu.memory_space<vmem>>, vector<16xf32>,
        %parallel_loop3A_606 = tpu.vector_load_idx %arg7[%gather3A_347, %parallel_loop3A_374] : memref<4x1024xf32, #tpu.memory_space<vmem>>[vector<16xi32>, vector<16xi32>], vector<16xf32>,
        %parallel_loop3A_607 = arith.constant 16 : i32
        %parallel_loop3A_608 = arith.muli %parallel_loop3A_370, %parallel_loop3A_607 : i32
        %parallel_loop3A_609 = arith.constant 7 : i32
        %parallel_loop3A_610 = arith.constant 0 : i32
        %parallel_loop3A_611 = arith.index_cast %parallel_loop3A_609 : i32 to index
        %parallel_loop3A_612 = arith.index_cast %parallel_loop3A_610 : i32 to index
        %parallel_loop3A_613 = arith.index_cast %parallel_loop3A_608 : i32 to index
        %parallel_loop3A_614 = tpu.vector_load %arg10[%parallel_loop3A_611, %parallel_loop3A_612, %parallel_loop3A_613] {strides = array<i32>} : memref<8x4x1024xf32, #tpu.memory_space<vmem>>, vector<16xf32>,
        tpu.vector_store %arg10[%parallel_loop3A_611, %parallel_loop3A_612, %parallel_loop3A_613], %parallel_loop3A_606 {add = true, strides = array<i32>} : memref<8x4x1024xf32, #tpu.memory_space<vmem>>, vector<16xf32>,
        %parallel_loop3A_615 = arith.constant 16 : i32
        %parallel_loop3A_616 = arith.muli %parallel_loop3A_370, %parallel_loop3A_615 : i32
        %parallel_loop3A_617 = arith.constant 7 : i32
        %parallel_loop3A_618 = arith.constant 1 : i32
        %parallel_loop3A_619 = arith.index_cast %parallel_loop3A_617 : i32 to index
        %parallel_loop3A_620 = arith.index_cast %parallel_loop3A_618 : i32 to index
        %parallel_loop3A_621 = arith.index_cast %parallel_loop3A_616 : i32 to index
        %parallel_loop3A_622 = tpu.vector_load %arg10[%parallel_loop3A_619, %parallel_loop3A_620, %parallel_loop3A_621] {strides = array<i32>} : memref<8x4x1024xf32, #tpu.memory_space<vmem>>, vector<16xf32>,
        tpu.vector_store %arg10[%parallel_loop3A_619, %parallel_loop3A_620, %parallel_loop3A_621], %parallel_loop3A_606 {add = true, strides = array<i32>} : memref<8x4x1024xf32, #tpu.memory_space<vmem>>, vector<16xf32>,
        %parallel_loop3A_623 = arith.constant 16 : i32
        %parallel_loop3A_624 = arith.muli %parallel_loop3A_370, %parallel_loop3A_623 : i32
        %parallel_loop3A_625 = arith.constant 7 : i32
        %parallel_loop3A_626 = arith.constant 2 : i32
        %parallel_loop3A_627 = arith.index_cast %parallel_loop3A_625 : i32 to index
        %parallel_loop3A_628 = arith.index_cast %parallel_loop3A_626 : i32 to index
        %parallel_loop3A_629 = arith.index_cast %parallel_loop3A_624 : i32 to index
        %parallel_loop3A_630 = tpu.vector_load %arg10[%parallel_loop3A_627, %parallel_loop3A_628, %parallel_loop3A_629] {strides = array<i32>} : memref<8x4x1024xf32, #tpu.memory_space<vmem>>, vector<16xf32>,
        tpu.vector_store %arg10[%parallel_loop3A_627, %parallel_loop3A_628, %parallel_loop3A_629], %parallel_loop3A_606 {add = true, strides = array<i32>} : memref<8x4x1024xf32, #tpu.memory_space<vmem>>, vector<16xf32>,
        %parallel_loop3A_631 = arith.constant 16 : i32
        %parallel_loop3A_632 = arith.muli %parallel_loop3A_370, %parallel_loop3A_631 : i32
        %parallel_loop3A_633 = arith.constant 7 : i32
        %parallel_loop3A_634 = arith.constant 3 : i32
        %parallel_loop3A_635 = arith.index_cast %parallel_loop3A_633 : i32 to index
        %parallel_loop3A_636 = arith.index_cast %parallel_loop3A_634 : i32 to index
        %parallel_loop3A_637 = arith.index_cast %parallel_loop3A_632 : i32 to index
        %parallel_loop3A_638 = tpu.vector_load %arg10[%parallel_loop3A_635, %parallel_loop3A_636, %parallel_loop3A_637] {strides = array<i32>} : memref<8x4x1024xf32, #tpu.memory_space<vmem>>, vector<16xf32>,
        tpu.vector_store %arg10[%parallel_loop3A_635, %parallel_loop3A_636, %parallel_loop3A_637], %parallel_loop3A_606 {add = true, strides = array<i32>} : memref<8x4x1024xf32, #tpu.memory_space<vmem>>, vector<16xf32>,
      } {sc.loop_unroll_factor = 1 : i64, sc.parallel_access}
      %max3A_351 = arith.constant 0 : i32
      %max3A_352 = arith.maxsi %add3A_288, %max3A_351 : i32
      %mul3A_353 = arith.constant 8 : i32
      %mul3A_354 = arith.muli %max3A_352, %mul3A_353 : i32
      %add3A_355 = arith.addi %mul3A_2, %mul3A_354 : i32
      %dma_start3A_356 = arith.constant 0 : i32
      %dma_start3A_357 = arith.constant 0 : i32
      %dma_start3A_358 = tpu.memref_slice %arg5[%add3A_355, %dma_start3A_356, %dma_start3A_357] : memref<4096x4x1024xf32, #tpu.memory_space<hbm>> -> memref<8x4x1024xf32, #tpu.memory_space<hbm>>
      %dma_start3A_359 = arith.constant 0 : i32
      %dma_start3A_360 = arith.constant 0 : i32
      %dma_start3A_361 = tpu.memref_slice %arg5[%add3A_355, %dma_start3A_359, %dma_start3A_360] : memref<4096x4x1024xf32, #tpu.memory_space<hbm>> -> memref<8x4x1024xf32, #tpu.memory_space<hbm>>
      tpu.enqueue_dma source(%arg10 : memref<8x4x1024xf32, #tpu.memory_space<vmem>>) target(%dma_start3A_361 : memref<8x4x1024xf32, #tpu.memory_space<hbm>>) target_semaphore(%arg16 : memref<!tpu.dma_semaphore, #tpu.memory_space<semaphore_mem>>)
      %add3A_362 = arith.constant 2 : i32
      %add3A_363 = arith.addi %add3A_288, %add3A_362 : i32
      %lt3A_364 = arith.constant 16 : i32
      %lt3A_365 = arith.cmpi slt, %add3A_363, %lt3A_364 : i32
      %convert_element_type3A_366 = arith.extui %lt3A_365 : i1 to i32
      %cond3A_367 = arith.constant 0 : i32
      %cond3A_368 = arith.cmpi ne, %convert_element_type3A_366, %cond3A_367 : i32
      scf.if %cond3A_368 {
        %ge3A = arith.constant 1 : i32
        %ge3A_370 = arith.cmpi sge, %add3A_288, %ge3A : i32
        %convert_element_type3A_371 = arith.extui %ge3A_370 : i1 to i32
        %cond3A_372 = arith.constant 0 : i32
        %cond3A_373 = arith.cmpi ne, %convert_element_type3A_371, %cond3A_372 : i32
        scf.if %cond3A_373 {
          %sub3A = arith.constant 1 : i32
          %sub3A_387 = arith.subi %add3A_288, %sub3A : i32
          %max3A_388 = arith.constant 0 : i32
          %max3A_389 = arith.maxsi %sub3A_387, %max3A_388 : i32
          %mul3A_390 = arith.constant 8 : i32
          %mul3A_391 = arith.muli %max3A_389, %mul3A_390 : i32
          %add3A_392 = arith.addi %mul3A_2, %mul3A_391 : i32
          %dma_wait3A_393 = arith.constant 0 : i32
          %dma_wait3A_394 = arith.constant 0 : i32
          %dma_wait3A_395 = tpu.memref_slice %arg5[%add3A_392, %dma_wait3A_393, %dma_wait3A_394] : memref<4096x4x1024xf32, #tpu.memory_space<hbm>> -> memref<8x4x1024xf32, #tpu.memory_space<hbm>>
          %dma_wait3A_396 = arith.constant 0 : i32
          %dma_wait3A_397 = arith.constant 0 : i32
          %dma_wait3A_398 = tpu.memref_slice %arg5[%add3A_392, %dma_wait3A_396, %dma_wait3A_397] : memref<4096x4x1024xf32, #tpu.memory_space<hbm>> -> memref<8x4x1024xf32, #tpu.memory_space<hbm>>
          tpu.wait_dma2 semaphore(%arg15 : memref<!tpu.dma_semaphore, #tpu.memory_space<semaphore_mem>>) src(%arg9 : memref<8x4x1024xf32, #tpu.memory_space<vmem>>) dst(%dma_wait3A_398 : memref<8x4x1024xf32, #tpu.memory_space<hbm>>)
        } else {
        }
        %add3A_374 = arith.constant 2 : i32
        %add3A_375 = arith.addi %add3A_288, %add3A_374 : i32
        %max3A_376 = arith.constant 0 : i32
        %max3A_377 = arith.maxsi %add3A_375, %max3A_376 : i32
        %mul3A_378 = arith.constant 8 : i32
        %mul3A_379 = arith.muli %max3A_377, %mul3A_378 : i32
        %add3A_380 = arith.addi %mul3A_2, %mul3A_379 : i32
        %dma_start3A_381 = arith.constant 0 : i32
        %dma_start3A_382 = arith.constant 0 : i32
        %dma_start3A_383 = tpu.memref_slice %arg2[%add3A_380, %dma_start3A_381, %dma_start3A_382] : memref<4096x4x1024xf32, #tpu.memory_space<hbm>> -> memref<8x4x1024xf32, #tpu.memory_space<hbm>>
        %dma_start3A_384 = arith.constant 0 : i32
        %dma_start3A_385 = arith.constant 0 : i32
        %dma_start3A_386 = tpu.memref_slice %arg2[%add3A_380, %dma_start3A_384, %dma_start3A_385] : memref<4096x4x1024xf32, #tpu.memory_space<hbm>> -> memref<8x4x1024xf32, #tpu.memory_space<hbm>>
        tpu.enqueue_dma source(%dma_start3A_386 : memref<8x4x1024xf32, #tpu.memory_space<hbm>>) target(%arg9 : memref<8x4x1024xf32, #tpu.memory_space<vmem>>) target_semaphore(%arg12 : memref<!tpu.dma_semaphore, #tpu.memory_space<semaphore_mem>>)
      } else {
      }
      %scan3A_369 = arith.constant 0 : i32
      scf.yield %scan3A_369 : i32
    }
    %scan3A_33 = arith.constant 5 : i32
    %max3A_34 = arith.constant 15 : i32
    %max3A_35 = arith.constant 0 : i32
    %max3A_36 = arith.maxsi %max3A_34, %max3A_35 : i32
    %mul3A_37 = arith.constant 8 : i32
    %mul3A_38 = arith.muli %max3A_36, %mul3A_37 : i32
    %add3A_39 = arith.addi %mul3A_2, %mul3A_38 : i32
    %dma_wait3A_40 = arith.constant 0 : i32
    %dma_wait3A_41 = arith.constant 0 : i32
    %dma_wait3A_42 = tpu.memref_slice %arg2[%add3A_39, %dma_wait3A_40, %dma_wait3A_41] : memref<4096x4x1024xf32, #tpu.memory_space<hbm>> -> memref<8x4x1024xf32, #tpu.memory_space<hbm>>
    %dma_wait3A_43 = arith.constant 0 : i32
    %dma_wait3A_44 = arith.constant 0 : i32
    %dma_wait3A_45 = tpu.memref_slice %arg2[%add3A_39, %dma_wait3A_43, %dma_wait3A_44] : memref<4096x4x1024xf32, #tpu.memory_space<hbm>> -> memref<8x4x1024xf32, #tpu.memory_space<hbm>>
    tpu.wait_dma2 semaphore(%arg11 : memref<!tpu.dma_semaphore, #tpu.memory_space<semaphore_mem>>) src(%dma_wait3A_45 : memref<8x4x1024xf32, #tpu.memory_space<hbm>>) dst(%arg8 : memref<8x4x1024xf32, #tpu.memory_space<vmem>>)
    %broadcast_in_dim3A = arith.constant 120 : i32
    %broadcast_in_dim3A_46 = vector.broadcast %broadcast_in_dim3A : i32 to vector<16xi32>
    %gather3A = tpu.vector_load_idx %arg6[%broadcast_in_dim3A_46] : memref<128xi32, #tpu.memory_space<vmem>>[vector<16xi32>], vector<16xi32>,
    %broadcast_in_dim3A_47 = arith.constant 121 : i32
    %broadcast_in_dim3A_48 = vector.broadcast %broadcast_in_dim3A_47 : i32 to vector<16xi32>
    %gather3A_49 = tpu.vector_load_idx %arg6[%broadcast_in_dim3A_48] : memref<128xi32, #tpu.memory_space<vmem>>[vector<16xi32>], vector<16xi32>,
    %broadcast_in_dim3A_50 = arith.constant 122 : i32
    %broadcast_in_dim3A_51 = vector.broadcast %broadcast_in_dim3A_50 : i32 to vector<16xi32>
    %gather3A_52 = tpu.vector_load_idx %arg6[%broadcast_in_dim3A_51] : memref<128xi32, #tpu.memory_space<vmem>>[vector<16xi32>], vector<16xi32>,
    %broadcast_in_dim3A_53 = arith.constant 123 : i32
    %broadcast_in_dim3A_54 = vector.broadcast %broadcast_in_dim3A_53 : i32 to vector<16xi32>
    %gather3A_55 = tpu.vector_load_idx %arg6[%broadcast_in_dim3A_54] : memref<128xi32, #tpu.memory_space<vmem>>[vector<16xi32>], vector<16xi32>,
    %broadcast_in_dim3A_56 = arith.constant 124 : i32
    %broadcast_in_dim3A_57 = vector.broadcast %broadcast_in_dim3A_56 : i32 to vector<16xi32>
    %gather3A_58 = tpu.vector_load_idx %arg6[%broadcast_in_dim3A_57] : memref<128xi32, #tpu.memory_space<vmem>>[vector<16xi32>], vector<16xi32>,
    %broadcast_in_dim3A_59 = arith.constant 125 : i32
    %broadcast_in_dim3A_60 = vector.broadcast %broadcast_in_dim3A_59 : i32 to vector<16xi32>
    %gather3A_61 = tpu.vector_load_idx %arg6[%broadcast_in_dim3A_60] : memref<128xi32, #tpu.memory_space<vmem>>[vector<16xi32>], vector<16xi32>,
    %broadcast_in_dim3A_62 = arith.constant 126 : i32
    %broadcast_in_dim3A_63 = vector.broadcast %broadcast_in_dim3A_62 : i32 to vector<16xi32>
    %gather3A_64 = tpu.vector_load_idx %arg6[%broadcast_in_dim3A_63] : memref<128xi32, #tpu.memory_space<vmem>>[vector<16xi32>], vector<16xi32>,
    %broadcast_in_dim3A_65 = arith.constant 127 : i32
    %broadcast_in_dim3A_66 = vector.broadcast %broadcast_in_dim3A_65 : i32 to vector<16xi32>
    %gather3A_67 = tpu.vector_load_idx %arg6[%broadcast_in_dim3A_66] : memref<128xi32, #tpu.memory_space<vmem>>[vector<16xi32>], vector<16xi32>,
    %parallel_loop3A = arith.constant 0 : i32
    %parallel_loop3A_68 = arith.constant 64 : i32
    %parallel_loop3A_69 = arith.constant 1 : i32
    scf.for %parallel_loop3A_118 = %parallel_loop3A to %parallel_loop3A_68 step %parallel_loop3A_69  : i32 {
      %parallel_loop3A_119 = arith.constant 16 : i32
      %parallel_loop3A_120 = arith.muli %parallel_loop3A_118, %parallel_loop3A_119 : i32
      %parallel_loop3A_121 = vector.broadcast %parallel_loop3A_120 : i32 to vector<16xi32>
      %parallel_loop3A_122 = arith.addi %parallel_loop3A_121, %iota3A : vector<16xi32>
      %parallel_loop3A_123 = tpu.vector_load_idx %arg7[%gather3A, %parallel_loop3A_122] : memref<4x1024xf32, #tpu.memory_space<vmem>>[vector<16xi32>, vector<16xi32>], vector<16xf32>,
      %parallel_loop3A_124 = arith.constant 16 : i32
      %parallel_loop3A_125 = arith.muli %parallel_loop3A_118, %parallel_loop3A_124 : i32
      %parallel_loop3A_126 = arith.constant 0 : i32
      %parallel_loop3A_127 = arith.constant 0 : i32
      %parallel_loop3A_128 = arith.index_cast %parallel_loop3A_126 : i32 to index
      %parallel_loop3A_129 = arith.index_cast %parallel_loop3A_127 : i32 to index
      %parallel_loop3A_130 = arith.index_cast %parallel_loop3A_125 : i32 to index
      %parallel_loop3A_131 = tpu.vector_load %arg8[%parallel_loop3A_128, %parallel_loop3A_129, %parallel_loop3A_130] {strides = array<i32>} : memref<8x4x1024xf32, #tpu.memory_space<vmem>>, vector<16xf32>,
      tpu.vector_store %arg8[%parallel_loop3A_128, %parallel_loop3A_129, %parallel_loop3A_130], %parallel_loop3A_123 {add = true, strides = array<i32>} : memref<8x4x1024xf32, #tpu.memory_space<vmem>>, vector<16xf32>,
      %parallel_loop3A_132 = arith.constant 16 : i32
      %parallel_loop3A_133 = arith.muli %parallel_loop3A_118, %parallel_loop3A_132 : i32
      %parallel_loop3A_134 = arith.constant 0 : i32
      %parallel_loop3A_135 = arith.constant 1 : i32
      %parallel_loop3A_136 = arith.index_cast %parallel_loop3A_134 : i32 to index
      %parallel_loop3A_137 = arith.index_cast %parallel_loop3A_135 : i32 to index
      %parallel_loop3A_138 = arith.index_cast %parallel_loop3A_133 : i32 to index
      %parallel_loop3A_139 = tpu.vector_load %arg8[%parallel_loop3A_136, %parallel_loop3A_137, %parallel_loop3A_138] {strides = array<i32>} : memref<8x4x1024xf32, #tpu.memory_space<vmem>>, vector<16xf32>,
      tpu.vector_store %arg8[%parallel_loop3A_136, %parallel_loop3A_137, %parallel_loop3A_138], %parallel_loop3A_123 {add = true, strides = array<i32>} : memref<8x4x1024xf32, #tpu.memory_space<vmem>>, vector<16xf32>,
      %parallel_loop3A_140 = arith.constant 16 : i32
      %parallel_loop3A_141 = arith.muli %parallel_loop3A_118, %parallel_loop3A_140 : i32
      %parallel_loop3A_142 = arith.constant 0 : i32
      %parallel_loop3A_143 = arith.constant 2 : i32
      %parallel_loop3A_144 = arith.index_cast %parallel_loop3A_142 : i32 to index
      %parallel_loop3A_145 = arith.index_cast %parallel_loop3A_143 : i32 to index
      %parallel_loop3A_146 = arith.index_cast %parallel_loop3A_141 : i32 to index
      %parallel_loop3A_147 = tpu.vector_load %arg8[%parallel_loop3A_144, %parallel_loop3A_145, %parallel_loop3A_146] {strides = array<i32>} : memref<8x4x1024xf32, #tpu.memory_space<vmem>>, vector<16xf32>,
      tpu.vector_store %arg8[%parallel_loop3A_144, %parallel_loop3A_145, %parallel_loop3A_146], %parallel_loop3A_123 {add = true, strides = array<i32>} : memref<8x4x1024xf32, #tpu.memory_space<vmem>>, vector<16xf32>,
      %parallel_loop3A_148 = arith.constant 16 : i32
      %parallel_loop3A_149 = arith.muli %parallel_loop3A_118, %parallel_loop3A_148 : i32
      %parallel_loop3A_150 = arith.constant 0 : i32
      %parallel_loop3A_151 = arith.constant 3 : i32
      %parallel_loop3A_152 = arith.index_cast %parallel_loop3A_150 : i32 to index
      %parallel_loop3A_153 = arith.index_cast %parallel_loop3A_151 : i32 to index
      %parallel_loop3A_154 = arith.index_cast %parallel_loop3A_149 : i32 to index
      %parallel_loop3A_155 = tpu.vector_load %arg8[%parallel_loop3A_152, %parallel_loop3A_153, %parallel_loop3A_154] {strides = array<i32>} : memref<8x4x1024xf32, #tpu.memory_space<vmem>>, vector<16xf32>,
      tpu.vector_store %arg8[%parallel_loop3A_152, %parallel_loop3A_153, %parallel_loop3A_154], %parallel_loop3A_123 {add = true, strides = array<i32>} : memref<8x4x1024xf32, #tpu.memory_space<vmem>>, vector<16xf32>,
      %parallel_loop3A_156 = tpu.vector_load_idx %arg7[%gather3A_49, %parallel_loop3A_122] : memref<4x1024xf32, #tpu.memory_space<vmem>>[vector<16xi32>, vector<16xi32>], vector<16xf32>,
      %parallel_loop3A_157 = arith.constant 16 : i32
      %parallel_loop3A_158 = arith.muli %parallel_loop3A_118, %parallel_loop3A_157 : i32
      %parallel_loop3A_159 = arith.constant 1 : i32
      %parallel_loop3A_160 = arith.constant 0 : i32
      %parallel_loop3A_161 = arith.index_cast %parallel_loop3A_159 : i32 to index
      %parallel_loop3A_162 = arith.index_cast %parallel_loop3A_160 : i32 to index
      %parallel_loop3A_163 = arith.index_cast %parallel_loop3A_158 : i32 to index
      %parallel_loop3A_164 = tpu.vector_load %arg8[%parallel_loop3A_161, %parallel_loop3A_162, %parallel_loop3A_163] {strides = array<i32>} : memref<8x4x1024xf32, #tpu.memory_space<vmem>>, vector<16xf32>,
      tpu.vector_store %arg8[%parallel_loop3A_161, %parallel_loop3A_162, %parallel_loop3A_163], %parallel_loop3A_156 {add = true, strides = array<i32>} : memref<8x4x1024xf32, #tpu.memory_space<vmem>>, vector<16xf32>,
      %parallel_loop3A_165 = arith.constant 16 : i32
      %parallel_loop3A_166 = arith.muli %parallel_loop3A_118, %parallel_loop3A_165 : i32
      %parallel_loop3A_167 = arith.constant 1 : i32
      %parallel_loop3A_168 = arith.constant 1 : i32
      %parallel_loop3A_169 = arith.index_cast %parallel_loop3A_167 : i32 to index
      %parallel_loop3A_170 = arith.index_cast %parallel_loop3A_168 : i32 to index
      %parallel_loop3A_171 = arith.index_cast %parallel_loop3A_166 : i32 to index
      %parallel_loop3A_172 = tpu.vector_load %arg8[%parallel_loop3A_169, %parallel_loop3A_170, %parallel_loop3A_171] {strides = array<i32>} : memref<8x4x1024xf32, #tpu.memory_space<vmem>>, vector<16xf32>,
      tpu.vector_store %arg8[%parallel_loop3A_169, %parallel_loop3A_170, %parallel_loop3A_171], %parallel_loop3A_156 {add = true, strides = array<i32>} : memref<8x4x1024xf32, #tpu.memory_space<vmem>>, vector<16xf32>,
      %parallel_loop3A_173 = arith.constant 16 : i32
      %parallel_loop3A_174 = arith.muli %parallel_loop3A_118, %parallel_loop3A_173 : i32
      %parallel_loop3A_175 = arith.constant 1 : i32
      %parallel_loop3A_176 = arith.constant 2 : i32
      %parallel_loop3A_177 = arith.index_cast %parallel_loop3A_175 : i32 to index
      %parallel_loop3A_178 = arith.index_cast %parallel_loop3A_176 : i32 to index
      %parallel_loop3A_179 = arith.index_cast %parallel_loop3A_174 : i32 to index
      %parallel_loop3A_180 = tpu.vector_load %arg8[%parallel_loop3A_177, %parallel_loop3A_178, %parallel_loop3A_179] {strides = array<i32>} : memref<8x4x1024xf32, #tpu.memory_space<vmem>>, vector<16xf32>,
      tpu.vector_store %arg8[%parallel_loop3A_177, %parallel_loop3A_178, %parallel_loop3A_179], %parallel_loop3A_156 {add = true, strides = array<i32>} : memref<8x4x1024xf32, #tpu.memory_space<vmem>>, vector<16xf32>,
      %parallel_loop3A_181 = arith.constant 16 : i32
      %parallel_loop3A_182 = arith.muli %parallel_loop3A_118, %parallel_loop3A_181 : i32
      %parallel_loop3A_183 = arith.constant 1 : i32
      %parallel_loop3A_184 = arith.constant 3 : i32
      %parallel_loop3A_185 = arith.index_cast %parallel_loop3A_183 : i32 to index
      %parallel_loop3A_186 = arith.index_cast %parallel_loop3A_184 : i32 to index
      %parallel_loop3A_187 = arith.index_cast %parallel_loop3A_182 : i32 to index
      %parallel_loop3A_188 = tpu.vector_load %arg8[%parallel_loop3A_185, %parallel_loop3A_186, %parallel_loop3A_187] {strides = array<i32>} : memref<8x4x1024xf32, #tpu.memory_space<vmem>>, vector<16xf32>,
      tpu.vector_store %arg8[%parallel_loop3A_185, %parallel_loop3A_186, %parallel_loop3A_187], %parallel_loop3A_156 {add = true, strides = array<i32>} : memref<8x4x1024xf32, #tpu.memory_space<vmem>>, vector<16xf32>,
      %parallel_loop3A_189 = tpu.vector_load_idx %arg7[%gather3A_52, %parallel_loop3A_122] : memref<4x1024xf32, #tpu.memory_space<vmem>>[vector<16xi32>, vector<16xi32>], vector<16xf32>,
      %parallel_loop3A_190 = arith.constant 16 : i32
      %parallel_loop3A_191 = arith.muli %parallel_loop3A_118, %parallel_loop3A_190 : i32
      %parallel_loop3A_192 = arith.constant 2 : i32
      %parallel_loop3A_193 = arith.constant 0 : i32
      %parallel_loop3A_194 = arith.index_cast %parallel_loop3A_192 : i32 to index
      %parallel_loop3A_195 = arith.index_cast %parallel_loop3A_193 : i32 to index
      %parallel_loop3A_196 = arith.index_cast %parallel_loop3A_191 : i32 to index
      %parallel_loop3A_197 = tpu.vector_load %arg8[%parallel_loop3A_194, %parallel_loop3A_195, %parallel_loop3A_196] {strides = array<i32>} : memref<8x4x1024xf32, #tpu.memory_space<vmem>>, vector<16xf32>,
      tpu.vector_store %arg8[%parallel_loop3A_194, %parallel_loop3A_195, %parallel_loop3A_196], %parallel_loop3A_189 {add = true, strides = array<i32>} : memref<8x4x1024xf32, #tpu.memory_space<vmem>>, vector<16xf32>,
      %parallel_loop3A_198 = arith.constant 16 : i32
      %parallel_loop3A_199 = arith.muli %parallel_loop3A_118, %parallel_loop3A_198 : i32
      %parallel_loop3A_200 = arith.constant 2 : i32
      %parallel_loop3A_201 = arith.constant 1 : i32
      %parallel_loop3A_202 = arith.index_cast %parallel_loop3A_200 : i32 to index
      %parallel_loop3A_203 = arith.index_cast %parallel_loop3A_201 : i32 to index
      %parallel_loop3A_204 = arith.index_cast %parallel_loop3A_199 : i32 to index
      %parallel_loop3A_205 = tpu.vector_load %arg8[%parallel_loop3A_202, %parallel_loop3A_203, %parallel_loop3A_204] {strides = array<i32>} : memref<8x4x1024xf32, #tpu.memory_space<vmem>>, vector<16xf32>,
      tpu.vector_store %arg8[%parallel_loop3A_202, %parallel_loop3A_203, %parallel_loop3A_204], %parallel_loop3A_189 {add = true, strides = array<i32>} : memref<8x4x1024xf32, #tpu.memory_space<vmem>>, vector<16xf32>,
      %parallel_loop3A_206 = arith.constant 16 : i32
      %parallel_loop3A_207 = arith.muli %parallel_loop3A_118, %parallel_loop3A_206 : i32
      %parallel_loop3A_208 = arith.constant 2 : i32
      %parallel_loop3A_209 = arith.constant 2 : i32
      %parallel_loop3A_210 = arith.index_cast %parallel_loop3A_208 : i32 to index
      %parallel_loop3A_211 = arith.index_cast %parallel_loop3A_209 : i32 to index
      %parallel_loop3A_212 = arith.index_cast %parallel_loop3A_207 : i32 to index
      %parallel_loop3A_213 = tpu.vector_load %arg8[%parallel_loop3A_210, %parallel_loop3A_211, %parallel_loop3A_212] {strides = array<i32>} : memref<8x4x1024xf32, #tpu.memory_space<vmem>>, vector<16xf32>,
      tpu.vector_store %arg8[%parallel_loop3A_210, %parallel_loop3A_211, %parallel_loop3A_212], %parallel_loop3A_189 {add = true, strides = array<i32>} : memref<8x4x1024xf32, #tpu.memory_space<vmem>>, vector<16xf32>,
      %parallel_loop3A_214 = arith.constant 16 : i32
      %parallel_loop3A_215 = arith.muli %parallel_loop3A_118, %parallel_loop3A_214 : i32
      %parallel_loop3A_216 = arith.constant 2 : i32
      %parallel_loop3A_217 = arith.constant 3 : i32
      %parallel_loop3A_218 = arith.index_cast %parallel_loop3A_216 : i32 to index
      %parallel_loop3A_219 = arith.index_cast %parallel_loop3A_217 : i32 to index
      %parallel_loop3A_220 = arith.index_cast %parallel_loop3A_215 : i32 to index
      %parallel_loop3A_221 = tpu.vector_load %arg8[%parallel_loop3A_218, %parallel_loop3A_219, %parallel_loop3A_220] {strides = array<i32>} : memref<8x4x1024xf32, #tpu.memory_space<vmem>>, vector<16xf32>,
      tpu.vector_store %arg8[%parallel_loop3A_218, %parallel_loop3A_219, %parallel_loop3A_220], %parallel_loop3A_189 {add = true, strides = array<i32>} : memref<8x4x1024xf32, #tpu.memory_space<vmem>>, vector<16xf32>,
      %parallel_loop3A_222 = tpu.vector_load_idx %arg7[%gather3A_55, %parallel_loop3A_122] : memref<4x1024xf32, #tpu.memory_space<vmem>>[vector<16xi32>, vector<16xi32>], vector<16xf32>,
      %parallel_loop3A_223 = arith.constant 16 : i32
      %parallel_loop3A_224 = arith.muli %parallel_loop3A_118, %parallel_loop3A_223 : i32
      %parallel_loop3A_225 = arith.constant 3 : i32
      %parallel_loop3A_226 = arith.constant 0 : i32
      %parallel_loop3A_227 = arith.index_cast %parallel_loop3A_225 : i32 to index
      %parallel_loop3A_228 = arith.index_cast %parallel_loop3A_226 : i32 to index
      %parallel_loop3A_229 = arith.index_cast %parallel_loop3A_224 : i32 to index
      %parallel_loop3A_230 = tpu.vector_load %arg8[%parallel_loop3A_227, %parallel_loop3A_228, %parallel_loop3A_229] {strides = array<i32>} : memref<8x4x1024xf32, #tpu.memory_space<vmem>>, vector<16xf32>,
      tpu.vector_store %arg8[%parallel_loop3A_227, %parallel_loop3A_228, %parallel_loop3A_229], %parallel_loop3A_222 {add = true, strides = array<i32>} : memref<8x4x1024xf32, #tpu.memory_space<vmem>>, vector<16xf32>,
      %parallel_loop3A_231 = arith.constant 16 : i32
      %parallel_loop3A_232 = arith.muli %parallel_loop3A_118, %parallel_loop3A_231 : i32
      %parallel_loop3A_233 = arith.constant 3 : i32
      %parallel_loop3A_234 = arith.constant 1 : i32
      %parallel_loop3A_235 = arith.index_cast %parallel_loop3A_233 : i32 to index
      %parallel_loop3A_236 = arith.index_cast %parallel_loop3A_234 : i32 to index
      %parallel_loop3A_237 = arith.index_cast %parallel_loop3A_232 : i32 to index
      %parallel_loop3A_238 = tpu.vector_load %arg8[%parallel_loop3A_235, %parallel_loop3A_236, %parallel_loop3A_237] {strides = array<i32>} : memref<8x4x1024xf32, #tpu.memory_space<vmem>>, vector<16xf32>,
      tpu.vector_store %arg8[%parallel_loop3A_235, %parallel_loop3A_236, %parallel_loop3A_237], %parallel_loop3A_222 {add = true, strides = array<i32>} : memref<8x4x1024xf32, #tpu.memory_space<vmem>>, vector<16xf32>,
      %parallel_loop3A_239 = arith.constant 16 : i32
      %parallel_loop3A_240 = arith.muli %parallel_loop3A_118, %parallel_loop3A_239 : i32
      %parallel_loop3A_241 = arith.constant 3 : i32
      %parallel_loop3A_242 = arith.constant 2 : i32
      %parallel_loop3A_243 = arith.index_cast %parallel_loop3A_241 : i32 to index
      %parallel_loop3A_244 = arith.index_cast %parallel_loop3A_242 : i32 to index
      %parallel_loop3A_245 = arith.index_cast %parallel_loop3A_240 : i32 to index
      %parallel_loop3A_246 = tpu.vector_load %arg8[%parallel_loop3A_243, %parallel_loop3A_244, %parallel_loop3A_245] {strides = array<i32>} : memref<8x4x1024xf32, #tpu.memory_space<vmem>>, vector<16xf32>,
      tpu.vector_store %arg8[%parallel_loop3A_243, %parallel_loop3A_244, %parallel_loop3A_245], %parallel_loop3A_222 {add = true, strides = array<i32>} : memref<8x4x1024xf32, #tpu.memory_space<vmem>>, vector<16xf32>,
      %parallel_loop3A_247 = arith.constant 16 : i32
      %parallel_loop3A_248 = arith.muli %parallel_loop3A_118, %parallel_loop3A_247 : i32
      %parallel_loop3A_249 = arith.constant 3 : i32
      %parallel_loop3A_250 = arith.constant 3 : i32
      %parallel_loop3A_251 = arith.index_cast %parallel_loop3A_249 : i32 to index
      %parallel_loop3A_252 = arith.index_cast %parallel_loop3A_250 : i32 to index
      %parallel_loop3A_253 = arith.index_cast %parallel_loop3A_248 : i32 to index
      %parallel_loop3A_254 = tpu.vector_load %arg8[%parallel_loop3A_251, %parallel_loop3A_252, %parallel_loop3A_253] {strides = array<i32>} : memref<8x4x1024xf32, #tpu.memory_space<vmem>>, vector<16xf32>,
      tpu.vector_store %arg8[%parallel_loop3A_251, %parallel_loop3A_252, %parallel_loop3A_253], %parallel_loop3A_222 {add = true, strides = array<i32>} : memref<8x4x1024xf32, #tpu.memory_space<vmem>>, vector<16xf32>,
      %parallel_loop3A_255 = tpu.vector_load_idx %arg7[%gather3A_58, %parallel_loop3A_122] : memref<4x1024xf32, #tpu.memory_space<vmem>>[vector<16xi32>, vector<16xi32>], vector<16xf32>,
      %parallel_loop3A_256 = arith.constant 16 : i32
      %parallel_loop3A_257 = arith.muli %parallel_loop3A_118, %parallel_loop3A_256 : i32
      %parallel_loop3A_258 = arith.constant 4 : i32
      %parallel_loop3A_259 = arith.constant 0 : i32
      %parallel_loop3A_260 = arith.index_cast %parallel_loop3A_258 : i32 to index
      %parallel_loop3A_261 = arith.index_cast %parallel_loop3A_259 : i32 to index
      %parallel_loop3A_262 = arith.index_cast %parallel_loop3A_257 : i32 to index
      %parallel_loop3A_263 = tpu.vector_load %arg8[%parallel_loop3A_260, %parallel_loop3A_261, %parallel_loop3A_262] {strides = array<i32>} : memref<8x4x1024xf32, #tpu.memory_space<vmem>>, vector<16xf32>,
      tpu.vector_store %arg8[%parallel_loop3A_260, %parallel_loop3A_261, %parallel_loop3A_262], %parallel_loop3A_255 {add = true, strides = array<i32>} : memref<8x4x1024xf32, #tpu.memory_space<vmem>>, vector<16xf32>,
      %parallel_loop3A_264 = arith.constant 16 : i32
      %parallel_loop3A_265 = arith.muli %parallel_loop3A_118, %parallel_loop3A_264 : i32
      %parallel_loop3A_266 = arith.constant 4 : i32
      %parallel_loop3A_267 = arith.constant 1 : i32
      %parallel_loop3A_268 = arith.index_cast %parallel_loop3A_266 : i32 to index
      %parallel_loop3A_269 = arith.index_cast %parallel_loop3A_267 : i32 to index
      %parallel_loop3A_270 = arith.index_cast %parallel_loop3A_265 : i32 to index
      %parallel_loop3A_271 = tpu.vector_load %arg8[%parallel_loop3A_268, %parallel_loop3A_269, %parallel_loop3A_270] {strides = array<i32>} : memref<8x4x1024xf32, #tpu.memory_space<vmem>>, vector<16xf32>,
      tpu.vector_store %arg8[%parallel_loop3A_268, %parallel_loop3A_269, %parallel_loop3A_270], %parallel_loop3A_255 {add = true, strides = array<i32>} : memref<8x4x1024xf32, #tpu.memory_space<vmem>>, vector<16xf32>,
      %parallel_loop3A_272 = arith.constant 16 : i32
      %parallel_loop3A_273 = arith.muli %parallel_loop3A_118, %parallel_loop3A_272 : i32
      %parallel_loop3A_274 = arith.constant 4 : i32
      %parallel_loop3A_275 = arith.constant 2 : i32
      %parallel_loop3A_276 = arith.index_cast %parallel_loop3A_274 : i32 to index
      %parallel_loop3A_277 = arith.index_cast %parallel_loop3A_275 : i32 to index
      %parallel_loop3A_278 = arith.index_cast %parallel_loop3A_273 : i32 to index
      %parallel_loop3A_279 = tpu.vector_load %arg8[%parallel_loop3A_276, %parallel_loop3A_277, %parallel_loop3A_278] {strides = array<i32>} : memref<8x4x1024xf32, #tpu.memory_space<vmem>>, vector<16xf32>,
      tpu.vector_store %arg8[%parallel_loop3A_276, %parallel_loop3A_277, %parallel_loop3A_278], %parallel_loop3A_255 {add = true, strides = array<i32>} : memref<8x4x1024xf32, #tpu.memory_space<vmem>>, vector<16xf32>,
      %parallel_loop3A_280 = arith.constant 16 : i32
      %parallel_loop3A_281 = arith.muli %parallel_loop3A_118, %parallel_loop3A_280 : i32
      %parallel_loop3A_282 = arith.constant 4 : i32
      %parallel_loop3A_283 = arith.constant 3 : i32
      %parallel_loop3A_284 = arith.index_cast %parallel_loop3A_282 : i32 to index
      %parallel_loop3A_285 = arith.index_cast %parallel_loop3A_283 : i32 to index
      %parallel_loop3A_286 = arith.index_cast %parallel_loop3A_281 : i32 to index
      %parallel_loop3A_287 = tpu.vector_load %arg8[%parallel_loop3A_284, %parallel_loop3A_285, %parallel_loop3A_286] {strides = array<i32>} : memref<8x4x1024xf32, #tpu.memory_space<vmem>>, vector<16xf32>,
      tpu.vector_store %arg8[%parallel_loop3A_284, %parallel_loop3A_285, %parallel_loop3A_286], %parallel_loop3A_255 {add = true, strides = array<i32>} : memref<8x4x1024xf32, #tpu.memory_space<vmem>>, vector<16xf32>,
      %parallel_loop3A_288 = tpu.vector_load_idx %arg7[%gather3A_61, %parallel_loop3A_122] : memref<4x1024xf32, #tpu.memory_space<vmem>>[vector<16xi32>, vector<16xi32>], vector<16xf32>,
      %parallel_loop3A_289 = arith.constant 16 : i32
      %parallel_loop3A_290 = arith.muli %parallel_loop3A_118, %parallel_loop3A_289 : i32
      %parallel_loop3A_291 = arith.constant 5 : i32
      %parallel_loop3A_292 = arith.constant 0 : i32
      %parallel_loop3A_293 = arith.index_cast %parallel_loop3A_291 : i32 to index
      %parallel_loop3A_294 = arith.index_cast %parallel_loop3A_292 : i32 to index
      %parallel_loop3A_295 = arith.index_cast %parallel_loop3A_290 : i32 to index
      %parallel_loop3A_296 = tpu.vector_load %arg8[%parallel_loop3A_293, %parallel_loop3A_294, %parallel_loop3A_295] {strides = array<i32>} : memref<8x4x1024xf32, #tpu.memory_space<vmem>>, vector<16xf32>,
      tpu.vector_store %arg8[%parallel_loop3A_293, %parallel_loop3A_294, %parallel_loop3A_295], %parallel_loop3A_288 {add = true, strides = array<i32>} : memref<8x4x1024xf32, #tpu.memory_space<vmem>>, vector<16xf32>,
      %parallel_loop3A_297 = arith.constant 16 : i32
      %parallel_loop3A_298 = arith.muli %parallel_loop3A_118, %parallel_loop3A_297 : i32
      %parallel_loop3A_299 = arith.constant 5 : i32
      %parallel_loop3A_300 = arith.constant 1 : i32
      %parallel_loop3A_301 = arith.index_cast %parallel_loop3A_299 : i32 to index
      %parallel_loop3A_302 = arith.index_cast %parallel_loop3A_300 : i32 to index
      %parallel_loop3A_303 = arith.index_cast %parallel_loop3A_298 : i32 to index
      %parallel_loop3A_304 = tpu.vector_load %arg8[%parallel_loop3A_301, %parallel_loop3A_302, %parallel_loop3A_303] {strides = array<i32>} : memref<8x4x1024xf32, #tpu.memory_space<vmem>>, vector<16xf32>,
      tpu.vector_store %arg8[%parallel_loop3A_301, %parallel_loop3A_302, %parallel_loop3A_303], %parallel_loop3A_288 {add = true, strides = array<i32>} : memref<8x4x1024xf32, #tpu.memory_space<vmem>>, vector<16xf32>,
      %parallel_loop3A_305 = arith.constant 16 : i32
      %parallel_loop3A_306 = arith.muli %parallel_loop3A_118, %parallel_loop3A_305 : i32
      %parallel_loop3A_307 = arith.constant 5 : i32
      %parallel_loop3A_308 = arith.constant 2 : i32
      %parallel_loop3A_309 = arith.index_cast %parallel_loop3A_307 : i32 to index
      %parallel_loop3A_310 = arith.index_cast %parallel_loop3A_308 : i32 to index
      %parallel_loop3A_311 = arith.index_cast %parallel_loop3A_306 : i32 to index
      %parallel_loop3A_312 = tpu.vector_load %arg8[%parallel_loop3A_309, %parallel_loop3A_310, %parallel_loop3A_311] {strides = array<i32>} : memref<8x4x1024xf32, #tpu.memory_space<vmem>>, vector<16xf32>,
      tpu.vector_store %arg8[%parallel_loop3A_309, %parallel_loop3A_310, %parallel_loop3A_311], %parallel_loop3A_288 {add = true, strides = array<i32>} : memref<8x4x1024xf32, #tpu.memory_space<vmem>>, vector<16xf32>,
      %parallel_loop3A_313 = arith.constant 16 : i32
      %parallel_loop3A_314 = arith.muli %parallel_loop3A_118, %parallel_loop3A_313 : i32
      %parallel_loop3A_315 = arith.constant 5 : i32
      %parallel_loop3A_316 = arith.constant 3 : i32
      %parallel_loop3A_317 = arith.index_cast %parallel_loop3A_315 : i32 to index
      %parallel_loop3A_318 = arith.index_cast %parallel_loop3A_316 : i32 to index
      %parallel_loop3A_319 = arith.index_cast %parallel_loop3A_314 : i32 to index
      %parallel_loop3A_320 = tpu.vector_load %arg8[%parallel_loop3A_317, %parallel_loop3A_318, %parallel_loop3A_319] {strides = array<i32>} : memref<8x4x1024xf32, #tpu.memory_space<vmem>>, vector<16xf32>,
      tpu.vector_store %arg8[%parallel_loop3A_317, %parallel_loop3A_318, %parallel_loop3A_319], %parallel_loop3A_288 {add = true, strides = array<i32>} : memref<8x4x1024xf32, #tpu.memory_space<vmem>>, vector<16xf32>,
      %parallel_loop3A_321 = tpu.vector_load_idx %arg7[%gather3A_64, %parallel_loop3A_122] : memref<4x1024xf32, #tpu.memory_space<vmem>>[vector<16xi32>, vector<16xi32>], vector<16xf32>,
      %parallel_loop3A_322 = arith.constant 16 : i32
      %parallel_loop3A_323 = arith.muli %parallel_loop3A_118, %parallel_loop3A_322 : i32
      %parallel_loop3A_324 = arith.constant 6 : i32
      %parallel_loop3A_325 = arith.constant 0 : i32
      %parallel_loop3A_326 = arith.index_cast %parallel_loop3A_324 : i32 to index
      %parallel_loop3A_327 = arith.index_cast %parallel_loop3A_325 : i32 to index
      %parallel_loop3A_328 = arith.index_cast %parallel_loop3A_323 : i32 to index
      %parallel_loop3A_329 = tpu.vector_load %arg8[%parallel_loop3A_326, %parallel_loop3A_327, %parallel_loop3A_328] {strides = array<i32>} : memref<8x4x1024xf32, #tpu.memory_space<vmem>>, vector<16xf32>,
      tpu.vector_store %arg8[%parallel_loop3A_326, %parallel_loop3A_327, %parallel_loop3A_328], %parallel_loop3A_321 {add = true, strides = array<i32>} : memref<8x4x1024xf32, #tpu.memory_space<vmem>>, vector<16xf32>,
      %parallel_loop3A_330 = arith.constant 16 : i32
      %parallel_loop3A_331 = arith.muli %parallel_loop3A_118, %parallel_loop3A_330 : i32
      %parallel_loop3A_332 = arith.constant 6 : i32
      %parallel_loop3A_333 = arith.constant 1 : i32
      %parallel_loop3A_334 = arith.index_cast %parallel_loop3A_332 : i32 to index
      %parallel_loop3A_335 = arith.index_cast %parallel_loop3A_333 : i32 to index
      %parallel_loop3A_336 = arith.index_cast %parallel_loop3A_331 : i32 to index
      %parallel_loop3A_337 = tpu.vector_load %arg8[%parallel_loop3A_334, %parallel_loop3A_335, %parallel_loop3A_336] {strides = array<i32>} : memref<8x4x1024xf32, #tpu.memory_space<vmem>>, vector<16xf32>,
      tpu.vector_store %arg8[%parallel_loop3A_334, %parallel_loop3A_335, %parallel_loop3A_336], %parallel_loop3A_321 {add = true, strides = array<i32>} : memref<8x4x1024xf32, #tpu.memory_space<vmem>>, vector<16xf32>,
      %parallel_loop3A_338 = arith.constant 16 : i32
      %parallel_loop3A_339 = arith.muli %parallel_loop3A_118, %parallel_loop3A_338 : i32
      %parallel_loop3A_340 = arith.constant 6 : i32
      %parallel_loop3A_341 = arith.constant 2 : i32
      %parallel_loop3A_342 = arith.index_cast %parallel_loop3A_340 : i32 to index
      %parallel_loop3A_343 = arith.index_cast %parallel_loop3A_341 : i32 to index
      %parallel_loop3A_344 = arith.index_cast %parallel_loop3A_339 : i32 to index
      %parallel_loop3A_345 = tpu.vector_load %arg8[%parallel_loop3A_342, %parallel_loop3A_343, %parallel_loop3A_344] {strides = array<i32>} : memref<8x4x1024xf32, #tpu.memory_space<vmem>>, vector<16xf32>,
      tpu.vector_store %arg8[%parallel_loop3A_342, %parallel_loop3A_343, %parallel_loop3A_344], %parallel_loop3A_321 {add = true, strides = array<i32>} : memref<8x4x1024xf32, #tpu.memory_space<vmem>>, vector<16xf32>,
      %parallel_loop3A_346 = arith.constant 16 : i32
      %parallel_loop3A_347 = arith.muli %parallel_loop3A_118, %parallel_loop3A_346 : i32
      %parallel_loop3A_348 = arith.constant 6 : i32
      %parallel_loop3A_349 = arith.constant 3 : i32
      %parallel_loop3A_350 = arith.index_cast %parallel_loop3A_348 : i32 to index
      %parallel_loop3A_351 = arith.index_cast %parallel_loop3A_349 : i32 to index
      %parallel_loop3A_352 = arith.index_cast %parallel_loop3A_347 : i32 to index
      %parallel_loop3A_353 = tpu.vector_load %arg8[%parallel_loop3A_350, %parallel_loop3A_351, %parallel_loop3A_352] {strides = array<i32>} : memref<8x4x1024xf32, #tpu.memory_space<vmem>>, vector<16xf32>,
      tpu.vector_store %arg8[%parallel_loop3A_350, %parallel_loop3A_351, %parallel_loop3A_352], %parallel_loop3A_321 {add = true, strides = array<i32>} : memref<8x4x1024xf32, #tpu.memory_space<vmem>>, vector<16xf32>,
      %parallel_loop3A_354 = tpu.vector_load_idx %arg7[%gather3A_67, %parallel_loop3A_122] : memref<4x1024xf32, #tpu.memory_space<vmem>>[vector<16xi32>, vector<16xi32>], vector<16xf32>,
      %parallel_loop3A_355 = arith.constant 16 : i32
      %parallel_loop3A_356 = arith.muli %parallel_loop3A_118, %parallel_loop3A_355 : i32
      %parallel_loop3A_357 = arith.constant 7 : i32
      %parallel_loop3A_358 = arith.constant 0 : i32
      %parallel_loop3A_359 = arith.index_cast %parallel_loop3A_357 : i32 to index
      %parallel_loop3A_360 = arith.index_cast %parallel_loop3A_358 : i32 to index
      %parallel_loop3A_361 = arith.index_cast %parallel_loop3A_356 : i32 to index
      %parallel_loop3A_362 = tpu.vector_load %arg8[%parallel_loop3A_359, %parallel_loop3A_360, %parallel_loop3A_361] {strides = array<i32>} : memref<8x4x1024xf32, #tpu.memory_space<vmem>>, vector<16xf32>,
      tpu.vector_store %arg8[%parallel_loop3A_359, %parallel_loop3A_360, %parallel_loop3A_361], %parallel_loop3A_354 {add = true, strides = array<i32>} : memref<8x4x1024xf32, #tpu.memory_space<vmem>>, vector<16xf32>,
      %parallel_loop3A_363 = arith.constant 16 : i32
      %parallel_loop3A_364 = arith.muli %parallel_loop3A_118, %parallel_loop3A_363 : i32
      %parallel_loop3A_365 = arith.constant 7 : i32
      %parallel_loop3A_366 = arith.constant 1 : i32
      %parallel_loop3A_367 = arith.index_cast %parallel_loop3A_365 : i32 to index
      %parallel_loop3A_368 = arith.index_cast %parallel_loop3A_366 : i32 to index
      %parallel_loop3A_369 = arith.index_cast %parallel_loop3A_364 : i32 to index
      %parallel_loop3A_370 = tpu.vector_load %arg8[%parallel_loop3A_367, %parallel_loop3A_368, %parallel_loop3A_369] {strides = array<i32>} : memref<8x4x1024xf32, #tpu.memory_space<vmem>>, vector<16xf32>,
      tpu.vector_store %arg8[%parallel_loop3A_367, %parallel_loop3A_368, %parallel_loop3A_369], %parallel_loop3A_354 {add = true, strides = array<i32>} : memref<8x4x1024xf32, #tpu.memory_space<vmem>>, vector<16xf32>,
      %parallel_loop3A_371 = arith.constant 16 : i32
      %parallel_loop3A_372 = arith.muli %parallel_loop3A_118, %parallel_loop3A_371 : i32
      %parallel_loop3A_373 = arith.constant 7 : i32
      %parallel_loop3A_374 = arith.constant 2 : i32
      %parallel_loop3A_375 = arith.index_cast %parallel_loop3A_373 : i32 to index
      %parallel_loop3A_376 = arith.index_cast %parallel_loop3A_374 : i32 to index
      %parallel_loop3A_377 = arith.index_cast %parallel_loop3A_372 : i32 to index
      %parallel_loop3A_378 = tpu.vector_load %arg8[%parallel_loop3A_375, %parallel_loop3A_376, %parallel_loop3A_377] {strides = array<i32>} : memref<8x4x1024xf32, #tpu.memory_space<vmem>>, vector<16xf32>,
      tpu.vector_store %arg8[%parallel_loop3A_375, %parallel_loop3A_376, %parallel_loop3A_377], %parallel_loop3A_354 {add = true, strides = array<i32>} : memref<8x4x1024xf32, #tpu.memory_space<vmem>>, vector<16xf32>,
      %parallel_loop3A_379 = arith.constant 16 : i32
      %parallel_loop3A_380 = arith.muli %parallel_loop3A_118, %parallel_loop3A_379 : i32
      %parallel_loop3A_381 = arith.constant 7 : i32
      %parallel_loop3A_382 = arith.constant 3 : i32
      %parallel_loop3A_383 = arith.index_cast %parallel_loop3A_381 : i32 to index
      %parallel_loop3A_384 = arith.index_cast %parallel_loop3A_382 : i32 to index
      %parallel_loop3A_385 = arith.index_cast %parallel_loop3A_380 : i32 to index
      %parallel_loop3A_386 = tpu.vector_load %arg8[%parallel_loop3A_383, %parallel_loop3A_384, %parallel_loop3A_385] {strides = array<i32>} : memref<8x4x1024xf32, #tpu.memory_space<vmem>>, vector<16xf32>,
      tpu.vector_store %arg8[%parallel_loop3A_383, %parallel_loop3A_384, %parallel_loop3A_385], %parallel_loop3A_354 {add = true, strides = array<i32>} : memref<8x4x1024xf32, #tpu.memory_space<vmem>>, vector<16xf32>,
    } {sc.loop_unroll_factor = 1 : i64, sc.parallel_access}
    %max3A_70 = arith.constant 15 : i32
    %max3A_71 = arith.constant 0 : i32
    %max3A_72 = arith.maxsi %max3A_70, %max3A_71 : i32
    %mul3A_73 = arith.constant 8 : i32
    %mul3A_74 = arith.muli %max3A_72, %mul3A_73 : i32
    %add3A_75 = arith.addi %mul3A_2, %mul3A_74 : i32
    %dma_start3A_76 = arith.constant 0 : i32
    %dma_start3A_77 = arith.constant 0 : i32
    %dma_start3A_78 = tpu.memref_slice %arg5[%add3A_75, %dma_start3A_76, %dma_start3A_77] : memref<4096x4x1024xf32, #tpu.memory_space<hbm>> -> memref<8x4x1024xf32, #tpu.memory_space<hbm>>
    %dma_start3A_79 = arith.constant 0 : i32
    %dma_start3A_80 = arith.constant 0 : i32
    %dma_start3A_81 = tpu.memref_slice %arg5[%add3A_75, %dma_start3A_79, %dma_start3A_80] : memref<4096x4x1024xf32, #tpu.memory_space<hbm>> -> memref<8x4x1024xf32, #tpu.memory_space<hbm>>
    tpu.enqueue_dma source(%arg8 : memref<8x4x1024xf32, #tpu.memory_space<vmem>>) target(%dma_start3A_81 : memref<8x4x1024xf32, #tpu.memory_space<hbm>>) target_semaphore(%arg14 : memref<!tpu.dma_semaphore, #tpu.memory_space<semaphore_mem>>)
    %max3A_82 = arith.constant 13 : i32
    %max3A_83 = arith.constant 0 : i32
    %max3A_84 = arith.maxsi %max3A_82, %max3A_83 : i32
    %mul3A_85 = arith.constant 8 : i32
    %mul3A_86 = arith.muli %max3A_84, %mul3A_85 : i32
    %add3A_87 = arith.addi %mul3A_2, %mul3A_86 : i32
    %dma_wait3A_88 = arith.constant 0 : i32
    %dma_wait3A_89 = arith.constant 0 : i32
    %dma_wait3A_90 = tpu.memref_slice %arg5[%add3A_87, %dma_wait3A_88, %dma_wait3A_89] : memref<4096x4x1024xf32, #tpu.memory_space<hbm>> -> memref<8x4x1024xf32, #tpu.memory_space<hbm>>
    %dma_wait3A_91 = arith.constant 0 : i32
    %dma_wait3A_92 = arith.constant 0 : i32
    %dma_wait3A_93 = tpu.memref_slice %arg5[%add3A_87, %dma_wait3A_91, %dma_wait3A_92] : memref<4096x4x1024xf32, #tpu.memory_space<hbm>> -> memref<8x4x1024xf32, #tpu.memory_space<hbm>>
    tpu.wait_dma2 semaphore(%arg15 : memref<!tpu.dma_semaphore, #tpu.memory_space<semaphore_mem>>) src(%arg9 : memref<8x4x1024xf32, #tpu.memory_space<vmem>>) dst(%dma_wait3A_93 : memref<8x4x1024xf32, #tpu.memory_space<hbm>>)
    %max3A_94 = arith.constant 14 : i32
    %max3A_95 = arith.constant 0 : i32
    %max3A_96 = arith.maxsi %max3A_94, %max3A_95 : i32
    %mul3A_97 = arith.constant 8 : i32
    %mul3A_98 = arith.muli %max3A_96, %mul3A_97 : i32
    %add3A_99 = arith.addi %mul3A_2, %mul3A_98 : i32
    %dma_wait3A_100 = arith.constant 0 : i32
    %dma_wait3A_101 = arith.constant 0 : i32
    %dma_wait3A_102 = tpu.memref_slice %arg5[%add3A_99, %dma_wait3A_100, %dma_wait3A_101] : memref<4096x4x1024xf32, #tpu.memory_space<hbm>> -> memref<8x4x1024xf32, #tpu.memory_space<hbm>>
    %dma_wait3A_103 = arith.constant 0 : i32
    %dma_wait3A_104 = arith.constant 0 : i32
    %dma_wait3A_105 = tpu.memref_slice %arg5[%add3A_99, %dma_wait3A_103, %dma_wait3A_104] : memref<4096x4x1024xf32, #tpu.memory_space<hbm>> -> memref<8x4x1024xf32, #tpu.memory_space<hbm>>
    tpu.wait_dma2 semaphore(%arg16 : memref<!tpu.dma_semaphore, #tpu.memory_space<semaphore_mem>>) src(%arg10 : memref<8x4x1024xf32, #tpu.memory_space<vmem>>) dst(%dma_wait3A_105 : memref<8x4x1024xf32, #tpu.memory_space<hbm>>)
    %max3A_106 = arith.constant 15 : i32
    %max3A_107 = arith.constant 0 : i32
    %max3A_108 = arith.maxsi %max3A_106, %max3A_107 : i32
    %mul3A_109 = arith.constant 8 : i32
    %mul3A_110 = arith.muli %max3A_108, %mul3A_109 : i32
    %add3A_111 = arith.addi %mul3A_2, %mul3A_110 : i32
    %dma_wait3A_112 = arith.constant 0 : i32
    %dma_wait3A_113 = arith.constant 0 : i32
    %dma_wait3A_114 = tpu.memref_slice %arg5[%add3A_111, %dma_wait3A_112, %dma_wait3A_113] : memref<4096x4x1024xf32, #tpu.memory_space<hbm>> -> memref<8x4x1024xf32, #tpu.memory_space<hbm>>
    %dma_wait3A_115 = arith.constant 0 : i32
    %dma_wait3A_116 = arith.constant 0 : i32
    %dma_wait3A_117 = tpu.memref_slice %arg5[%add3A_111, %dma_wait3A_115, %dma_wait3A_116] : memref<4096x4x1024xf32, #tpu.memory_space<hbm>> -> memref<8x4x1024xf32, #tpu.memory_space<hbm>>
    tpu.wait_dma2 semaphore(%arg14 : memref<!tpu.dma_semaphore, #tpu.memory_space<semaphore_mem>>) src(%arg8 : memref<8x4x1024xf32, #tpu.memory_space<vmem>>) dst(%dma_wait3A_117 : memref<8x4x1024xf32, #tpu.memory_space<hbm>>)
    return
  }
}

</mosaic_0001>

<sc_bundles>
// kernel: _run.3.cloned.1.call-start
scs
__scs_entry_jumppad:
0x0: {  	(pc) =	sbr.rel $0x88, $3  }
0x1: {  	(tag) =	ssettag $0x0;
	lr =	simm.s32 $0x1  }
0x2: {  	[smem:$0x3F9E] =	sst lr;
	_ =	strace $0xD0000000  }
0x3: {  	_ = 	snop  }
0x4: {  	_ = 	snop  }
0x5: {  	_ = 	snop  }
0x6: {  	_ = 	snop  }
0x7: {  	_ = 	snop  }
__scs_overlays_trampoline_lowered:
0x8: {  	[smem:$0x3FAD] =	sst s0  }
0x9: {  	[smem:$0x3FAE] =	sst s1  }
0xa: {  	[smem:$0x3FAF] =	sst s2  }
0xb: {  	[smem:$0x3FB0] =	sst s3  }
0xc: {  	[smem:$0x3FB1] =	sst s4  }
0xd: {  	[smem:$0x3FB2] =	sst s5  }
0xe: {  	[smem:$0x3FB3] =	sst s6  }
0xf: {  	[smem:$0x3FB4] =	sst s7  }
0x10: {  	[smem:$0x3FB5] =	sst s8  }
0x11: {  	[smem:$0x3FB6] =	sst s9;
	s0 =	simm.s32 @!p0 $0x0  }
0x12: {  	s1 =	sld [smem:$0x3F9C];
	s0 =	simm.s32 @p0 $0x1  }
0x13: {  	[smem:$0x3FB7] =	sst s0;
	s0 =	simm.s32 @!p1 $0x0  }
0x14: {  	s2 =	sld [smem:$0x3F9B];
	s0 =	simm.s32 @p1 $0x1  }
0x15: {  	[smem:$0x3FB8] =	sst s0;
	s0 =	simm.s32 @!p2 $0x0  }
0x16: {  	s3 =	sld [smem:$0x3FDB];
	s0 =	simm.s32 @p2 $0x1  }
0x17: {  	s4 =	simm.s32 $0x1BF5;
	[smem:$0x3FBA] =	sst s0  }
0x18: {  	s0 =	sld [smem:$0x3F9D];
	_ =	swait.ge [sflag:s4], $0x0  }
0x19: {  	s7 =	sld [smem:$0x3F9E]  }
0x1a: {  	s8 =	sadd.s32 $0xFFFFE003, lr  }
0x1b: {  	s9 =	sadd.s32 $0xFFFFFEF7, lr;
	s5 =	simm.s32 $0xFFFFFFFF;
	p2 =	slt.u32 s8, $0xFFFFF086  }
0x1c: {  	p1 =	slt.u32 s9, $0xF7A;
	s5 =	simm.s32 @!p2 $0x0  }
0x1d: {  	s5 =	simm.s32 @p1 $0x1;
	p0 =	seq.s32 s7, s2  }
0x1e: {  	s7 =	smul.u32 @!p0 $0xF7A, s2;
	p2 =	seq.s32 @!p0 s5, $0x0  }
0x1f: {  	s9 =	smul.u32 $0xF7A, s1;
	s8 =	simm.s32 @!p0 $0x1BF5;
	p2 =	por !p2, p0  }
0x20: {  	[sflag:s8] =	ssyncset.s32 @!p0 $0xFFFFF086;
	s6 =	sadd.s32 @!p0 s3, s7;
	s7 =	simm.s32 @!p0 $0x108  }
0x21: {  	s3 =	sadd.s32 s3, s9;
	s6 =	sadd.s32 @!p0 $0x88, s6;
	s7 =	simm.s32 @p2 $0x1082  }
0x22: {  	[simem:s7], [sflag:s8] =	dma.local @!p0 [hbm:s6], $0xF7A  }
0x23: {  	s9 =	sor.u32 $0xD0000000, s2;
	s6 =	simm.s32 $0x108;
	_ =	swait.ge @!p0 [sflag:s8], $0x0  }
0x24: {  	s3 =	sadd.s32 $0x88, s3;
	s6 =	simm.s32 @!p1 $0x1082;
	[sflag:s4] =	ssyncset.s32 $0xFFFFF086  }
0x25: {  	[simem:s6], [sflag:s4] =	dma.local [hbm:s3], $0xF7A  }
0x26: {  	[smem:$0x3F9E] =	sst s1;
	(tag) =	ssettag s2;
	_ =	strace s9  }
0x27: {  	s1 =	sld [smem:$0x3FAE]  }
0x28: {  	s2 =	sld [smem:$0x3FAF]  }
0x29: {  	s4 =	sld [smem:$0x3FB1]  }
0x2a: {  	p0 =	seq.s32 s5, $0x0;
	s5 =	sld [smem:$0x3FB2]  }
0x2b: {  	s6 =	sld [smem:$0x3FB3]  }
0x2c: {  	s7 =	sld [smem:$0x3FB4]  }
0x2d: {  	s3 =	simm.s32 $0x108;
	s8 =	sld [smem:$0x3FB5]  }
0x2e: {  	s3 =	simm.s32 @!p0 $0x1082;
	s9 =	sld [smem:$0x3FB6]  }
0x2f: {  	lr =	sadd.s32 s0, s3;
	s0 =	sld [smem:$0x3FAD]  }
0x30: {  	s3 =	sld [smem:$0x3FB0]  }
0x31: {  	[smem:$0x3FB9] =	sst s10  }
0x32: {  	s10 =	sld [smem:$0x3FB7];
	_ =	sdelay $0x3  }
0x33: {  	p0 =	seq.s32 s10, $0x1;
	s10 =	sld [smem:$0x3FB9];
	_ =	sdelay $0x3  }
0x34: {  	[smem:$0x3FB9] =	sst s10  }
0x35: {  	s10 =	sld [smem:$0x3FB8];
	_ =	sdelay $0x3  }
0x36: {  	p1 =	seq.s32 s10, $0x1;
	s10 =	sld [smem:$0x3FB9];
	_ =	sdelay $0x3  }
0x37: {  	[smem:$0x3FB9] =	sst s10  }
0x38: {  	s10 =	sld [smem:$0x3FBA]  }
0x39: {  	_ = 	snop;
	(pc) =	sbr.ind lr, $3  }
0x3a: {  	_ = 	snop  }
0x3b: {  	_ = 	snop  }
0x3c: {  	p2 =	seq.s32 s10, $0x1;
	s10 =	sld [smem:$0x3FB9]  }
0x3d: {  	_ =	shalt  }
0x3e: {  	_ =	shalt  }
0x3f: {  	_ =	shalt  }
0x40: {  	_ =	shalt  }
0x41: {  	_ =	shalt  }
0x42: {  	_ =	shalt  }
0x43: {  	_ =	shalt  }
0x44: {  	_ =	shalt  }
0x45: {  	_ =	shalt  }
0x46: {  	_ =	shalt  }
0x47: {  	_ =	shalt  }
0x48: {  	_ =	shalt  }
0x49: {  	_ =	shalt  }
0x4a: {  	_ =	shalt  }
0x4b: {  	_ =	shalt  }
0x4c: {  	_ =	shalt  }
0x4d: {  	_ =	shalt  }
0x4e: {  	_ =	shalt  }
0x4f: {  	_ =	shalt  }
0x50: {  	_ =	shalt  }
0x51: {  	_ =	shalt  }
0x52: {  	_ =	shalt  }
0x53: {  	_ =	shalt  }
0x54: {  	_ =	shalt  }
0x55: {  	_ =	shalt  }
0x56: {  	_ =	shalt  }
0x57: {  	_ =	shalt  }
0x58: {  	_ =	shalt  }
0x59: {  	_ =	shalt  }
0x5a: {  	_ =	shalt  }
0x5b: {  	_ =	shalt  }
0x5c: {  	_ =	shalt  }
0x5d: {  	_ =	shalt  }
0x5e: {  	_ =	shalt  }
0x5f: {  	_ =	shalt  }
0x60: {  	_ =	shalt  }
0x61: {  	_ =	shalt  }
0x62: {  	_ =	shalt  }
0x63: {  	_ =	shalt  }
0x64: {  	_ =	shalt  }
0x65: {  	_ =	shalt  }
0x66: {  	_ =	shalt  }
0x67: {  	_ =	shalt  }
0x68: {  	_ =	shalt  }
0x69: {  	_ =	shalt  }
0x6a: {  	_ =	shalt  }
0x6b: {  	_ =	shalt  }
0x6c: {  	_ =	shalt  }
0x6d: {  	_ =	shalt  }
0x6e: {  	_ =	shalt  }
0x6f: {  	_ =	shalt  }
0x70: {  	_ =	shalt  }
0x71: {  	_ =	shalt  }
0x72: {  	_ =	shalt  }
0x73: {  	_ =	shalt  }
0x74: {  	_ =	shalt  }
0x75: {  	_ =	shalt  }
0x76: {  	_ =	shalt  }
0x77: {  	_ =	shalt  }
0x78: {  	_ =	shalt  }
0x79: {  	_ =	shalt  }
0x7a: {  	_ =	shalt  }
0x7b: {  	_ =	shalt  }
0x7c: {  	_ =	shalt  }
0x7d: {  	_ =	shalt  }
0x7e: {  	_ =	shalt  }
0x7f: {  	_ =	shalt  }
0x80: {  	_ =	shalt  }
0x81: {  	_ =	shalt  }
0x82: {  	_ =	shalt  }
0x83: {  	_ =	shalt  }
0x84: {  	_ =	shalt  }
0x85: {  	_ =	shalt  }
0x86: {  	_ =	shalt  }
0x87: {  	_ =	shalt  }
.Lfunc_end0:
.L_simem_size_0:
called_computation_lowered:
.L_overlay_start_0:
0x88: {  	s2 =	sld [smem:$0x3FD9]  }
0x89: {  	s3 =	sld [smem:$0x3FFE];
	_ =	sdelay $0x1  }
0x8a: {  	s1 =	srdreg.scid  }
0x8b: {  	s0 =	sand.u32 $0x1, s1  }
0x8c: {  	s18 =	sshll.u32 s0, $0xA;
	s2 =	sadd.s32 s3, s2  }
0x8d: {  	s2 =	sadd.s32 s2, s18  }
0x8e: {  	[smem:$0x3FC5] =	sst s2  }
0x8f: {  	_ = 	snop  }
0x90: {  	s2 =	sld [smem:$0x3FC9]  }
0x91: {  	s19 =	sld [smem:$0x3FC8]  }
0x92: {  	s4 =	sld [smem:$0x3FC7]  }
0x93: {  	s5 =	sld [smem:$0x3FD0];
	(tm) =	ssettm $0x1  }
0x94: {  	s6 =	sld [smem:$0x3FFB];
	_ =	sdelay $0x3  }
0x95: {  	_ =	strace s6  }
0x96: {  	s6 =	sld [smem:$0x3FFC];
	_ =	sdelay $0x3  }
0x97: {  	_ =	strace s6  }
0x98: {  	s6 =	sld [smem:$0x3FFD];
	_ =	sdelay $0x3  }
0x99: {  	_ =	strace s6  }
0x9a: {  	_ =	strace $0x8FFFFFFF  }
0x9b: {  	s20 =	sld [smem:$0x3FDB];
	_ =	sdelay $0x1  }
0x9c: {  	s7 =	simm.s32 $_scs_section_size  }
0x9d: {  	s8 =	simm.s32 $_size__tile_overlayer_lowered;
	s9 =	simm.s32 $_tile_overlayer_lowered  }
0x9e: {  	s23 =	simm.s32 $0x1BFF;
	s22 =	sshll.u32 s9, $0x1;
	s6 =	sadd.s32 s7, s20  }
0x9f: {  	s10 =	simm.s32 $0x0;
	s21 =	sshll.u32 s8, $0x1;
	s8 =	sadd.s32 s22, s6  }
0xa0: {  	[timem:s10], [sflag:s23] =	dma.local [hbm:s8], s21  }
0xa1: {  	_ =	swait.ge [sflag:s23], s21  }
0xa2: {  	s7 =	ssub.s32 $0x0, s21;
	[sflag:s23] =	ssyncset.done $0x0  }
0xa3: {  	[sflag:s23] =	ssyncadd.s32 s7;
	_ =	sdelay $0x1  }
0xa4: {  	s24 =	simm.s32 $0x1B8B  }
0xa5: {  	_ =	swait.ge [sflag:s24], $0x1  }
0xa6: {  	[sflag:s24] =	ssyncset.done $0x0  }
0xa7: {  	s25 =	simm.s32 $0x1B8E;
	[sflag:s24] =	ssyncadd.s32 $0xFFFFFFFF  }
0xa8: {  	s26 =	simm.s32 $execute0_lowered;
	[smem:$0x3FD2] =	sst s25  }
0xa9: {  	s7 =	sshll.u32 s26, $0x1;
	_ =	strace $0x80000046;
	[dreg:$0x1] =	wrdreg $0xFFFFFFFF  }
0xaa: {  	s28 =	simm.s32 $_size_execute0_lowered;
	s6 =	sadd.s32 s6, s7;
	[dreg:$0x0] =	wrdreg $0x0  }
0xab: {  	s7 =	sshll.u32 s28, $0x1;
	[dreg:$0x2] =	wrdreg s6  }
0xac: {  	[dreg:$0x3] =	wrdreg s7  }
0xad: {  	[dreg:$0x4] =	wrdreg $0xC0  }
0xae: {  	_ =	task [dreg:s10], $0x5FFFF  }
0xaf: {  	[dreg:$0x1] =	wrdreg $0xFFFFFFFF  }
0xb0: {  	[dreg:$0x0] =	wrdreg $0x60  }
0xb1: {  	[dreg:$0x2] =	wrdreg s2  }
0xb2: {  	[dreg:$0x3] =	wrdreg s19  }
0xb3: {  	[dreg:$0x4] =	wrdreg s4  }
0xb4: {  	[dreg:$0x5] =	wrdreg s5  }
0xb5: {  	[dreg:$0x6] =	wrdreg $0x9  }
0xb6: {  	_ =	task.clear_ibuf [dreg:s10], $0x7FFFF;
	_ =	strace $0x90000046  }
0xb7: {  	s29 =	simm.s32 $0x9;
	_ =	strace $0x80000048  }
0xb8: {  	_ =	swait.ge [sflag:s29], $0x1  }
0xb9: {  	[sflag:s29] =	ssyncadd.s32 $0xFFFFFFFF  }
0xba: {  	_ =	strace $0x90000048  }
0xbb: {  	_ =	sfence  }
0xbc: {  	s30 =	sld [smem:$0x0];
	_ =	sdelay $0x2  }
0xbd: {  	s31 =	sshll.u32 s1, $0xD;
	s1 =	sshrl.u32 s1, $0x2  }
0xbe: {  	s3 =	sand.u32 $0x4000, s31;
	s1 =	sadd.s32 s1, s30  }
0xbf: {  	s0 =	sor.u32 s3, s0;
	s1 =	sshll.u32 s1, $0x11  }
0xc0: {  	s0 =	sor.u32 s1, s0  }
0xc1: {  	s0 =	sadd.s32 $0x8F2B, s0  }
0xc2: {  	[sflag:s0] =	ssyncadd.remote.s32 $0x1  }
0xc3: {  	_ =	sfence.sel $0xFFFF  }
0xc4: {  	[dreg:$0x0] =	wrdreg $0xFFFFFFFF;
	(pc) =	sbr.abs _section_cstart, $3  }
0xc5: {  	[dreg:$0x1] =	wrdreg $0xFFFFFFFF  }
0xc6: {  	_ =	task.clear_ibuf [dreg:s10], $0x2FFFF;
	_ =	strace $0x9FFFFFFF  }
0xc7: {  	(tm) =	ssettm $0x7FFFFFFF  }
tec
execute0_lowered:
.L_overlay_start_1:
0x0: {  	(tag) =	ssettag $0x1  }
0x1: {  	s1 =	rddreg [dreg:$0x0]  }
0x2: {  	s0 =	srdreg.scid;
	s2 =	rddreg [dreg:$0x2]  }
0x3: {  	s3 =	stileid.u32;
	s4 =	rddreg [dreg:$0x3];
	s5 =	simm.s32 $0x0  }
0x4: {  	s16 =	simm.s32 $0x1080;
	s17 =	simm.s32 $0x9080;
	s18 =	simm.s32 $0x80  }
0x5: {  	s19 =	simm.s32 $0x4;
	s20 =	simm.s32 $0x5;
	s21 =	simm.s32 $0x1  }
0x6: {  	s22 =	simm.s32 $0x11080;
	s23 =	simm.s32 $0x2;
	s0 =	sand.u32 $0x1, s0  }
0x7: {  	s24 =	simm.s32 $0x3;
	s3 =	sshll.u32 s3, $0x8;
	s6 =	sshll.u32 s0, $0x7  }
0x8: {  	s25 =	simm.s32 $0x6;
	[smem:$0x7FF] =	sst s5;
	s3 =	sor.u32 s6, s3  }
0x9: {  	s0 =	ssub.s32 $0x2, s0;
	_ =	strace $0x80000047;
	s6 =	sshll.u32 s3, $0x9  }
0xa: {  	s8 =	sshrl.u32 s0, $0x1;
	s30 =	sshrl.u32 s3, $0x3;
	s7 =	sadd.s32 s1, s6  }
0xb: {  	s0 =	ssub.s32 s0, s8;
	s2 =	sadd.s32 s2, s30;
	[dreg:$0x5] =	wrdreg s7  }
0xc: {  	s26 =	simm.s32 $0x0;
	s0 =	smax.u32 s0, $0x1;
	[dreg:$0x7] =	wrdreg s2  }
0xd: {  	v0 =	vlaneseq.u32;
	v1 =	vimm.s32 $0x78;
	v2 =	vimm.s32 $0x79;
	s11 =	sadd.s32 s4, s6;
	s7 =	sadd.s32 $0x1000, s7;
	[dreg:$0x9] =	wrdreg s0  }
0xe: {  	v3 =	vimm.s32 $0x7A;
	v4 =	vimm.s32 $0x7B;
	v5 =	vimm.s32 $0x7C;
	s10 =	sshll.u32 s3, $0xC;
	s31 =	sadd.s32 $0xF000, s11;
	[dreg:$0x6] =	wrdreg s7  }
0xf: {  	v6 =	vimm.s32 $0x7D;
	v7 =	vimm.s32 $0x7E;
	v8 =	vimm.s32 $0x7F;
	s12 =	sor.u32 $0x18000, s10;
	s13 =	sor.u32 $0x20000, s10;
	[dreg:$0x8] =	wrdreg s31  }
.LBB2_1:
0x10: {  	s0 =	rddreg [dreg:$0x5]  }
0x11: {  	[tilespmem:s16], [sflag:$0x1] =	stream.linear.gather [hbm4b:s0+s5], $0x8000, $0x38;
	[tilespmem:$0x19080] =	vst v63  }
0x12: {  	s29 =	rddreg [dreg:$0x6]  }
0x13: {  	[tilespmem:s17], [sflag:$0x2] =	stream.linear.gather [hbm4b:s29+s5], $0x8000, $0x38;
	[tilespmem:$0x19080] =	vst v63  }
0x14: {  	s30 =	rddreg [dreg:$0x7]  }
0x15: {  	[tilespmem:s5], [sflag:$0x4] =	stream.linear.gather [hbm4b:s30+s5], $0x80, $0x38;
	[tilespmem:$0x19080] =	vst v63  }
0x16: {  	s31 =	rddreg [dreg:$0x1]  }
0x17: {  	[tilespmem:s18], [sflag:$0x5] =	stream.linear.gather [hbm4b:s31+s5], $0x1000, $0x38;
	[tilespmem:$0x19080] =	vst v63  }
0x18: {  	_ =	swait.ge [sflag:s19], $0x80  }
0x19: {  	[sflag:s19] =	ssyncset.done $0x0  }
0x1a: {  	[sflag:s19] =	ssyncadd.s32 $0xFFFFFF80  }
0x1b: {  	_ =	swait.ge [sflag:s20], $0x1000  }
0x1c: {  	[sflag:s20] =	ssyncset.done $0x0  }
0x1d: {  	s28 =	simm.s32 $0x0;
	[sflag:s20] =	ssyncadd.s32 $0xFFFFF000  }
.LBB2_2:
0x1e: {  	s0 =	smul.u32 $0x18, s28;
	_ =	sdelay $0x1  }
0x1f: {  	v9 =	vmov s0  }
0x20: {  	v9 =	vbroadcast v9, $0x0;
	_ =	sdelay $0x2  }
0x21: {  	_ =	swait.ge [sflag:s21], $0x8000  }
0x22: {  	[sflag:s21] =	ssyncset.done $0x0  }
0x23: {  	s2 =	simm.s32 $0x0;
	[sflag:s21] =	ssyncadd.s32 $0xFFFF8000  }
0x24: {  	s3 =	sor.u32 $0x1, s0;
	v9 =	vld.idx.msk [tilespmem:v9+s2+$0x0], $0xffff  }
0x25: {  	s15 =	sor.u32 $0x2, s0;
	s8 =	sor.u32 $0x3, s0;
	s29 =	sor.u32 $0x4, s0  }
0x26: {  	s30 =	sor.u32 $0x5, s0;
	s31 =	sor.u32 $0x6, s0;
	s0 =	sor.u32 $0x7, s0;
	v10 =	vmov s3  }
0x27: {  	v11 =	vmov s8;
	v20 =	vmov s0;
	v12 =	vbroadcast v10, $0x0  }
0x28: {  	v10 =	vmov s15;
	v14 =	vbroadcast v11, $0x0;
	v11 =	vmov s2  }
0x29: {  	v13 =	vbroadcast v10, $0x0;
	v10 =	vshll.u32 v9, $0xA;
	v9 =	vshll.u32 v9, $0x7  }
0x2a: {  	v15 =	vshll.u32 v11, $0x2;
	v10 =	vand.u32 $0xFFFFF000, v10;
	v9 =	vand.u32 $0x180, v9  }
0x2b: {  	v11 =	vor.u32 v10, v9;
	v10 =	vor.u32 s2, v0;
	v9 =	vand.u32 $0xE00, v15  }
0x2c: {  	v17 =	vmov s30;
	v10 =	vand.u32 $0x7F, v10;
	v16 =	vor.u32 v11, v9  }
0x2d: {  	v18 =	vmov s31;
	v17 =	vbroadcast v17, $0x0;
	v12 =	vld.idx.msk [tilespmem:v12+s2+$0x0], $0xffff;
	v16 =	vor.u32 v10, v16  }
0x2e: {  	v18 =	vbroadcast v18, $0x0  }
0x2f: {  	v15 =	vmov s29  }
0x30: {  	v24 =	vld.idx.msk [tilespmem:v20+s2+$0x0], $0xffff;
	v15 =	vbroadcast v15, $0x0  }
0x31: {  	v19 =	vld.idx.msk [tilespmem:v14+s2+$0x0], $0xffff  }
0x32: {  	v14 =	vshll.u32 v12, $0xA;
	v12 =	vshll.u32 v12, $0x7;
	v16 =	vld.idx.msk [tilespmem:v16+s18+$0x0], $0xffff  }
0x33: {  	v22 =	vld.idx.msk [tilespmem:v17+s2+$0x0], $0xffff;
	v14 =	vand.u32 $0xFFFFF000, v14;
	v12 =	vand.u32 $0x180, v12  }
0x34: {  	s7 =	sand.u32 $0x70, s2;
	s8 =	sand.u32 $0xE00, s2;
	v23 =	vld.idx.msk [tilespmem:v18+s2+$0x0], $0xffff;
	v14 =	vor.u32 v14, v12  }
0x35: {  	s3 =	sor.u32 s7, s8;
	v13 =	vld.idx.msk [tilespmem:v13+s2+$0x0], $0xffff;
	v12 =	vor.u32 v14, v9  }
0x36: {  	s0 =	sor.u32 $0x1080, s3;
	v12 =	vor.u32 v10, v12;
	v21 =	vld.idx.msk [tilespmem:v15+s2+$0x0], $0xffff  }
0x37: {  	s9 =	sor.u32 $0x1100, s3;
	[tilespmem:s0+$0x0] =	vst.add.f32.msk $0xffff, v16  }
0x38: {  	s14 =	sor.u32 $0x1180, s3;
	[tilespmem:s9+$0x0] =	vst.add.f32.msk $0xffff, v16  }
0x39: {  	[tilespmem:s14+$0x0] =	vst.add.f32.msk $0xffff, v16  }
0x3a: {  	[tilespmem:s3+$0x1200] =	vst.add.f32.msk $0xffff, v16  }
0x3b: {  	v15 =	vshll.u32 v13, $0xA;
	v13 =	vshll.u32 v13, $0x7;
	v12 =	vld.idx.msk [tilespmem:v12+s18+$0x0], $0xffff  }
0x3c: {  	v15 =	vand.u32 $0xFFFFF000, v15;
	v13 =	vand.u32 $0x180, v13  }
0x3d: {  	v15 =	vor.u32 v15, v13  }
0x3e: {  	v13 =	vor.u32 v15, v9  }
0x3f: {  	s15 =	sor.u32 $0x2080, s3;
	v13 =	vor.u32 v10, v13  }
0x40: {  	s29 =	sor.u32 $0x2100, s3;
	[tilespmem:s15+$0x0] =	vst.add.f32.msk $0xffff, v12  }
0x41: {  	s30 =	sor.u32 $0x2180, s3;
	[tilespmem:s29+$0x0] =	vst.add.f32.msk $0xffff, v12  }
0x42: {  	[tilespmem:s30+$0x0] =	vst.add.f32.msk $0xffff, v12  }
0x43: {  	[tilespmem:s3+$0x2200] =	vst.add.f32.msk $0xffff, v12  }
0x44: {  	v16 =	vshll.u32 v19, $0x7;
	v12 =	vshll.u32 v19, $0xA;
	v17 =	vld.idx.msk [tilespmem:v13+s18+$0x0], $0xffff  }
0x45: {  	v12 =	vand.u32 $0xFFFFF000, v12;
	v13 =	vand.u32 $0x180, v16  }
0x46: {  	v16 =	vor.u32 v12, v13  }
0x47: {  	s31 =	simm.s32 $0x10;
	v12 =	vor.u32 v16, v9  }
0x48: {  	s7 =	sor.u32 $0x3080, s3;
	v18 =	vor.u32 v10, v12;
	v12 =	vmov s31  }
0x49: {  	s8 =	sor.u32 $0x3100, s3;
	v12 =	vshll.u32 v12, $0x2;
	[tilespmem:s7+$0x0] =	vst.add.f32.msk $0xffff, v17  }
0x4a: {  	s9 =	sor.u32 $0x3180, s3;
	v19 =	vor.u32 s31, v0;
	v13 =	vand.u32 $0xE00, v12;
	[tilespmem:s8+$0x0] =	vst.add.f32.msk $0xffff, v17  }
0x4b: {  	v12 =	vand.u32 $0x7F, v19;
	v19 =	vor.u32 v11, v13;
	[tilespmem:s9+$0x0] =	vst.add.f32.msk $0xffff, v17  }
0x4c: {  	v19 =	vor.u32 v12, v19;
	[tilespmem:s3+$0x3200] =	vst.add.f32.msk $0xffff, v17  }
0x4d: {  	v18 =	vld.idx.msk [tilespmem:v18+s18+$0x0], $0xffff  }
0x4e: {  	v20 =	vshll.u32 v21, $0x7;
	v17 =	vshll.u32 v21, $0xA  }
0x4f: {  	v20 =	vand.u32 $0x180, v20;
	v17 =	vand.u32 $0xFFFFF000, v17  }
0x50: {  	v17 =	vor.u32 v17, v20  }
0x51: {  	s14 =	sor.u32 $0x4080, s3;
	v20 =	vor.u32 v17, v9;
	v19 =	vld.idx.msk [tilespmem:v19+s18+$0x0], $0xffff  }
0x52: {  	s2 =	simm.s32 $0x40;
	s15 =	sor.u32 $0x4100, s3;
	v20 =	vor.u32 v10, v20;
	[tilespmem:s14+$0x0] =	vst.add.f32.msk $0xffff, v18  }
0x53: {  	s0 =	sand.u32 $0x70, s31;
	s29 =	sor.u32 $0x4180, s3;
	s30 =	sand.u32 $0xE00, s2;
	[tilespmem:s15+$0x0] =	vst.add.f32.msk $0xffff, v18  }
0x54: {  	s0 =	sor.u32 s0, s30;
	[tilespmem:s29+$0x0] =	vst.add.f32.msk $0xffff, v18  }
0x55: {  	s8 =	sor.u32 $0x1080, s0;
	[tilespmem:s3+$0x4200] =	vst.add.f32.msk $0xffff, v18;
	v18 =	vor.u32 v14, v13  }
0x56: {  	[tilespmem:s8+$0x0] =	vst.add.f32.msk $0xffff, v19;
	v21 =	vor.u32 v12, v18  }
0x57: {  	s31 =	sor.u32 $0x1100, s0;
	v20 =	vld.idx.msk [tilespmem:v20+s18+$0x0], $0xffff;
	v18 =	vshll.u32 v22, $0xA;
	v22 =	vshll.u32 v22, $0x7  }
0x58: {  	s7 =	sor.u32 $0x1180, s0;
	[tilespmem:s31+$0x0] =	vst.add.f32.msk $0xffff, v19;
	v18 =	vand.u32 $0xFFFFF000, v18;
	v22 =	vand.u32 $0x180, v22  }
0x59: {  	[tilespmem:s7+$0x0] =	vst.add.f32.msk $0xffff, v19;
	v18 =	vor.u32 v18, v22  }
0x5a: {  	[tilespmem:s0+$0x1200] =	vst.add.f32.msk $0xffff, v19;
	v19 =	vor.u32 v18, v9  }
0x5b: {  	s9 =	sor.u32 $0x5080, s3;
	v19 =	vor.u32 v10, v19;
	v22 =	vld.idx.msk [tilespmem:v21+s18+$0x0], $0xffff  }
0x5c: {  	s14 =	sor.u32 $0x5100, s3;
	[tilespmem:s9+$0x0] =	vst.add.f32.msk $0xffff, v20  }
0x5d: {  	s15 =	sor.u32 $0x5180, s3;
	[tilespmem:s14+$0x0] =	vst.add.f32.msk $0xffff, v20  }
0x5e: {  	[tilespmem:s15+$0x0] =	vst.add.f32.msk $0xffff, v20  }
0x5f: {  	v21 =	vor.u32 v15, v13;
	[tilespmem:s3+$0x5200] =	vst.add.f32.msk $0xffff, v20  }
0x60: {  	s29 =	sor.u32 $0x2080, s0;
	v25 =	vor.u32 v12, v21;
	v21 =	vld.idx.msk [tilespmem:v19+s18+$0x0], $0xffff  }
0x61: {  	s30 =	sor.u32 $0x2100, s0;
	v20 =	vshll.u32 v23, $0x7;
	v19 =	vshll.u32 v23, $0xA;
	[tilespmem:s29+$0x0] =	vst.add.f32.msk $0xffff, v22  }
0x62: {  	s31 =	sor.u32 $0x2180, s0;
	v20 =	vand.u32 $0x180, v20;
	v19 =	vand.u32 $0xFFFFF000, v19;
	[tilespmem:s30+$0x0] =	vst.add.f32.msk $0xffff, v22  }
0x63: {  	v23 =	vshll.u32 v24, $0x7;
	v20 =	vor.u32 v19, v20;
	v19 =	vshll.u32 v24, $0xA;
	[tilespmem:s31+$0x0] =	vst.add.f32.msk $0xffff, v22  }
0x64: {  	v23 =	vand.u32 $0x180, v23;
	v19 =	vand.u32 $0xFFFFF000, v19;
	[tilespmem:s0+$0x2200] =	vst.add.f32.msk $0xffff, v22;
	v22 =	vor.u32 v20, v9  }
0x65: {  	s8 =	simm.s32 $0x20;
	s9 =	sor.u32 $0x6080, s3;
	v19 =	vor.u32 v19, v23;
	v23 =	vld.idx.msk [tilespmem:v25+s18+$0x0], $0xffff;
	v22 =	vor.u32 v10, v22  }
.LBB2_3:
0x66: {  	p0 =	sne.s32 s8, $0x3F0;
	[tilespmem:s9+$0x0] =	vst.add.f32.msk $0xffff, v21;
	s9 =	sor.u32 $0x6100, s3  }
0x67: {  	[tilespmem:s9+$0x0] =	vst.add.f32.msk $0xffff, v21;
	s9 =	sor.u32 $0x6180, s3  }
0x68: {  	[tilespmem:s9+$0x0] =	vst.add.f32.msk $0xffff, v21  }
0x69: {  	v24 =	vor.u32 v16, v13;
	[tilespmem:s3+$0x6200] =	vst.add.f32.msk $0xffff, v21  }
0x6a: {  	s9 =	sor.u32 $0x3080, s0;
	v21 =	vor.u32 v12, v24;
	v22 =	vld.idx.msk [tilespmem:v22+s18+$0x0], $0xffff  }
0x6b: {  	[tilespmem:s9+$0x0] =	vst.add.f32.msk $0xffff, v23;
	s9 =	sor.u32 $0x3100, s0  }
0x6c: {  	v24 =	vmov s8;
	[tilespmem:s9+$0x0] =	vst.add.f32.msk $0xffff, v23;
	s9 =	sor.u32 $0x3180, s0  }
0x6d: {  	v24 =	vshll.u32 v24, $0x2;
	[tilespmem:s9+$0x0] =	vst.add.f32.msk $0xffff, v23  }
0x6e: {  	v25 =	vor.u32 s8, v0;
	[tilespmem:s0+$0x3200] =	vst.add.f32.msk $0xffff, v23;
	v23 =	vor.u32 v19, v9;
	v9 =	vmovc v13;
	v13 =	vand.u32 $0xE00, v24  }
0x6f: {  	s9 =	sor.u32 $0x7080, s3;
	v24 =	vor.u32 v11, v13;
	v21 =	vld.idx.msk [tilespmem:v21+s18+$0x0], $0xffff;
	v23 =	vor.u32 v10, v23;
	v10 =	vmovc v12;
	v12 =	vand.u32 $0x7F, v25  }
0x70: {  	v24 =	vor.u32 v12, v24;
	[tilespmem:s9+$0x0] =	vst.add.f32.msk $0xffff, v22;
	s9 =	sor.u32 $0x7100, s3  }
0x71: {  	[tilespmem:s9+$0x0] =	vst.add.f32.msk $0xffff, v22;
	s9 =	sor.u32 $0x7180, s3  }
0x72: {  	[tilespmem:s9+$0x0] =	vst.add.f32.msk $0xffff, v22  }
0x73: {  	[tilespmem:s3+$0x7200] =	vst.add.f32.msk $0xffff, v22  }
0x74: {  	v22 =	vld.idx.msk [tilespmem:v23+s18+$0x0], $0xffff  }
0x75: {  	s9 =	sor.u32 $0x4080, s0;
	v23 =	vld.idx.msk [tilespmem:v24+s18+$0x0], $0xffff  }
0x76: {  	[tilespmem:s9+$0x0] =	vst.add.f32.msk $0xffff, v21;
	s9 =	sor.u32 $0x4100, s0  }
0x77: {  	[tilespmem:s9+$0x0] =	vst.add.f32.msk $0xffff, v21;
	s9 =	sor.u32 $0x4180, s0  }
0x78: {  	v24 =	vor.u32 v17, v9;
	[tilespmem:s9+$0x0] =	vst.add.f32.msk $0xffff, v21  }
0x79: {  	s9 =	sor.u32 $0x8080, s3;
	[tilespmem:s0+$0x4200] =	vst.add.f32.msk $0xffff, v21;
	v21 =	vor.u32 v10, v24  }
0x7a: {  	[tilespmem:s9+$0x0] =	vst.add.f32.msk $0xffff, v22;
	s9 =	sor.u32 $0x8100, s3  }
0x7b: {  	s2 =	sadd.s32 $0x40, s2;
	[tilespmem:s9+$0x0] =	vst.add.f32.msk $0xffff, v22;
	s9 =	sor.u32 $0x8180, s3  }
0x7c: {  	s14 =	sand.u32 $0x70, s8;
	s29 =	sand.u32 $0xE00, s2;
	[tilespmem:s9+$0x0] =	vst.add.f32.msk $0xffff, v22  }
0x7d: {  	v24 =	vor.u32 v14, v13;
	[tilespmem:s3+$0x8200] =	vst.add.f32.msk $0xffff, v22;
	s3 =	smov.u32 s0;
	s0 =	sor.u32 s14, s29  }
0x7e: {  	v22 =	vor.u32 v12, v24;
	s9 =	sor.u32 $0x1080, s0;
	v21 =	vld.idx.msk [tilespmem:v21+s18+$0x0], $0xffff  }
0x7f: {  	[tilespmem:s9+$0x0] =	vst.add.f32.msk $0xffff, v23;
	s9 =	sor.u32 $0x1100, s0  }
0x80: {  	[tilespmem:s9+$0x0] =	vst.add.f32.msk $0xffff, v23;
	s9 =	sor.u32 $0x1180, s0  }
0x81: {  	[tilespmem:s9+$0x0] =	vst.add.f32.msk $0xffff, v23  }
0x82: {  	[tilespmem:s0+$0x1200] =	vst.add.f32.msk $0xffff, v23;
	v23 =	vor.u32 v18, v9  }
0x83: {  	s9 =	sor.u32 $0x5080, s3;
	v22 =	vld.idx.msk [tilespmem:v22+s18+$0x0], $0xffff;
	v23 =	vor.u32 v10, v23  }
0x84: {  	[tilespmem:s9+$0x0] =	vst.add.f32.msk $0xffff, v21;
	s9 =	sor.u32 $0x5100, s3  }
0x85: {  	[tilespmem:s9+$0x0] =	vst.add.f32.msk $0xffff, v21;
	s9 =	sor.u32 $0x5180, s3  }
0x86: {  	[tilespmem:s9+$0x0] =	vst.add.f32.msk $0xffff, v21  }
0x87: {  	v24 =	vor.u32 v15, v13;
	[tilespmem:s3+$0x5200] =	vst.add.f32.msk $0xffff, v21  }
0x88: {  	v24 =	vor.u32 v12, v24;
	s9 =	sor.u32 $0x2080, s0;
	v21 =	vld.idx.msk [tilespmem:v23+s18+$0x0], $0xffff  }
.Ltmp0:
0x89: {  	[tilespmem:s9+$0x0] =	vst.add.f32.msk $0xffff, v22;
	s9 =	sor.u32 $0x2100, s0;
	(pc) =	sbr.rel @p0 .LBB2_3-.Ltmp0, $4  }
0x8a: {  	[tilespmem:s9+$0x0] =	vst.add.f32.msk $0xffff, v22;
	s9 =	sor.u32 $0x2180, s0  }
0x8b: {  	[tilespmem:s9+$0x0] =	vst.add.f32.msk $0xffff, v22  }
0x8c: {  	[tilespmem:s0+$0x2200] =	vst.add.f32.msk $0xffff, v22;
	v22 =	vor.u32 v20, v9  }
0x8d: {  	s8 =	sadd.s32 $0x10, s8;
	s9 =	sor.u32 $0x6080, s3;
	v23 =	vld.idx.msk [tilespmem:v24+s18+$0x0], $0xffff;
	v22 =	vor.u32 v10, v22  }
0x8e: {  	_ =	sdelay $0x1  }
0x8f: {  	v11 =	vor.u32 v16, v13  }
0x90: {  	s2 =	sor.u32 $0x3080, s0;
	v11 =	vor.u32 v12, v11  }
0x91: {  	s15 =	sor.u32 $0x3100, s0;
	[tilespmem:s2+$0x0] =	vst.add.f32.msk $0xffff, v23  }
0x92: {  	s7 =	sor.u32 $0x3180, s0;
	[tilespmem:s15+$0x0] =	vst.add.f32.msk $0xffff, v23  }
0x93: {  	[tilespmem:s7+$0x0] =	vst.add.f32.msk $0xffff, v23  }
0x94: {  	[tilespmem:s0+$0x3200] =	vst.add.f32.msk $0xffff, v23  }
0x95: {  	v11 =	vld.idx.msk [tilespmem:v11+s18+$0x0], $0xffff;
	_ =	sdelay $0x2  }
0x96: {  	v14 =	vor.u32 v17, v13  }
0x97: {  	[tilespmem:s9+$0x0] =	vst.add.f32.msk $0xffff, v21;
	s8 =	sor.u32 $0x4080, s0;
	v14 =	vor.u32 v12, v14  }
0x98: {  	s9 =	sor.u32 $0x4100, s0;
	[tilespmem:s8+$0x0] =	vst.add.f32.msk $0xffff, v11  }
0x99: {  	s14 =	sor.u32 $0x4180, s0;
	[tilespmem:s9+$0x0] =	vst.add.f32.msk $0xffff, v11  }
0x9a: {  	[tilespmem:s14+$0x0] =	vst.add.f32.msk $0xffff, v11  }
0x9b: {  	[tilespmem:s0+$0x4200] =	vst.add.f32.msk $0xffff, v11  }
0x9c: {  	s15 =	sor.u32 $0x6100, s3;
	v11 =	vld.idx.msk [tilespmem:v14+s18+$0x0], $0xffff  }
0x9d: {  	[tilespmem:s15+$0x0] =	vst.add.f32.msk $0xffff, v21;
	s7 =	sor.u32 $0x6180, s3  }
0x9e: {  	[tilespmem:s7+$0x0] =	vst.add.f32.msk $0xffff, v21  }
0x9f: {  	[tilespmem:s3+$0x6200] =	vst.add.f32.msk $0xffff, v21;
	v14 =	vor.u32 v18, v13  }
0xa0: {  	v15 =	vld.idx.msk [tilespmem:v22+s18+$0x0], $0xffff;
	s8 =	sor.u32 $0x5080, s0;
	v14 =	vor.u32 v12, v14  }
0xa1: {  	s9 =	sor.u32 $0x5100, s0;
	[tilespmem:s8+$0x0] =	vst.add.f32.msk $0xffff, v11  }
0xa2: {  	s14 =	sor.u32 $0x5180, s0;
	[tilespmem:s9+$0x0] =	vst.add.f32.msk $0xffff, v11  }
0xa3: {  	[tilespmem:s14+$0x0] =	vst.add.f32.msk $0xffff, v11  }
0xa4: {  	[tilespmem:s0+$0x5200] =	vst.add.f32.msk $0xffff, v11  }
0xa5: {  	v11 =	vld.idx.msk [tilespmem:v14+s18+$0x0], $0xffff;
	_ =	sdelay $0x2  }
0xa6: {  	s15 =	sor.u32 $0x7080, s3;
	v14 =	vor.u32 v20, v13  }
0xa7: {  	s7 =	sor.u32 $0x6080, s0;
	[tilespmem:s15+$0x0] =	vst.add.f32.msk $0xffff, v15;
	v14 =	vor.u32 v12, v14  }
0xa8: {  	s8 =	sor.u32 $0x6100, s0;
	[tilespmem:s7+$0x0] =	vst.add.f32.msk $0xffff, v11  }
0xa9: {  	s9 =	sor.u32 $0x6180, s0;
	[tilespmem:s8+$0x0] =	vst.add.f32.msk $0xffff, v11  }
0xaa: {  	v9 =	vor.u32 v19, v9;
	[tilespmem:s9+$0x0] =	vst.add.f32.msk $0xffff, v11  }
0xab: {  	v9 =	vor.u32 v10, v9;
	[tilespmem:s0+$0x6200] =	vst.add.f32.msk $0xffff, v11  }
0xac: {  	s14 =	sor.u32 $0x7100, s3;
	v10 =	vld.idx.msk [tilespmem:v14+s18+$0x0], $0xffff  }
0xad: {  	s15 =	sor.u32 $0x7180, s3;
	[tilespmem:s14+$0x0] =	vst.add.f32.msk $0xffff, v15  }
0xae: {  	[tilespmem:s15+$0x0] =	vst.add.f32.msk $0xffff, v15  }
0xaf: {  	[tilespmem:s3+$0x7200] =	vst.add.f32.msk $0xffff, v15;
	v11 =	vor.u32 v19, v13  }
0xb0: {  	v9 =	vld.idx.msk [tilespmem:v9+s18+$0x0], $0xffff;
	s7 =	sor.u32 $0x7080, s0;
	v11 =	vor.u32 v12, v11  }
0xb1: {  	s8 =	sor.u32 $0x7100, s0;
	[tilespmem:s7+$0x0] =	vst.add.f32.msk $0xffff, v10  }
0xb2: {  	s9 =	sor.u32 $0x7180, s0;
	[tilespmem:s8+$0x0] =	vst.add.f32.msk $0xffff, v10  }
0xb3: {  	[tilespmem:s9+$0x0] =	vst.add.f32.msk $0xffff, v10  }
0xb4: {  	[tilespmem:s0+$0x7200] =	vst.add.f32.msk $0xffff, v10  }
0xb5: {  	s14 =	sor.u32 $0x8080, s3;
	v10 =	vld.idx.msk [tilespmem:v11+s18+$0x0], $0xffff  }
0xb6: {  	s15 =	sor.u32 $0x8100, s3;
	[tilespmem:s14+$0x0] =	vst.add.f32.msk $0xffff, v9  }
0xb7: {  	[tilespmem:s15+$0x0] =	vst.add.f32.msk $0xffff, v9;
	s7 =	sor.u32 $0x8180, s3  }
0xb8: {  	[tilespmem:s7+$0x0] =	vst.add.f32.msk $0xffff, v9  }
0xb9: {  	s29 =	smul.u32 $0x18000, s28;
	s8 =	sor.u32 $0x8080, s0;
	[tilespmem:s3+$0x8200] =	vst.add.f32.msk $0xffff, v9  }
0xba: {  	s9 =	sor.u32 $0x8100, s0;
	[tilespmem:s8+$0x0] =	vst.add.f32.msk $0xffff, v10  }
0xbb: {  	s14 =	sor.u32 $0x8180, s0;
	s15 =	sadd.s32 s10, s29;
	s8 =	smul.u32 $0x3, s28;
	[tilespmem:s9+$0x0] =	vst.add.f32.msk $0xffff, v10  }
0xbc: {  	s7 =	sshrl.u32 s15, $0x3;
	[tilespmem:s14+$0x0] =	vst.add.f32.msk $0xffff, v10  }
0xbd: {  	p0 =	seq.s32 s28, $0x0;
	s2 =	sadd.s32 s4, s7;
	s3 =	sadd.s32 $0x1, s8;
	[tilespmem:s0+$0x8200] =	vst.add.f32.msk $0xffff, v10  }
0xbe: {  	[hbm4b:s2+s5] =	stream.linear.scatter [tilespmem:s16], [sflag:$0x4], $0x8000, $0x38;
	[tilespmem:$0x19080] =	vst v63  }
0xbf: {  	s31 =	sadd.s32 $0x2, s8;
	s0 =	simm.s32 @!p0 $0x6;
	s2 =	sshll.u32 s3, $0x3  }
0xc0: {  	s8 =	sshll.u32 s31, $0xC;
	_ =	swait.ge @!p0 [sflag:s0], $0x8000;
	v9 =	vmov s2  }
0xc1: {  	s30 =	sadd.s32 s6, s8;
	[sflag:s0] =	ssyncset.done @!p0 $0x0;
	v9 =	vbroadcast v9, $0x0  }
0xc2: {  	s8 =	simm.s32 $0x0;
	s9 =	sadd.s32 s1, s30;
	[sflag:s0] =	ssyncadd.s32 @!p0 $0xFFFF8000  }
0xc3: {  	[tilespmem:s22], [sflag:$0x3] =	stream.linear.gather [hbm4b:s9+s8], $0x8000, $0x38;
	[tilespmem:$0x19080] =	vst v63  }
0xc4: {  	_ =	swait.ge [sflag:s23], $0x8000  }
0xc5: {  	[sflag:s23] =	ssyncset.done $0x0  }
0xc6: {  	[sflag:s23] =	ssyncadd.s32 $0xFFFF8000  }
0xc7: {  	v9 =	vld.idx.msk [tilespmem:v9+s8+$0x0], $0xffff  }
0xc8: {  	s14 =	sor.u32 $0x1, s2  }
0xc9: {  	s7 =	sor.u32 $0x3, s2;
	v10 =	vmov s14  }
0xca: {  	s15 =	sor.u32 $0x2, s2;
	v11 =	vmov s7;
	v12 =	vbroadcast v10, $0x0  }
0xcb: {  	v10 =	vmov s15;
	v14 =	vbroadcast v11, $0x0;
	v11 =	vmov s8  }
0xcc: {  	v13 =	vbroadcast v10, $0x0;
	v10 =	vshll.u32 v9, $0xA;
	v9 =	vshll.u32 v9, $0x7  }
0xcd: {  	v15 =	vshll.u32 v11, $0x2;
	v10 =	vand.u32 $0xFFFFF000, v10;
	v9 =	vand.u32 $0x180, v9  }
0xce: {  	s14 =	sor.u32 $0x5, s2;
	v11 =	vor.u32 v10, v9;
	v10 =	vor.u32 s8, v0;
	v9 =	vand.u32 $0xE00, v15  }
0xcf: {  	v17 =	vmov s14;
	v10 =	vand.u32 $0x7F, v10;
	v16 =	vor.u32 v11, v9  }
0xd0: {  	s15 =	sor.u32 $0x6, s2;
	v17 =	vbroadcast v17, $0x0;
	v12 =	vld.idx.msk [tilespmem:v12+s8+$0x0], $0xffff;
	v16 =	vor.u32 v10, v16  }
0xd1: {  	s9 =	sor.u32 $0x4, s2;
	v18 =	vmov s15;
	s2 =	sshllo.u32 s3, $0x3  }
0xd2: {  	v18 =	vbroadcast v18, $0x0;
	v20 =	vmov s2;
	v15 =	vmov s9  }
0xd3: {  	v19 =	vld.idx.msk [tilespmem:v14+s8+$0x0], $0xffff;
	v15 =	vbroadcast v15, $0x0  }
0xd4: {  	v13 =	vld.idx.msk [tilespmem:v13+s8+$0x0], $0xffff  }
0xd5: {  	v14 =	vshll.u32 v12, $0xA;
	v12 =	vshll.u32 v12, $0x7;
	v16 =	vld.idx.msk [tilespmem:v16+s18+$0x0], $0xffff  }
0xd6: {  	v22 =	vld.idx.msk [tilespmem:v17+s8+$0x0], $0xffff;
	v14 =	vand.u32 $0xFFFFF000, v14;
	v12 =	vand.u32 $0x180, v12  }
0xd7: {  	s7 =	sand.u32 $0x70, s8;
	v24 =	vld.idx.msk [tilespmem:v20+s8+$0x0], $0xffff;
	s9 =	sand.u32 $0xE00, s8;
	v14 =	vor.u32 v14, v12  }
0xd8: {  	v23 =	vld.idx.msk [tilespmem:v18+s8+$0x0], $0xffff;
	s0 =	sor.u32 s7, s9;
	v12 =	vor.u32 v14, v9  }
0xd9: {  	s2 =	sor.u32 $0x9080, s0;
	v12 =	vor.u32 v10, v12;
	v21 =	vld.idx.msk [tilespmem:v15+s8+$0x0], $0xffff  }
0xda: {  	s14 =	sor.u32 $0x9100, s0;
	[tilespmem:s2+$0x0] =	vst.add.f32.msk $0xffff, v16  }
0xdb: {  	s15 =	sor.u32 $0x9180, s0;
	[tilespmem:s14+$0x0] =	vst.add.f32.msk $0xffff, v16  }
0xdc: {  	[tilespmem:s15+$0x0] =	vst.add.f32.msk $0xffff, v16  }
0xdd: {  	[tilespmem:s0+$0x9200] =	vst.add.f32.msk $0xffff, v16  }
0xde: {  	v15 =	vshll.u32 v13, $0xA;
	v13 =	vshll.u32 v13, $0x7;
	v12 =	vld.idx.msk [tilespmem:v12+s18+$0x0], $0xffff  }
0xdf: {  	v15 =	vand.u32 $0xFFFFF000, v15;
	v13 =	vand.u32 $0x180, v13  }
0xe0: {  	v15 =	vor.u32 v15, v13  }
0xe1: {  	v13 =	vor.u32 v15, v9  }
0xe2: {  	s7 =	sor.u32 $0xA080, s0;
	v13 =	vor.u32 v10, v13  }
0xe3: {  	s8 =	sor.u32 $0xA100, s0;
	[tilespmem:s7+$0x0] =	vst.add.f32.msk $0xffff, v12  }
0xe4: {  	s9 =	sor.u32 $0xA180, s0;
	[tilespmem:s8+$0x0] =	vst.add.f32.msk $0xffff, v12  }
0xe5: {  	[tilespmem:s9+$0x0] =	vst.add.f32.msk $0xffff, v12  }
0xe6: {  	[tilespmem:s0+$0xA200] =	vst.add.f32.msk $0xffff, v12  }
0xe7: {  	v16 =	vshll.u32 v19, $0x7;
	v12 =	vshll.u32 v19, $0xA;
	v17 =	vld.idx.msk [tilespmem:v13+s18+$0x0], $0xffff  }
0xe8: {  	v12 =	vand.u32 $0xFFFFF000, v12;
	v13 =	vand.u32 $0x180, v16  }
0xe9: {  	v16 =	vor.u32 v12, v13  }
0xea: {  	s2 =	simm.s32 $0x10;
	v12 =	vor.u32 v16, v9  }
0xeb: {  	s14 =	sor.u32 $0xB080, s0;
	v18 =	vor.u32 v10, v12;
	v12 =	vmov s2  }
0xec: {  	s15 =	sor.u32 $0xB100, s0;
	v12 =	vshll.u32 v12, $0x2;
	[tilespmem:s14+$0x0] =	vst.add.f32.msk $0xffff, v17  }
0xed: {  	s7 =	sor.u32 $0xB180, s0;
	v19 =	vor.u32 s2, v0;
	v13 =	vand.u32 $0xE00, v12;
	[tilespmem:s15+$0x0] =	vst.add.f32.msk $0xffff, v17  }
0xee: {  	v12 =	vand.u32 $0x7F, v19;
	v19 =	vor.u32 v11, v13;
	[tilespmem:s7+$0x0] =	vst.add.f32.msk $0xffff, v17  }
0xef: {  	v19 =	vor.u32 v12, v19;
	[tilespmem:s0+$0xB200] =	vst.add.f32.msk $0xffff, v17  }
0xf0: {  	v18 =	vld.idx.msk [tilespmem:v18+s18+$0x0], $0xffff  }
0xf1: {  	v20 =	vshll.u32 v21, $0x7;
	v17 =	vshll.u32 v21, $0xA  }
0xf2: {  	v20 =	vand.u32 $0x180, v20;
	v17 =	vand.u32 $0xFFFFF000, v17  }
0xf3: {  	v17 =	vor.u32 v17, v20  }
0xf4: {  	s9 =	sor.u32 $0xC080, s0;
	v20 =	vor.u32 v17, v9;
	v19 =	vld.idx.msk [tilespmem:v19+s18+$0x0], $0xffff  }
0xf5: {  	s8 =	simm.s32 $0x40;
	s14 =	sor.u32 $0xC100, s0;
	v20 =	vor.u32 v10, v20;
	[tilespmem:s9+$0x0] =	vst.add.f32.msk $0xffff, v18  }
0xf6: {  	s2 =	sand.u32 $0x70, s2;
	s15 =	sor.u32 $0xC180, s0;
	s7 =	sand.u32 $0xE00, s8;
	[tilespmem:s14+$0x0] =	vst.add.f32.msk $0xffff, v18  }
0xf7: {  	s2 =	sor.u32 s2, s7;
	[tilespmem:s15+$0x0] =	vst.add.f32.msk $0xffff, v18  }
0xf8: {  	s9 =	sor.u32 $0x9080, s2;
	[tilespmem:s0+$0xC200] =	vst.add.f32.msk $0xffff, v18;
	v18 =	vor.u32 v14, v13  }
0xf9: {  	[tilespmem:s9+$0x0] =	vst.add.f32.msk $0xffff, v19;
	v21 =	vor.u32 v12, v18  }
0xfa: {  	s14 =	sor.u32 $0x9100, s2;
	v20 =	vld.idx.msk [tilespmem:v20+s18+$0x0], $0xffff;
	v18 =	vshll.u32 v22, $0xA;
	v22 =	vshll.u32 v22, $0x7  }
0xfb: {  	s15 =	sor.u32 $0x9180, s2;
	[tilespmem:s14+$0x0] =	vst.add.f32.msk $0xffff, v19;
	v18 =	vand.u32 $0xFFFFF000, v18;
	v22 =	vand.u32 $0x180, v22  }
0xfc: {  	[tilespmem:s15+$0x0] =	vst.add.f32.msk $0xffff, v19;
	v18 =	vor.u32 v18, v22  }
0xfd: {  	[tilespmem:s2+$0x9200] =	vst.add.f32.msk $0xffff, v19;
	v19 =	vor.u32 v18, v9  }
0xfe: {  	s7 =	sor.u32 $0xD080, s0;
	v19 =	vor.u32 v10, v19;
	v22 =	vld.idx.msk [tilespmem:v21+s18+$0x0], $0xffff  }
0xff: {  	s14 =	sor.u32 $0xD100, s0;
	[tilespmem:s7+$0x0] =	vst.add.f32.msk $0xffff, v20  }
0x100: {  	s15 =	sor.u32 $0xD180, s0;
	[tilespmem:s14+$0x0] =	vst.add.f32.msk $0xffff, v20  }
0x101: {  	[tilespmem:s15+$0x0] =	vst.add.f32.msk $0xffff, v20  }
0x102: {  	v21 =	vor.u32 v15, v13;
	[tilespmem:s0+$0xD200] =	vst.add.f32.msk $0xffff, v20  }
0x103: {  	s7 =	sor.u32 $0xA080, s2;
	v25 =	vor.u32 v12, v21;
	v21 =	vld.idx.msk [tilespmem:v19+s18+$0x0], $0xffff  }
0x104: {  	s14 =	sor.u32 $0xA100, s2;
	v20 =	vshll.u32 v23, $0x7;
	v19 =	vshll.u32 v23, $0xA;
	[tilespmem:s7+$0x0] =	vst.add.f32.msk $0xffff, v22  }
0x105: {  	s15 =	sor.u32 $0xA180, s2;
	v20 =	vand.u32 $0x180, v20;
	v19 =	vand.u32 $0xFFFFF000, v19;
	[tilespmem:s14+$0x0] =	vst.add.f32.msk $0xffff, v22  }
0x106: {  	v23 =	vshll.u32 v24, $0x7;
	v20 =	vor.u32 v19, v20;
	v19 =	vshll.u32 v24, $0xA;
	[tilespmem:s15+$0x0] =	vst.add.f32.msk $0xffff, v22  }
0x107: {  	v23 =	vand.u32 $0x180, v23;
	v19 =	vand.u32 $0xFFFFF000, v19;
	[tilespmem:s2+$0xA200] =	vst.add.f32.msk $0xffff, v22;
	v22 =	vor.u32 v20, v9  }
0x108: {  	s9 =	simm.s32 $0x20;
	s14 =	sor.u32 $0xE080, s0;
	v19 =	vor.u32 v19, v23;
	v23 =	vld.idx.msk [tilespmem:v25+s18+$0x0], $0xffff;
	v22 =	vor.u32 v10, v22  }
.LBB2_5:
0x109: {  	p0 =	sne.s32 s9, $0x3F0;
	[tilespmem:s14+$0x0] =	vst.add.f32.msk $0xffff, v21;
	s14 =	sor.u32 $0xE100, s0  }
0x10a: {  	[tilespmem:s14+$0x0] =	vst.add.f32.msk $0xffff, v21;
	s14 =	sor.u32 $0xE180, s0  }
0x10b: {  	[tilespmem:s14+$0x0] =	vst.add.f32.msk $0xffff, v21  }
0x10c: {  	v24 =	vor.u32 v16, v13;
	[tilespmem:s0+$0xE200] =	vst.add.f32.msk $0xffff, v21  }
0x10d: {  	s14 =	sor.u32 $0xB080, s2;
	v21 =	vor.u32 v12, v24;
	v22 =	vld.idx.msk [tilespmem:v22+s18+$0x0], $0xffff  }
0x10e: {  	[tilespmem:s14+$0x0] =	vst.add.f32.msk $0xffff, v23;
	s14 =	sor.u32 $0xB100, s2  }
0x10f: {  	v24 =	vmov s9;
	[tilespmem:s14+$0x0] =	vst.add.f32.msk $0xffff, v23;
	s14 =	sor.u32 $0xB180, s2  }
0x110: {  	v24 =	vshll.u32 v24, $0x2;
	[tilespmem:s14+$0x0] =	vst.add.f32.msk $0xffff, v23  }
0x111: {  	v25 =	vor.u32 s9, v0;
	[tilespmem:s2+$0xB200] =	vst.add.f32.msk $0xffff, v23;
	v23 =	vor.u32 v19, v9;
	v9 =	vmovc v13;
	v13 =	vand.u32 $0xE00, v24  }
0x112: {  	s14 =	sor.u32 $0xF080, s0;
	v24 =	vor.u32 v11, v13;
	v21 =	vld.idx.msk [tilespmem:v21+s18+$0x0], $0xffff;
	v23 =	vor.u32 v10, v23;
	v10 =	vmovc v12;
	v12 =	vand.u32 $0x7F, v25  }
0x113: {  	v24 =	vor.u32 v12, v24;
	[tilespmem:s14+$0x0] =	vst.add.f32.msk $0xffff, v22;
	s14 =	sor.u32 $0xF100, s0  }
0x114: {  	[tilespmem:s14+$0x0] =	vst.add.f32.msk $0xffff, v22;
	s14 =	sor.u32 $0xF180, s0  }
0x115: {  	[tilespmem:s14+$0x0] =	vst.add.f32.msk $0xffff, v22  }
0x116: {  	[tilespmem:s0+$0xF200] =	vst.add.f32.msk $0xffff, v22  }
0x117: {  	v22 =	vld.idx.msk [tilespmem:v23+s18+$0x0], $0xffff  }
0x118: {  	s14 =	sor.u32 $0xC080, s2;
	v23 =	vld.idx.msk [tilespmem:v24+s18+$0x0], $0xffff  }
0x119: {  	[tilespmem:s14+$0x0] =	vst.add.f32.msk $0xffff, v21;
	s14 =	sor.u32 $0xC100, s2  }
0x11a: {  	[tilespmem:s14+$0x0] =	vst.add.f32.msk $0xffff, v21;
	s14 =	sor.u32 $0xC180, s2  }
0x11b: {  	v24 =	vor.u32 v17, v9;
	[tilespmem:s14+$0x0] =	vst.add.f32.msk $0xffff, v21  }
0x11c: {  	s14 =	sor.u32 $0x10080, s0;
	[tilespmem:s2+$0xC200] =	vst.add.f32.msk $0xffff, v21;
	v21 =	vor.u32 v10, v24  }
0x11d: {  	[tilespmem:s14+$0x0] =	vst.add.f32.msk $0xffff, v22;
	s14 =	sor.u32 $0x10100, s0  }
0x11e: {  	s8 =	sadd.s32 $0x40, s8;
	[tilespmem:s14+$0x0] =	vst.add.f32.msk $0xffff, v22;
	s14 =	sor.u32 $0x10180, s0  }
0x11f: {  	s15 =	sand.u32 $0x70, s9;
	s7 =	sand.u32 $0xE00, s8;
	[tilespmem:s14+$0x0] =	vst.add.f32.msk $0xffff, v22  }
0x120: {  	v24 =	vor.u32 v14, v13;
	[tilespmem:s0+$0x10200] =	vst.add.f32.msk $0xffff, v22;
	s0 =	smov.u32 s2;
	s2 =	sor.u32 s15, s7  }
0x121: {  	v22 =	vor.u32 v12, v24;
	s7 =	sor.u32 $0x9080, s2;
	v21 =	vld.idx.msk [tilespmem:v21+s18+$0x0], $0xffff  }
0x122: {  	[tilespmem:s7+$0x0] =	vst.add.f32.msk $0xffff, v23;
	s7 =	sor.u32 $0x9100, s2  }
0x123: {  	[tilespmem:s7+$0x0] =	vst.add.f32.msk $0xffff, v23;
	s7 =	sor.u32 $0x9180, s2  }
0x124: {  	[tilespmem:s7+$0x0] =	vst.add.f32.msk $0xffff, v23  }
0x125: {  	[tilespmem:s2+$0x9200] =	vst.add.f32.msk $0xffff, v23;
	v23 =	vor.u32 v18, v9  }
0x126: {  	s7 =	sor.u32 $0xD080, s0;
	v22 =	vld.idx.msk [tilespmem:v22+s18+$0x0], $0xffff;
	v23 =	vor.u32 v10, v23  }
0x127: {  	[tilespmem:s7+$0x0] =	vst.add.f32.msk $0xffff, v21;
	s7 =	sor.u32 $0xD100, s0  }
0x128: {  	[tilespmem:s7+$0x0] =	vst.add.f32.msk $0xffff, v21;
	s7 =	sor.u32 $0xD180, s0  }
0x129: {  	[tilespmem:s7+$0x0] =	vst.add.f32.msk $0xffff, v21  }
0x12a: {  	v24 =	vor.u32 v15, v13;
	[tilespmem:s0+$0xD200] =	vst.add.f32.msk $0xffff, v21  }
0x12b: {  	v24 =	vor.u32 v12, v24;
	s7 =	sor.u32 $0xA080, s2;
	v21 =	vld.idx.msk [tilespmem:v23+s18+$0x0], $0xffff  }
.Ltmp1:
0x12c: {  	[tilespmem:s7+$0x0] =	vst.add.f32.msk $0xffff, v22;
	s7 =	sor.u32 $0xA100, s2;
	(pc) =	sbr.rel @p0 .LBB2_5-.Ltmp1, $4  }
0x12d: {  	[tilespmem:s7+$0x0] =	vst.add.f32.msk $0xffff, v22;
	s7 =	sor.u32 $0xA180, s2  }
0x12e: {  	[tilespmem:s7+$0x0] =	vst.add.f32.msk $0xffff, v22  }
0x12f: {  	[tilespmem:s2+$0xA200] =	vst.add.f32.msk $0xffff, v22;
	v22 =	vor.u32 v20, v9  }
0x130: {  	s9 =	sadd.s32 $0x10, s9;
	s14 =	sor.u32 $0xE080, s0;
	v23 =	vld.idx.msk [tilespmem:v24+s18+$0x0], $0xffff;
	v22 =	vor.u32 v10, v22  }
0x131: {  	_ =	sdelay $0x1  }
0x132: {  	v11 =	vor.u32 v16, v13  }
0x133: {  	s7 =	sor.u32 $0xB080, s2;
	v11 =	vor.u32 v12, v11  }
0x134: {  	s9 =	sor.u32 $0xB100, s2;
	[tilespmem:s7+$0x0] =	vst.add.f32.msk $0xffff, v23  }
0x135: {  	s15 =	sor.u32 $0xB180, s2;
	[tilespmem:s9+$0x0] =	vst.add.f32.msk $0xffff, v23  }
0x136: {  	[tilespmem:s15+$0x0] =	vst.add.f32.msk $0xffff, v23  }
0x137: {  	[tilespmem:s2+$0xB200] =	vst.add.f32.msk $0xffff, v23  }
0x138: {  	v11 =	vld.idx.msk [tilespmem:v11+s18+$0x0], $0xffff;
	_ =	sdelay $0x2  }
0x139: {  	v14 =	vor.u32 v17, v13  }
0x13a: {  	[tilespmem:s14+$0x0] =	vst.add.f32.msk $0xffff, v21;
	s8 =	sor.u32 $0xC080, s2;
	v14 =	vor.u32 v12, v14  }
0x13b: {  	s9 =	sor.u32 $0xC100, s2;
	[tilespmem:s8+$0x0] =	vst.add.f32.msk $0xffff, v11  }
0x13c: {  	s14 =	sor.u32 $0xC180, s2;
	[tilespmem:s9+$0x0] =	vst.add.f32.msk $0xffff, v11  }
0x13d: {  	[tilespmem:s14+$0x0] =	vst.add.f32.msk $0xffff, v11  }
0x13e: {  	[tilespmem:s2+$0xC200] =	vst.add.f32.msk $0xffff, v11  }
0x13f: {  	s15 =	sor.u32 $0xE100, s0;
	v11 =	vld.idx.msk [tilespmem:v14+s18+$0x0], $0xffff  }
0x140: {  	[tilespmem:s15+$0x0] =	vst.add.f32.msk $0xffff, v21;
	s8 =	sor.u32 $0xE180, s0  }
0x141: {  	[tilespmem:s8+$0x0] =	vst.add.f32.msk $0xffff, v21  }
0x142: {  	[tilespmem:s0+$0xE200] =	vst.add.f32.msk $0xffff, v21;
	v14 =	vor.u32 v18, v13  }
0x143: {  	s9 =	sor.u32 $0xD080, s2;
	v15 =	vld.idx.msk [tilespmem:v22+s18+$0x0], $0xffff;
	v14 =	vor.u32 v12, v14  }
0x144: {  	s14 =	sor.u32 $0xD100, s2;
	[tilespmem:s9+$0x0] =	vst.add.f32.msk $0xffff, v11  }
0x145: {  	s15 =	sor.u32 $0xD180, s2;
	[tilespmem:s14+$0x0] =	vst.add.f32.msk $0xffff, v11  }
0x146: {  	[tilespmem:s15+$0x0] =	vst.add.f32.msk $0xffff, v11  }
0x147: {  	[tilespmem:s2+$0xD200] =	vst.add.f32.msk $0xffff, v11  }
0x148: {  	v11 =	vld.idx.msk [tilespmem:v14+s18+$0x0], $0xffff;
	_ =	sdelay $0x2  }
0x149: {  	s8 =	sor.u32 $0xF080, s0;
	v14 =	vor.u32 v20, v13  }
0x14a: {  	[tilespmem:s8+$0x0] =	vst.add.f32.msk $0xffff, v15;
	s9 =	sor.u32 $0xE080, s2;
	v14 =	vor.u32 v12, v14  }
0x14b: {  	s14 =	sor.u32 $0xE100, s2;
	[tilespmem:s9+$0x0] =	vst.add.f32.msk $0xffff, v11  }
0x14c: {  	s15 =	sor.u32 $0xE180, s2;
	[tilespmem:s14+$0x0] =	vst.add.f32.msk $0xffff, v11  }
0x14d: {  	v9 =	vor.u32 v19, v9;
	[tilespmem:s15+$0x0] =	vst.add.f32.msk $0xffff, v11  }
0x14e: {  	v9 =	vor.u32 v10, v9;
	[tilespmem:s2+$0xE200] =	vst.add.f32.msk $0xffff, v11  }
0x14f: {  	s8 =	sor.u32 $0xF100, s0;
	v10 =	vld.idx.msk [tilespmem:v14+s18+$0x0], $0xffff  }
0x150: {  	[tilespmem:s8+$0x0] =	vst.add.f32.msk $0xffff, v15;
	s9 =	sor.u32 $0xF180, s0  }
0x151: {  	[tilespmem:s9+$0x0] =	vst.add.f32.msk $0xffff, v15  }
0x152: {  	[tilespmem:s0+$0xF200] =	vst.add.f32.msk $0xffff, v15;
	v11 =	vor.u32 v19, v13  }
0x153: {  	s14 =	sor.u32 $0xF080, s2;
	v9 =	vld.idx.msk [tilespmem:v9+s18+$0x0], $0xffff;
	v11 =	vor.u32 v12, v11  }
0x154: {  	s15 =	sor.u32 $0xF100, s2;
	[tilespmem:s14+$0x0] =	vst.add.f32.msk $0xffff, v10  }
0x155: {  	s8 =	sor.u32 $0xF180, s2;
	[tilespmem:s15+$0x0] =	vst.add.f32.msk $0xffff, v10  }
0x156: {  	[tilespmem:s8+$0x0] =	vst.add.f32.msk $0xffff, v10  }
0x157: {  	[tilespmem:s2+$0xF200] =	vst.add.f32.msk $0xffff, v10  }
0x158: {  	s9 =	sor.u32 $0x10080, s0;
	v10 =	vld.idx.msk [tilespmem:v11+s18+$0x0], $0xffff  }
0x159: {  	[tilespmem:s9+$0x0] =	vst.add.f32.msk $0xffff, v9;
	s14 =	sor.u32 $0x10100, s0  }
0x15a: {  	[tilespmem:s14+$0x0] =	vst.add.f32.msk $0xffff, v9;
	s15 =	sor.u32 $0x10180, s0  }
0x15b: {  	[tilespmem:s15+$0x0] =	vst.add.f32.msk $0xffff, v9  }
0x15c: {  	s7 =	sor.u32 $0x10080, s2;
	[tilespmem:s0+$0x10200] =	vst.add.f32.msk $0xffff, v9  }
0x15d: {  	s8 =	sor.u32 $0x10100, s2;
	[tilespmem:s7+$0x0] =	vst.add.f32.msk $0xffff, v10  }
0x15e: {  	s9 =	sor.u32 $0x10180, s2;
	[tilespmem:s8+$0x0] =	vst.add.f32.msk $0xffff, v10  }
0x15f: {  	s14 =	sshll.u32 s3, $0xC;
	[tilespmem:s9+$0x0] =	vst.add.f32.msk $0xffff, v10  }
0x160: {  	s0 =	sadd.s32 s14, s11;
	[tilespmem:s2+$0x10200] =	vst.add.f32.msk $0xffff, v10;
	s2 =	simm.s32 $0x0  }
0x161: {  	[hbm4b:s0+s2] =	stream.linear.scatter [tilespmem:s17], [sflag:$0x5], $0x8000, $0x38;
	[tilespmem:$0x19080] =	vst v63  }
0x162: {  	s0 =	sshll.u32 s31, $0x3  }
0x163: {  	s15 =	sadd.s32 s12, s29;
	_ =	swait.ge [sflag:s19], $0x8000;
	v9 =	vmov s0  }
0x164: {  	s3 =	sshrl.u32 s15, $0x3;
	[sflag:s19] =	ssyncset.done $0x0;
	v9 =	vbroadcast v9, $0x0  }
0x165: {  	s3 =	sadd.s32 s1, s3;
	[sflag:s19] =	ssyncadd.s32 $0xFFFF8000  }
0x166: {  	[tilespmem:s16], [sflag:$0x1] =	stream.linear.gather [hbm4b:s3+s2], $0x8000, $0x38;
	[tilespmem:$0x19080] =	vst v63  }
0x167: {  	_ =	swait.ge [sflag:s24], $0x8000  }
0x168: {  	[sflag:s24] =	ssyncset.done $0x0  }
0x169: {  	[sflag:s24] =	ssyncadd.s32 $0xFFFF8000  }
0x16a: {  	v9 =	vld.idx.msk [tilespmem:v9+s2+$0x0], $0xffff  }
0x16b: {  	s7 =	sor.u32 $0x1, s0  }
0x16c: {  	s8 =	sor.u32 $0x2, s0;
	s9 =	sor.u32 $0x3, s0;
	v10 =	vmov s7  }
0x16d: {  	v11 =	vmov s9;
	s7 =	sshllo.u32 s31, $0x3;
	v12 =	vbroadcast v10, $0x0;
	v10 =	vmov s8  }
0x16e: {  	v14 =	vbroadcast v11, $0x0;
	v11 =	vmov s2;
	v20 =	vmov s7  }
0x16f: {  	v13 =	vbroadcast v10, $0x0;
	v10 =	vshll.u32 v9, $0xA;
	v9 =	vshll.u32 v9, $0x7  }
0x170: {  	v15 =	vshll.u32 v11, $0x2;
	v10 =	vand.u32 $0xFFFFF000, v10;
	v9 =	vand.u32 $0x180, v9  }
0x171: {  	s15 =	sor.u32 $0x5, s0;
	v11 =	vor.u32 v10, v9;
	v10 =	vor.u32 s2, v0;
	v9 =	vand.u32 $0xE00, v15  }
0x172: {  	s14 =	sor.u32 $0x4, s0;
	s0 =	sor.u32 $0x6, s0;
	v17 =	vmov s15;
	v10 =	vand.u32 $0x7F, v10;
	v16 =	vor.u32 v11, v9  }
0x173: {  	v18 =	vmov s0;
	v17 =	vbroadcast v17, $0x0;
	v12 =	vld.idx.msk [tilespmem:v12+s2+$0x0], $0xffff;
	v16 =	vor.u32 v10, v16  }
0x174: {  	v18 =	vbroadcast v18, $0x0  }
0x175: {  	v15 =	vmov s14  }
0x176: {  	v24 =	vld.idx.msk [tilespmem:v20+s2+$0x0], $0xffff;
	v15 =	vbroadcast v15, $0x0  }
0x177: {  	v19 =	vld.idx.msk [tilespmem:v14+s2+$0x0], $0xffff  }
0x178: {  	v14 =	vshll.u32 v12, $0xA;
	v12 =	vshll.u32 v12, $0x7;
	v16 =	vld.idx.msk [tilespmem:v16+s18+$0x0], $0xffff  }
0x179: {  	v22 =	vld.idx.msk [tilespmem:v17+s2+$0x0], $0xffff;
	v14 =	vand.u32 $0xFFFFF000, v14;
	v12 =	vand.u32 $0x180, v12  }
0x17a: {  	s9 =	sand.u32 $0xE00, s2;
	s8 =	sand.u32 $0x70, s2;
	v23 =	vld.idx.msk [tilespmem:v18+s2+$0x0], $0xffff;
	v14 =	vor.u32 v14, v12  }
0x17b: {  	s0 =	sor.u32 s8, s9;
	v13 =	vld.idx.msk [tilespmem:v13+s2+$0x0], $0xffff;
	v12 =	vor.u32 v14, v9  }
0x17c: {  	s14 =	sor.u32 $0x11080, s0;
	v12 =	vor.u32 v10, v12;
	v21 =	vld.idx.msk [tilespmem:v15+s2+$0x0], $0xffff  }
0x17d: {  	s15 =	sor.u32 $0x11100, s0;
	[tilespmem:s14+$0x0] =	vst.add.f32.msk $0xffff, v16  }
0x17e: {  	s31 =	sor.u32 $0x11180, s0;
	[tilespmem:s15+$0x0] =	vst.add.f32.msk $0xffff, v16  }
0x17f: {  	[tilespmem:s31+$0x0] =	vst.add.f32.msk $0xffff, v16  }
0x180: {  	[tilespmem:s0+$0x11200] =	vst.add.f32.msk $0xffff, v16  }
0x181: {  	v15 =	vshll.u32 v13, $0xA;
	v13 =	vshll.u32 v13, $0x7;
	v12 =	vld.idx.msk [tilespmem:v12+s18+$0x0], $0xffff  }
0x182: {  	v15 =	vand.u32 $0xFFFFF000, v15;
	v13 =	vand.u32 $0x180, v13  }
0x183: {  	v15 =	vor.u32 v15, v13  }
0x184: {  	v13 =	vor.u32 v15, v9  }
0x185: {  	s3 =	sor.u32 $0x12080, s0;
	v13 =	vor.u32 v10, v13  }
0x186: {  	s7 =	sor.u32 $0x12100, s0;
	[tilespmem:s3+$0x0] =	vst.add.f32.msk $0xffff, v12  }
0x187: {  	s8 =	sor.u32 $0x12180, s0;
	[tilespmem:s7+$0x0] =	vst.add.f32.msk $0xffff, v12  }
0x188: {  	[tilespmem:s8+$0x0] =	vst.add.f32.msk $0xffff, v12  }
0x189: {  	[tilespmem:s0+$0x12200] =	vst.add.f32.msk $0xffff, v12  }
0x18a: {  	v16 =	vshll.u32 v19, $0x7;
	v12 =	vshll.u32 v19, $0xA;
	v17 =	vld.idx.msk [tilespmem:v13+s18+$0x0], $0xffff  }
0x18b: {  	v12 =	vand.u32 $0xFFFFF000, v12;
	v13 =	vand.u32 $0x180, v16  }
0x18c: {  	v16 =	vor.u32 v12, v13  }
0x18d: {  	s9 =	simm.s32 $0x10;
	v12 =	vor.u32 v16, v9  }
0x18e: {  	s3 =	sor.u32 $0x13080, s0;
	v18 =	vor.u32 v10, v12;
	v12 =	vmov s9  }
0x18f: {  	s14 =	sor.u32 $0x13100, s0;
	v12 =	vshll.u32 v12, $0x2;
	[tilespmem:s3+$0x0] =	vst.add.f32.msk $0xffff, v17  }
0x190: {  	s15 =	sor.u32 $0x13180, s0;
	v19 =	vor.u32 s9, v0;
	v13 =	vand.u32 $0xE00, v12;
	[tilespmem:s14+$0x0] =	vst.add.f32.msk $0xffff, v17  }
0x191: {  	v12 =	vand.u32 $0x7F, v19;
	v19 =	vor.u32 v11, v13;
	[tilespmem:s15+$0x0] =	vst.add.f32.msk $0xffff, v17  }
0x192: {  	v19 =	vor.u32 v12, v19;
	[tilespmem:s0+$0x13200] =	vst.add.f32.msk $0xffff, v17  }
0x193: {  	v18 =	vld.idx.msk [tilespmem:v18+s18+$0x0], $0xffff  }
0x194: {  	v20 =	vshll.u32 v21, $0x7;
	v17 =	vshll.u32 v21, $0xA  }
0x195: {  	v20 =	vand.u32 $0x180, v20;
	v17 =	vand.u32 $0xFFFFF000, v17  }
0x196: {  	v17 =	vor.u32 v17, v20  }
0x197: {  	s31 =	sor.u32 $0x14080, s0;
	v20 =	vor.u32 v17, v9;
	v19 =	vld.idx.msk [tilespmem:v19+s18+$0x0], $0xffff  }
0x198: {  	s7 =	sor.u32 $0x14100, s0;
	s3 =	simm.s32 $0x40;
	v20 =	vor.u32 v10, v20;
	[tilespmem:s31+$0x0] =	vst.add.f32.msk $0xffff, v18  }
0x199: {  	s2 =	sand.u32 $0x70, s9;
	s8 =	sor.u32 $0x14180, s0;
	s9 =	sand.u32 $0xE00, s3;
	[tilespmem:s7+$0x0] =	vst.add.f32.msk $0xffff, v18  }
0x19a: {  	s2 =	sor.u32 s2, s9;
	[tilespmem:s8+$0x0] =	vst.add.f32.msk $0xffff, v18  }
0x19b: {  	s7 =	sor.u32 $0x11080, s2;
	[tilespmem:s0+$0x14200] =	vst.add.f32.msk $0xffff, v18;
	v18 =	vor.u32 v14, v13  }
0x19c: {  	[tilespmem:s7+$0x0] =	vst.add.f32.msk $0xffff, v19;
	v21 =	vor.u32 v12, v18  }
0x19d: {  	s14 =	sor.u32 $0x11100, s2;
	v20 =	vld.idx.msk [tilespmem:v20+s18+$0x0], $0xffff;
	v18 =	vshll.u32 v22, $0xA;
	v22 =	vshll.u32 v22, $0x7  }
0x19e: {  	s15 =	sor.u32 $0x11180, s2;
	[tilespmem:s14+$0x0] =	vst.add.f32.msk $0xffff, v19;
	v18 =	vand.u32 $0xFFFFF000, v18;
	v22 =	vand.u32 $0x180, v22  }
0x19f: {  	[tilespmem:s15+$0x0] =	vst.add.f32.msk $0xffff, v19;
	v18 =	vor.u32 v18, v22  }
0x1a0: {  	[tilespmem:s2+$0x11200] =	vst.add.f32.msk $0xffff, v19;
	v19 =	vor.u32 v18, v9  }
0x1a1: {  	s31 =	sor.u32 $0x15080, s0;
	v19 =	vor.u32 v10, v19;
	v22 =	vld.idx.msk [tilespmem:v21+s18+$0x0], $0xffff  }
0x1a2: {  	s8 =	sor.u32 $0x15100, s0;
	[tilespmem:s31+$0x0] =	vst.add.f32.msk $0xffff, v20  }
0x1a3: {  	s9 =	sor.u32 $0x15180, s0;
	[tilespmem:s8+$0x0] =	vst.add.f32.msk $0xffff, v20  }
0x1a4: {  	[tilespmem:s9+$0x0] =	vst.add.f32.msk $0xffff, v20  }
0x1a5: {  	v21 =	vor.u32 v15, v13;
	[tilespmem:s0+$0x15200] =	vst.add.f32.msk $0xffff, v20  }
0x1a6: {  	s14 =	sor.u32 $0x12080, s2;
	v25 =	vor.u32 v12, v21;
	v21 =	vld.idx.msk [tilespmem:v19+s18+$0x0], $0xffff  }
0x1a7: {  	s15 =	sor.u32 $0x12100, s2;
	v20 =	vshll.u32 v23, $0x7;
	v19 =	vshll.u32 v23, $0xA;
	[tilespmem:s14+$0x0] =	vst.add.f32.msk $0xffff, v22  }
0x1a8: {  	s31 =	sor.u32 $0x12180, s2;
	v20 =	vand.u32 $0x180, v20;
	v19 =	vand.u32 $0xFFFFF000, v19;
	[tilespmem:s15+$0x0] =	vst.add.f32.msk $0xffff, v22  }
0x1a9: {  	v23 =	vshll.u32 v24, $0x7;
	v20 =	vor.u32 v19, v20;
	v19 =	vshll.u32 v24, $0xA;
	[tilespmem:s31+$0x0] =	vst.add.f32.msk $0xffff, v22  }
0x1aa: {  	v23 =	vand.u32 $0x180, v23;
	v19 =	vand.u32 $0xFFFFF000, v19;
	[tilespmem:s2+$0x12200] =	vst.add.f32.msk $0xffff, v22;
	v22 =	vor.u32 v20, v9  }
0x1ab: {  	s8 =	simm.s32 $0x20;
	s9 =	sor.u32 $0x16080, s0;
	v19 =	vor.u32 v19, v23;
	v23 =	vld.idx.msk [tilespmem:v25+s18+$0x0], $0xffff;
	v22 =	vor.u32 v10, v22  }
.LBB2_7:
0x1ac: {  	p0 =	sne.s32 s8, $0x3F0;
	[tilespmem:s9+$0x0] =	vst.add.f32.msk $0xffff, v21;
	s7 =	sor.u32 $0x16100, s0  }
0x1ad: {  	[tilespmem:s7+$0x0] =	vst.add.f32.msk $0xffff, v21;
	s7 =	sor.u32 $0x16180, s0  }
0x1ae: {  	[tilespmem:s7+$0x0] =	vst.add.f32.msk $0xffff, v21  }
0x1af: {  	v24 =	vor.u32 v16, v13;
	[tilespmem:s0+$0x16200] =	vst.add.f32.msk $0xffff, v21  }
0x1b0: {  	s7 =	sor.u32 $0x13080, s2;
	v21 =	vor.u32 v12, v24;
	v22 =	vld.idx.msk [tilespmem:v22+s18+$0x0], $0xffff  }
0x1b1: {  	[tilespmem:s7+$0x0] =	vst.add.f32.msk $0xffff, v23;
	s7 =	sor.u32 $0x13100, s2  }
0x1b2: {  	v24 =	vmov s8;
	[tilespmem:s7+$0x0] =	vst.add.f32.msk $0xffff, v23;
	s7 =	sor.u32 $0x13180, s2  }
0x1b3: {  	v24 =	vshll.u32 v24, $0x2;
	[tilespmem:s7+$0x0] =	vst.add.f32.msk $0xffff, v23  }
0x1b4: {  	v25 =	vor.u32 s8, v0;
	[tilespmem:s2+$0x13200] =	vst.add.f32.msk $0xffff, v23;
	v23 =	vor.u32 v19, v9;
	v9 =	vmovc v13;
	v13 =	vand.u32 $0xE00, v24  }
0x1b5: {  	s7 =	sor.u32 $0x17080, s0;
	v24 =	vor.u32 v11, v13;
	v21 =	vld.idx.msk [tilespmem:v21+s18+$0x0], $0xffff;
	v23 =	vor.u32 v10, v23;
	v10 =	vmovc v12;
	v12 =	vand.u32 $0x7F, v25  }
0x1b6: {  	v24 =	vor.u32 v12, v24;
	[tilespmem:s7+$0x0] =	vst.add.f32.msk $0xffff, v22;
	s7 =	sor.u32 $0x17100, s0  }
0x1b7: {  	[tilespmem:s7+$0x0] =	vst.add.f32.msk $0xffff, v22;
	s7 =	sor.u32 $0x17180, s0  }
0x1b8: {  	[tilespmem:s7+$0x0] =	vst.add.f32.msk $0xffff, v22  }
0x1b9: {  	[tilespmem:s0+$0x17200] =	vst.add.f32.msk $0xffff, v22  }
0x1ba: {  	v22 =	vld.idx.msk [tilespmem:v23+s18+$0x0], $0xffff  }
0x1bb: {  	s7 =	sor.u32 $0x14080, s2;
	v23 =	vld.idx.msk [tilespmem:v24+s18+$0x0], $0xffff  }
0x1bc: {  	[tilespmem:s7+$0x0] =	vst.add.f32.msk $0xffff, v21;
	s7 =	sor.u32 $0x14100, s2  }
0x1bd: {  	[tilespmem:s7+$0x0] =	vst.add.f32.msk $0xffff, v21;
	s7 =	sor.u32 $0x14180, s2  }
0x1be: {  	v24 =	vor.u32 v17, v9;
	[tilespmem:s7+$0x0] =	vst.add.f32.msk $0xffff, v21  }
0x1bf: {  	s7 =	sor.u32 $0x18080, s0;
	[tilespmem:s2+$0x14200] =	vst.add.f32.msk $0xffff, v21;
	v21 =	vor.u32 v10, v24  }
0x1c0: {  	[tilespmem:s7+$0x0] =	vst.add.f32.msk $0xffff, v22;
	s7 =	sor.u32 $0x18100, s0  }
0x1c1: {  	s3 =	sadd.s32 $0x40, s3;
	[tilespmem:s7+$0x0] =	vst.add.f32.msk $0xffff, v22;
	s7 =	sor.u32 $0x18180, s0  }
0x1c2: {  	s9 =	sand.u32 $0x70, s8;
	s14 =	sand.u32 $0xE00, s3;
	[tilespmem:s7+$0x0] =	vst.add.f32.msk $0xffff, v22  }
0x1c3: {  	v24 =	vor.u32 v14, v13;
	[tilespmem:s0+$0x18200] =	vst.add.f32.msk $0xffff, v22;
	s0 =	smov.u32 s2;
	s2 =	sor.u32 s9, s14  }
0x1c4: {  	v22 =	vor.u32 v12, v24;
	s7 =	sor.u32 $0x11080, s2;
	v21 =	vld.idx.msk [tilespmem:v21+s18+$0x0], $0xffff  }
0x1c5: {  	[tilespmem:s7+$0x0] =	vst.add.f32.msk $0xffff, v23;
	s7 =	sor.u32 $0x11100, s2  }
0x1c6: {  	[tilespmem:s7+$0x0] =	vst.add.f32.msk $0xffff, v23;
	s7 =	sor.u32 $0x11180, s2  }
0x1c7: {  	[tilespmem:s7+$0x0] =	vst.add.f32.msk $0xffff, v23  }
0x1c8: {  	[tilespmem:s2+$0x11200] =	vst.add.f32.msk $0xffff, v23;
	v23 =	vor.u32 v18, v9  }
0x1c9: {  	s7 =	sor.u32 $0x15080, s0;
	v22 =	vld.idx.msk [tilespmem:v22+s18+$0x0], $0xffff;
	v23 =	vor.u32 v10, v23  }
0x1ca: {  	[tilespmem:s7+$0x0] =	vst.add.f32.msk $0xffff, v21;
	s7 =	sor.u32 $0x15100, s0  }
0x1cb: {  	[tilespmem:s7+$0x0] =	vst.add.f32.msk $0xffff, v21;
	s7 =	sor.u32 $0x15180, s0  }
0x1cc: {  	[tilespmem:s7+$0x0] =	vst.add.f32.msk $0xffff, v21  }
0x1cd: {  	v24 =	vor.u32 v15, v13;
	[tilespmem:s0+$0x15200] =	vst.add.f32.msk $0xffff, v21  }
0x1ce: {  	v24 =	vor.u32 v12, v24;
	s7 =	sor.u32 $0x12080, s2;
	v21 =	vld.idx.msk [tilespmem:v23+s18+$0x0], $0xffff  }
.Ltmp2:
0x1cf: {  	[tilespmem:s7+$0x0] =	vst.add.f32.msk $0xffff, v22;
	s7 =	sor.u32 $0x12100, s2;
	(pc) =	sbr.rel @p0 .LBB2_7-.Ltmp2, $4  }
0x1d0: {  	[tilespmem:s7+$0x0] =	vst.add.f32.msk $0xffff, v22;
	s7 =	sor.u32 $0x12180, s2  }
0x1d1: {  	[tilespmem:s7+$0x0] =	vst.add.f32.msk $0xffff, v22  }
0x1d2: {  	[tilespmem:s2+$0x12200] =	vst.add.f32.msk $0xffff, v22;
	v22 =	vor.u32 v20, v9  }
0x1d3: {  	s8 =	sadd.s32 $0x10, s8;
	s9 =	sor.u32 $0x16080, s0;
	v23 =	vld.idx.msk [tilespmem:v24+s18+$0x0], $0xffff;
	v22 =	vor.u32 v10, v22  }
0x1d4: {  	_ =	sdelay $0x1  }
0x1d5: {  	v11 =	vor.u32 v16, v13  }
0x1d6: {  	s3 =	sor.u32 $0x13080, s2;
	v11 =	vor.u32 v12, v11  }
0x1d7: {  	s15 =	sor.u32 $0x13100, s2;
	[tilespmem:s3+$0x0] =	vst.add.f32.msk $0xffff, v23  }
0x1d8: {  	s31 =	sor.u32 $0x13180, s2;
	[tilespmem:s15+$0x0] =	vst.add.f32.msk $0xffff, v23  }
0x1d9: {  	[tilespmem:s31+$0x0] =	vst.add.f32.msk $0xffff, v23  }
0x1da: {  	[tilespmem:s2+$0x13200] =	vst.add.f32.msk $0xffff, v23  }
0x1db: {  	v11 =	vld.idx.msk [tilespmem:v11+s18+$0x0], $0xffff;
	_ =	sdelay $0x2  }
0x1dc: {  	v14 =	vor.u32 v17, v13  }
0x1dd: {  	[tilespmem:s9+$0x0] =	vst.add.f32.msk $0xffff, v21;
	s7 =	sor.u32 $0x14080, s2;
	v14 =	vor.u32 v12, v14  }
0x1de: {  	s8 =	sor.u32 $0x14100, s2;
	[tilespmem:s7+$0x0] =	vst.add.f32.msk $0xffff, v11  }
0x1df: {  	s9 =	sor.u32 $0x14180, s2;
	[tilespmem:s8+$0x0] =	vst.add.f32.msk $0xffff, v11  }
0x1e0: {  	[tilespmem:s9+$0x0] =	vst.add.f32.msk $0xffff, v11  }
0x1e1: {  	[tilespmem:s2+$0x14200] =	vst.add.f32.msk $0xffff, v11  }
0x1e2: {  	s14 =	sor.u32 $0x16100, s0;
	v11 =	vld.idx.msk [tilespmem:v14+s18+$0x0], $0xffff  }
0x1e3: {  	[tilespmem:s14+$0x0] =	vst.add.f32.msk $0xffff, v21;
	s15 =	sor.u32 $0x16180, s0  }
0x1e4: {  	[tilespmem:s15+$0x0] =	vst.add.f32.msk $0xffff, v21  }
0x1e5: {  	v62 =	vor.u32 v18, v13;
	[tilespmem:s0+$0x16200] =	vst.add.f32.msk $0xffff, v21  }
0x1e6: {  	s31 =	sor.u32 $0x15080, s2;
	v15 =	vld.idx.msk [tilespmem:v22+s18+$0x0], $0xffff;
	v14 =	vor.u32 v12, v62  }
0x1e7: {  	s7 =	sor.u32 $0x15100, s2;
	[tilespmem:s31+$0x0] =	vst.add.f32.msk $0xffff, v11  }
0x1e8: {  	s8 =	sor.u32 $0x15180, s2;
	[tilespmem:s7+$0x0] =	vst.add.f32.msk $0xffff, v11  }
0x1e9: {  	[tilespmem:s8+$0x0] =	vst.add.f32.msk $0xffff, v11  }
0x1ea: {  	[tilespmem:s2+$0x15200] =	vst.add.f32.msk $0xffff, v11  }
0x1eb: {  	v11 =	vld.idx.msk [tilespmem:v14+s18+$0x0], $0xffff;
	_ =	sdelay $0x2  }
0x1ec: {  	v63 =	vor.u32 v20, v13;
	s9 =	sor.u32 $0x17080, s0  }
0x1ed: {  	s14 =	sor.u32 $0x16080, s2;
	[tilespmem:s9+$0x0] =	vst.add.f32.msk $0xffff, v15;
	v14 =	vor.u32 v12, v63  }
0x1ee: {  	s15 =	sor.u32 $0x16100, s2;
	[tilespmem:s14+$0x0] =	vst.add.f32.msk $0xffff, v11  }
0x1ef: {  	s31 =	sor.u32 $0x16180, s2;
	[tilespmem:s15+$0x0] =	vst.add.f32.msk $0xffff, v11  }
0x1f0: {  	v9 =	vor.u32 v19, v9;
	[tilespmem:s31+$0x0] =	vst.add.f32.msk $0xffff, v11  }
0x1f1: {  	v9 =	vor.u32 v10, v9;
	[tilespmem:s2+$0x16200] =	vst.add.f32.msk $0xffff, v11  }
0x1f2: {  	s7 =	sor.u32 $0x17100, s0;
	v10 =	vld.idx.msk [tilespmem:v14+s18+$0x0], $0xffff  }
0x1f3: {  	[tilespmem:s7+$0x0] =	vst.add.f32.msk $0xffff, v15;
	s8 =	sor.u32 $0x17180, s0  }
0x1f4: {  	[tilespmem:s8+$0x0] =	vst.add.f32.msk $0xffff, v15  }
0x1f5: {  	[tilespmem:s0+$0x17200] =	vst.add.f32.msk $0xffff, v15;
	v11 =	vor.u32 v19, v13  }
0x1f6: {  	s9 =	sor.u32 $0x17080, s2;
	v9 =	vld.idx.msk [tilespmem:v9+s18+$0x0], $0xffff;
	v11 =	vor.u32 v12, v11  }
0x1f7: {  	s14 =	sor.u32 $0x17100, s2;
	[tilespmem:s9+$0x0] =	vst.add.f32.msk $0xffff, v10  }
0x1f8: {  	s15 =	sor.u32 $0x17180, s2;
	[tilespmem:s14+$0x0] =	vst.add.f32.msk $0xffff, v10  }
0x1f9: {  	[tilespmem:s15+$0x0] =	vst.add.f32.msk $0xffff, v10  }
0x1fa: {  	[tilespmem:s2+$0x17200] =	vst.add.f32.msk $0xffff, v10  }
0x1fb: {  	s31 =	sor.u32 $0x18080, s0;
	v10 =	vld.idx.msk [tilespmem:v11+s18+$0x0], $0xffff  }
0x1fc: {  	s7 =	sor.u32 $0x18100, s0;
	[tilespmem:s31+$0x0] =	vst.add.f32.msk $0xffff, v9  }
0x1fd: {  	s8 =	sor.u32 $0x18180, s0;
	[tilespmem:s7+$0x0] =	vst.add.f32.msk $0xffff, v9  }
0x1fe: {  	[tilespmem:s8+$0x0] =	vst.add.f32.msk $0xffff, v9  }
0x1ff: {  	p0 =	seq.s32 s28, $0x4;
	[tilespmem:s0+$0x18200] =	vst.add.f32.msk $0xffff, v9;
	s9 =	sor.u32 $0x18080, s2  }
.Ltmp3:
0x200: {  	s14 =	sor.u32 $0x18100, s2;
	[tilespmem:s9+$0x0] =	vst.add.f32.msk $0xffff, v10;
	(pc) =	sbr.rel @p0 .LBB2_10-.Ltmp3, $4  }
0x201: {  	s15 =	sor.u32 $0x18180, s2;
	[tilespmem:s14+$0x0] =	vst.add.f32.msk $0xffff, v10  }
0x202: {  	[tilespmem:s15+$0x0] =	vst.add.f32.msk $0xffff, v10  }
0x203: {  	s31 =	sadd.s32 s4, s30;
	[tilespmem:s2+$0x18200] =	vst.add.f32.msk $0xffff, v10  }
0x204: {  	[hbm4b:s31+s5] =	stream.linear.scatter [tilespmem:s22], [sflag:$0x6], $0x8000, $0x38;
	[tilespmem:$0x19080] =	vst v63  }
.Ltmp4:
0x205: {  	(pc) =	sbr.rel .LBB2_2-.Ltmp4, $4  }
0x206: {  	_ =	swait.ge [sflag:s20], $0x8000;
	s0 =	sadd.s32 s13, s29  }
0x207: {  	[sflag:s20] =	ssyncset.done $0x0;
	s0 =	sshrl.u32 s0, $0x3  }
0x208: {  	s28 =	sadd.s32 $0x1, s28;
	[sflag:s20] =	ssyncadd.s32 $0xFFFF8000;
	s0 =	sadd.s32 s1, s0  }
0x209: {  	[tilespmem:s17], [sflag:$0x2] =	stream.linear.gather [hbm4b:s0+s5], $0x8000, $0x38;
	[tilespmem:$0x19080] =	vst v63  }
.LBB2_10:
0x20a: {  	_ = 	snop  }
0x20b: {  	_ =	swait.ge [sflag:s21], $0x8000  }
0x20c: {  	[sflag:s21] =	ssyncset.done $0x0  }
0x20d: {  	s2 =	simm.s32 $0x0;
	[sflag:s21] =	ssyncadd.s32 $0xFFFF8000  }
0x20e: {  	v9 =	vld.idx.msk [tilespmem:v1+s2+$0x0], $0xffff;
	_ =	sdelay $0x4  }
0x20f: {  	v11 =	vmov s2;
	v10 =	vshll.u32 v9, $0xA;
	v9 =	vshll.u32 v9, $0x7  }
0x210: {  	v12 =	vshll.u32 v11, $0x2;
	v10 =	vand.u32 $0xFFFFF000, v10;
	v9 =	vand.u32 $0x180, v9  }
0x211: {  	v11 =	vor.u32 v10, v9;
	v9 =	vor.u32 s2, v0;
	v10 =	vand.u32 $0xE00, v12  }
0x212: {  	v9 =	vand.u32 $0x7F, v9;
	v12 =	vor.u32 v11, v10  }
0x213: {  	v13 =	vld.idx.msk [tilespmem:v2+s2+$0x0], $0xffff;
	v12 =	vor.u32 v9, v12;
	_ =	sdelay $0x2  }
0x214: {  	v15 =	vld.idx.msk [tilespmem:v3+s2+$0x0], $0xffff  }
0x215: {  	v16 =	vld.idx.msk [tilespmem:v4+s2+$0x0], $0xffff  }
0x216: {  	v14 =	vshll.u32 v13, $0xA;
	v13 =	vshll.u32 v13, $0x7;
	v12 =	vld.idx.msk [tilespmem:v12+s18+$0x0], $0xffff  }
0x217: {  	v17 =	vld.idx.msk [tilespmem:v5+s2+$0x0], $0xffff;
	v14 =	vand.u32 $0xFFFFF000, v14;
	v13 =	vand.u32 $0x180, v13  }
0x218: {  	s0 =	sand.u32 $0x70, s2;
	s3 =	sand.u32 $0xE00, s2;
	v18 =	vld.idx.msk [tilespmem:v6+s2+$0x0], $0xffff;
	v14 =	vor.u32 v14, v13  }
0x219: {  	s0 =	sor.u32 s0, s3;
	v19 =	vld.idx.msk [tilespmem:v7+s2+$0x0], $0xffff;
	v13 =	vor.u32 v14, v10  }
0x21a: {  	v22 =	vld.idx.msk [tilespmem:v8+s2+$0x0], $0xffff;
	s30 =	sor.u32 $0x1080, s0;
	v13 =	vor.u32 v9, v13  }
0x21b: {  	s31 =	sor.u32 $0x1100, s0;
	[tilespmem:s30+$0x0] =	vst.add.f32.msk $0xffff, v12  }
0x21c: {  	s3 =	sor.u32 $0x1180, s0;
	[tilespmem:s31+$0x0] =	vst.add.f32.msk $0xffff, v12  }
0x21d: {  	[tilespmem:s3+$0x0] =	vst.add.f32.msk $0xffff, v12  }
0x21e: {  	[tilespmem:s0+$0x1200] =	vst.add.f32.msk $0xffff, v12  }
0x21f: {  	v12 =	vshll.u32 v15, $0xA;
	v15 =	vshll.u32 v15, $0x7;
	v13 =	vld.idx.msk [tilespmem:v13+s18+$0x0], $0xffff  }
0x220: {  	v12 =	vand.u32 $0xFFFFF000, v12;
	v15 =	vand.u32 $0x180, v15  }
0x221: {  	v15 =	vor.u32 v12, v15  }
0x222: {  	v12 =	vor.u32 v15, v10  }
0x223: {  	s7 =	sor.u32 $0x2080, s0;
	v12 =	vor.u32 v9, v12  }
0x224: {  	s8 =	sor.u32 $0x2100, s0;
	[tilespmem:s7+$0x0] =	vst.add.f32.msk $0xffff, v13  }
0x225: {  	s9 =	sor.u32 $0x2180, s0;
	[tilespmem:s8+$0x0] =	vst.add.f32.msk $0xffff, v13  }
0x226: {  	[tilespmem:s9+$0x0] =	vst.add.f32.msk $0xffff, v13  }
0x227: {  	[tilespmem:s0+$0x2200] =	vst.add.f32.msk $0xffff, v13  }
0x228: {  	v13 =	vshll.u32 v16, $0xA;
	v16 =	vshll.u32 v16, $0x7;
	v20 =	vld.idx.msk [tilespmem:v12+s18+$0x0], $0xffff  }
0x229: {  	v12 =	vand.u32 $0xFFFFF000, v13;
	v13 =	vand.u32 $0x180, v16  }
0x22a: {  	v16 =	vor.u32 v12, v13  }
0x22b: {  	s14 =	simm.s32 $0x10;
	v12 =	vor.u32 v16, v10  }
0x22c: {  	s3 =	sor.u32 $0x3080, s0;
	v21 =	vor.u32 v9, v12;
	v12 =	vmov s14  }
0x22d: {  	s15 =	sor.u32 $0x3100, s0;
	v12 =	vshll.u32 v12, $0x2;
	[tilespmem:s3+$0x0] =	vst.add.f32.msk $0xffff, v20  }
0x22e: {  	v23 =	vor.u32 s14, v0;
	s28 =	sor.u32 $0x3180, s0;
	v13 =	vand.u32 $0xE00, v12;
	[tilespmem:s15+$0x0] =	vst.add.f32.msk $0xffff, v20  }
0x22f: {  	v12 =	vand.u32 $0x7F, v23;
	v23 =	vor.u32 v11, v13;
	[tilespmem:s28+$0x0] =	vst.add.f32.msk $0xffff, v20  }
0x230: {  	[tilespmem:s0+$0x3200] =	vst.add.f32.msk $0xffff, v20;
	v20 =	vor.u32 v12, v23  }
0x231: {  	v23 =	vshll.u32 v17, $0xA;
	v17 =	vshll.u32 v17, $0x7;
	v21 =	vld.idx.msk [tilespmem:v21+s18+$0x0], $0xffff  }
0x232: {  	v23 =	vand.u32 $0xFFFFF000, v23;
	v17 =	vand.u32 $0x180, v17  }
0x233: {  	v17 =	vor.u32 v23, v17  }
0x234: {  	v23 =	vor.u32 v17, v10  }
0x235: {  	s29 =	sor.u32 $0x4080, s0;
	v23 =	vor.u32 v9, v23;
	v20 =	vld.idx.msk [tilespmem:v20+s18+$0x0], $0xffff  }
0x236: {  	s30 =	sor.u32 $0x4100, s0;
	[tilespmem:s29+$0x0] =	vst.add.f32.msk $0xffff, v21  }
0x237: {  	s7 =	sor.u32 $0x4180, s0;
	s3 =	simm.s32 $0x40;
	[tilespmem:s30+$0x0] =	vst.add.f32.msk $0xffff, v21  }
0x238: {  	s2 =	sand.u32 $0x70, s14;
	s31 =	sand.u32 $0xE00, s3;
	[tilespmem:s7+$0x0] =	vst.add.f32.msk $0xffff, v21  }
0x239: {  	s2 =	sor.u32 s2, s31;
	[tilespmem:s0+$0x4200] =	vst.add.f32.msk $0xffff, v21;
	v21 =	vor.u32 v14, v13  }
0x23a: {  	s7 =	sor.u32 $0x1080, s2;
	v21 =	vor.u32 v12, v21;
	v23 =	vld.idx.msk [tilespmem:v23+s18+$0x0], $0xffff  }
0x23b: {  	v24 =	vshll.u32 v18, $0xA;
	v18 =	vshll.u32 v18, $0x7;
	s8 =	sor.u32 $0x1100, s2;
	[tilespmem:s7+$0x0] =	vst.add.f32.msk $0xffff, v20  }
0x23c: {  	v24 =	vand.u32 $0xFFFFF000, v24;
	v18 =	vand.u32 $0x180, v18;
	s9 =	sor.u32 $0x1180, s2;
	[tilespmem:s8+$0x0] =	vst.add.f32.msk $0xffff, v20  }
0x23d: {  	v18 =	vor.u32 v24, v18;
	[tilespmem:s9+$0x0] =	vst.add.f32.msk $0xffff, v20  }
0x23e: {  	[tilespmem:s2+$0x1200] =	vst.add.f32.msk $0xffff, v20;
	v20 =	vor.u32 v18, v10  }
0x23f: {  	s14 =	sor.u32 $0x5080, s0;
	v20 =	vor.u32 v9, v20;
	v62 =	vld.idx.msk [tilespmem:v21+s18+$0x0], $0xffff  }
0x240: {  	s15 =	sor.u32 $0x5100, s0;
	[tilespmem:s14+$0x0] =	vst.add.f32.msk $0xffff, v23  }
0x241: {  	s28 =	sor.u32 $0x5180, s0;
	[tilespmem:s15+$0x0] =	vst.add.f32.msk $0xffff, v23  }
0x242: {  	[tilespmem:s28+$0x0] =	vst.add.f32.msk $0xffff, v23  }
0x243: {  	v21 =	vor.u32 v15, v13;
	[tilespmem:s0+$0x5200] =	vst.add.f32.msk $0xffff, v23  }
0x244: {  	s29 =	sor.u32 $0x2080, s2;
	v23 =	vor.u32 v12, v21;
	v21 =	vld.idx.msk [tilespmem:v20+s18+$0x0], $0xffff  }
0x245: {  	s30 =	sor.u32 $0x2100, s2;
	v20 =	vshll.u32 v19, $0xA;
	v19 =	vshll.u32 v19, $0x7;
	[tilespmem:s29+$0x0] =	vst.add.f32.msk $0xffff, v62  }
0x246: {  	s31 =	sor.u32 $0x2180, s2;
	v20 =	vand.u32 $0xFFFFF000, v20;
	v19 =	vand.u32 $0x180, v19;
	[tilespmem:s30+$0x0] =	vst.add.f32.msk $0xffff, v62  }
0x247: {  	v20 =	vor.u32 v20, v19;
	v19 =	vshll.u32 v22, $0xA;
	v22 =	vshll.u32 v22, $0x7;
	[tilespmem:s31+$0x0] =	vst.add.f32.msk $0xffff, v62  }
0x248: {  	v19 =	vand.u32 $0xFFFFF000, v19;
	v22 =	vand.u32 $0x180, v22;
	v63 =	vor.u32 v20, v10;
	[tilespmem:s2+$0x2200] =	vst.add.f32.msk $0xffff, v62  }
0x249: {  	s8 =	simm.s32 $0x20;
	s9 =	sor.u32 $0x6080, s0;
	v19 =	vor.u32 v19, v22;
	v22 =	vor.u32 v9, v63;
	v23 =	vld.idx.msk [tilespmem:v23+s18+$0x0], $0xffff  }
.LBB2_11:
0x24a: {  	p0 =	sne.s32 s8, $0x3F0;
	[tilespmem:s9+$0x0] =	vst.add.f32.msk $0xffff, v21;
	s7 =	sor.u32 $0x6100, s0  }
0x24b: {  	[tilespmem:s7+$0x0] =	vst.add.f32.msk $0xffff, v21;
	s7 =	sor.u32 $0x6180, s0  }
0x24c: {  	[tilespmem:s7+$0x0] =	vst.add.f32.msk $0xffff, v21  }
0x24d: {  	v24 =	vor.u32 v16, v13;
	[tilespmem:s0+$0x6200] =	vst.add.f32.msk $0xffff, v21  }
0x24e: {  	s7 =	sor.u32 $0x3080, s2;
	v21 =	vor.u32 v12, v24;
	v22 =	vld.idx.msk [tilespmem:v22+s18+$0x0], $0xffff  }
0x24f: {  	[tilespmem:s7+$0x0] =	vst.add.f32.msk $0xffff, v23;
	s7 =	sor.u32 $0x3100, s2  }
0x250: {  	v24 =	vmov s8;
	[tilespmem:s7+$0x0] =	vst.add.f32.msk $0xffff, v23;
	s7 =	sor.u32 $0x3180, s2  }
0x251: {  	v24 =	vshll.u32 v24, $0x2;
	[tilespmem:s7+$0x0] =	vst.add.f32.msk $0xffff, v23  }
0x252: {  	v25 =	vor.u32 s8, v0;
	[tilespmem:s2+$0x3200] =	vst.add.f32.msk $0xffff, v23;
	v23 =	vor.u32 v19, v10;
	v10 =	vmovc v13;
	v13 =	vand.u32 $0xE00, v24  }
0x253: {  	s7 =	sor.u32 $0x7080, s0;
	v24 =	vor.u32 v11, v13;
	v21 =	vld.idx.msk [tilespmem:v21+s18+$0x0], $0xffff;
	v23 =	vor.u32 v9, v23;
	v9 =	vmovc v12;
	v12 =	vand.u32 $0x7F, v25  }
0x254: {  	v24 =	vor.u32 v12, v24;
	[tilespmem:s7+$0x0] =	vst.add.f32.msk $0xffff, v22;
	s7 =	sor.u32 $0x7100, s0  }
0x255: {  	[tilespmem:s7+$0x0] =	vst.add.f32.msk $0xffff, v22;
	s7 =	sor.u32 $0x7180, s0  }
0x256: {  	[tilespmem:s7+$0x0] =	vst.add.f32.msk $0xffff, v22  }
0x257: {  	[tilespmem:s0+$0x7200] =	vst.add.f32.msk $0xffff, v22  }
0x258: {  	v22 =	vld.idx.msk [tilespmem:v23+s18+$0x0], $0xffff  }
0x259: {  	s7 =	sor.u32 $0x4080, s2;
	v23 =	vld.idx.msk [tilespmem:v24+s18+$0x0], $0xffff  }
0x25a: {  	[tilespmem:s7+$0x0] =	vst.add.f32.msk $0xffff, v21;
	s7 =	sor.u32 $0x4100, s2  }
0x25b: {  	[tilespmem:s7+$0x0] =	vst.add.f32.msk $0xffff, v21;
	s7 =	sor.u32 $0x4180, s2  }
0x25c: {  	v24 =	vor.u32 v17, v10;
	[tilespmem:s7+$0x0] =	vst.add.f32.msk $0xffff, v21  }
0x25d: {  	s7 =	sor.u32 $0x8080, s0;
	[tilespmem:s2+$0x4200] =	vst.add.f32.msk $0xffff, v21;
	v21 =	vor.u32 v9, v24  }
0x25e: {  	[tilespmem:s7+$0x0] =	vst.add.f32.msk $0xffff, v22;
	s7 =	sor.u32 $0x8100, s0  }
0x25f: {  	s3 =	sadd.s32 $0x40, s3;
	[tilespmem:s7+$0x0] =	vst.add.f32.msk $0xffff, v22;
	s7 =	sor.u32 $0x8180, s0  }
0x260: {  	s9 =	sand.u32 $0x70, s8;
	s14 =	sand.u32 $0xE00, s3;
	[tilespmem:s7+$0x0] =	vst.add.f32.msk $0xffff, v22  }
0x261: {  	v24 =	vor.u32 v14, v13;
	[tilespmem:s0+$0x8200] =	vst.add.f32.msk $0xffff, v22;
	s0 =	smov.u32 s2;
	s2 =	sor.u32 s9, s14  }
0x262: {  	v22 =	vor.u32 v12, v24;
	s7 =	sor.u32 $0x1080, s2;
	v21 =	vld.idx.msk [tilespmem:v21+s18+$0x0], $0xffff  }
0x263: {  	[tilespmem:s7+$0x0] =	vst.add.f32.msk $0xffff, v23;
	s7 =	sor.u32 $0x1100, s2  }
0x264: {  	[tilespmem:s7+$0x0] =	vst.add.f32.msk $0xffff, v23;
	s7 =	sor.u32 $0x1180, s2  }
0x265: {  	[tilespmem:s7+$0x0] =	vst.add.f32.msk $0xffff, v23  }
0x266: {  	[tilespmem:s2+$0x1200] =	vst.add.f32.msk $0xffff, v23;
	v23 =	vor.u32 v18, v10  }
0x267: {  	s7 =	sor.u32 $0x5080, s0;
	v22 =	vld.idx.msk [tilespmem:v22+s18+$0x0], $0xffff;
	v23 =	vor.u32 v9, v23  }
0x268: {  	[tilespmem:s7+$0x0] =	vst.add.f32.msk $0xffff, v21;
	s7 =	sor.u32 $0x5100, s0  }
0x269: {  	[tilespmem:s7+$0x0] =	vst.add.f32.msk $0xffff, v21;
	s7 =	sor.u32 $0x5180, s0  }
0x26a: {  	[tilespmem:s7+$0x0] =	vst.add.f32.msk $0xffff, v21  }
0x26b: {  	v24 =	vor.u32 v15, v13;
	[tilespmem:s0+$0x5200] =	vst.add.f32.msk $0xffff, v21  }
0x26c: {  	v24 =	vor.u32 v12, v24;
	s7 =	sor.u32 $0x2080, s2;
	v21 =	vld.idx.msk [tilespmem:v23+s18+$0x0], $0xffff  }
.Ltmp5:
0x26d: {  	[tilespmem:s7+$0x0] =	vst.add.f32.msk $0xffff, v22;
	s7 =	sor.u32 $0x2100, s2;
	(pc) =	sbr.rel @p0 .LBB2_11-.Ltmp5, $4  }
0x26e: {  	[tilespmem:s7+$0x0] =	vst.add.f32.msk $0xffff, v22;
	s7 =	sor.u32 $0x2180, s2  }
0x26f: {  	[tilespmem:s7+$0x0] =	vst.add.f32.msk $0xffff, v22  }
0x270: {  	[tilespmem:s2+$0x2200] =	vst.add.f32.msk $0xffff, v22;
	v22 =	vor.u32 v20, v10  }
0x271: {  	s8 =	sadd.s32 $0x10, s8;
	s9 =	sor.u32 $0x6080, s0;
	v23 =	vld.idx.msk [tilespmem:v24+s18+$0x0], $0xffff;
	v22 =	vor.u32 v9, v22  }
0x272: {  	_ =	sdelay $0x1  }
0x273: {  	v11 =	vor.u32 v16, v13  }
0x274: {  	s3 =	sor.u32 $0x3080, s2;
	v11 =	vor.u32 v12, v11  }
0x275: {  	s7 =	sor.u32 $0x3100, s2;
	[tilespmem:s3+$0x0] =	vst.add.f32.msk $0xffff, v23  }
0x276: {  	s8 =	sor.u32 $0x3180, s2;
	[tilespmem:s7+$0x0] =	vst.add.f32.msk $0xffff, v23  }
0x277: {  	[tilespmem:s8+$0x0] =	vst.add.f32.msk $0xffff, v23  }
0x278: {  	[tilespmem:s2+$0x3200] =	vst.add.f32.msk $0xffff, v23  }
0x279: {  	v11 =	vld.idx.msk [tilespmem:v11+s18+$0x0], $0xffff;
	_ =	sdelay $0x2  }
0x27a: {  	v14 =	vor.u32 v17, v13  }
0x27b: {  	[tilespmem:s9+$0x0] =	vst.add.f32.msk $0xffff, v21;
	s14 =	sor.u32 $0x4080, s2;
	v14 =	vor.u32 v12, v14  }
0x27c: {  	s15 =	sor.u32 $0x4100, s2;
	[tilespmem:s14+$0x0] =	vst.add.f32.msk $0xffff, v11  }
0x27d: {  	s28 =	sor.u32 $0x4180, s2;
	[tilespmem:s15+$0x0] =	vst.add.f32.msk $0xffff, v11  }
0x27e: {  	[tilespmem:s28+$0x0] =	vst.add.f32.msk $0xffff, v11  }
0x27f: {  	[tilespmem:s2+$0x4200] =	vst.add.f32.msk $0xffff, v11  }
0x280: {  	s29 =	sor.u32 $0x6100, s0;
	v11 =	vld.idx.msk [tilespmem:v14+s18+$0x0], $0xffff  }
0x281: {  	s30 =	sor.u32 $0x6180, s0;
	[tilespmem:s29+$0x0] =	vst.add.f32.msk $0xffff, v21  }
0x282: {  	[tilespmem:s30+$0x0] =	vst.add.f32.msk $0xffff, v21  }
0x283: {  	v62 =	vor.u32 v18, v13;
	[tilespmem:s0+$0x6200] =	vst.add.f32.msk $0xffff, v21  }
0x284: {  	s31 =	sor.u32 $0x5080, s2;
	v15 =	vld.idx.msk [tilespmem:v22+s18+$0x0], $0xffff;
	v14 =	vor.u32 v12, v62  }
0x285: {  	s7 =	sor.u32 $0x5100, s2;
	[tilespmem:s31+$0x0] =	vst.add.f32.msk $0xffff, v11  }
0x286: {  	s8 =	sor.u32 $0x5180, s2;
	[tilespmem:s7+$0x0] =	vst.add.f32.msk $0xffff, v11  }
0x287: {  	[tilespmem:s8+$0x0] =	vst.add.f32.msk $0xffff, v11  }
0x288: {  	[tilespmem:s2+$0x5200] =	vst.add.f32.msk $0xffff, v11  }
0x289: {  	v11 =	vld.idx.msk [tilespmem:v14+s18+$0x0], $0xffff;
	_ =	sdelay $0x2  }
0x28a: {  	s9 =	sor.u32 $0x7080, s0;
	v63 =	vor.u32 v20, v13  }
0x28b: {  	[tilespmem:s9+$0x0] =	vst.add.f32.msk $0xffff, v15;
	s14 =	sor.u32 $0x6080, s2;
	v14 =	vor.u32 v12, v63  }
0x28c: {  	s15 =	sor.u32 $0x6100, s2;
	[tilespmem:s14+$0x0] =	vst.add.f32.msk $0xffff, v11  }
0x28d: {  	s28 =	sor.u32 $0x6180, s2;
	[tilespmem:s15+$0x0] =	vst.add.f32.msk $0xffff, v11  }
0x28e: {  	v10 =	vor.u32 v19, v10;
	[tilespmem:s28+$0x0] =	vst.add.f32.msk $0xffff, v11  }
0x28f: {  	v9 =	vor.u32 v9, v10;
	[tilespmem:s2+$0x6200] =	vst.add.f32.msk $0xffff, v11  }
0x290: {  	s29 =	sor.u32 $0x7100, s0;
	v10 =	vld.idx.msk [tilespmem:v14+s18+$0x0], $0xffff  }
0x291: {  	s30 =	sor.u32 $0x7180, s0;
	[tilespmem:s29+$0x0] =	vst.add.f32.msk $0xffff, v15  }
0x292: {  	[tilespmem:s30+$0x0] =	vst.add.f32.msk $0xffff, v15  }
0x293: {  	[tilespmem:s0+$0x7200] =	vst.add.f32.msk $0xffff, v15;
	v11 =	vor.u32 v19, v13  }
0x294: {  	v9 =	vld.idx.msk [tilespmem:v9+s18+$0x0], $0xffff;
	s31 =	sor.u32 $0x7080, s2;
	v11 =	vor.u32 v12, v11  }
0x295: {  	s7 =	sor.u32 $0x7100, s2;
	[tilespmem:s31+$0x0] =	vst.add.f32.msk $0xffff, v10  }
0x296: {  	s8 =	sor.u32 $0x7180, s2;
	[tilespmem:s7+$0x0] =	vst.add.f32.msk $0xffff, v10  }
0x297: {  	[tilespmem:s8+$0x0] =	vst.add.f32.msk $0xffff, v10  }
0x298: {  	[tilespmem:s2+$0x7200] =	vst.add.f32.msk $0xffff, v10  }
0x299: {  	s9 =	sor.u32 $0x8080, s0;
	v10 =	vld.idx.msk [tilespmem:v11+s18+$0x0], $0xffff  }
0x29a: {  	[tilespmem:s9+$0x0] =	vst.add.f32.msk $0xffff, v9;
	s14 =	sor.u32 $0x8100, s0  }
0x29b: {  	[tilespmem:s14+$0x0] =	vst.add.f32.msk $0xffff, v9;
	s15 =	sor.u32 $0x8180, s0  }
0x29c: {  	[tilespmem:s15+$0x0] =	vst.add.f32.msk $0xffff, v9  }
0x29d: {  	s28 =	sor.u32 $0x8080, s2;
	[tilespmem:s0+$0x8200] =	vst.add.f32.msk $0xffff, v9  }
0x29e: {  	s29 =	sor.u32 $0x8100, s2;
	[tilespmem:s28+$0x0] =	vst.add.f32.msk $0xffff, v10  }
0x29f: {  	s30 =	sor.u32 $0x8180, s2;
	[tilespmem:s29+$0x0] =	vst.add.f32.msk $0xffff, v10  }
0x2a0: {  	[tilespmem:s30+$0x0] =	vst.add.f32.msk $0xffff, v10  }
0x2a1: {  	[tilespmem:s2+$0x8200] =	vst.add.f32.msk $0xffff, v10  }
0x2a2: {  	s0 =	rddreg [dreg:$0x8]  }
0x2a3: {  	[hbm4b:s0+s5] =	stream.linear.scatter [tilespmem:s16], [sflag:$0x4], $0x8000, $0x38;
	[tilespmem:$0x19080] =	vst v63  }
0x2a4: {  	_ =	swait.ge [sflag:s20], $0x8000  }
0x2a5: {  	[sflag:s20] =	ssyncset.done $0x0  }
0x2a6: {  	[sflag:s20] =	ssyncadd.s32 $0xFFFF8000  }
0x2a7: {  	_ =	swait.ge [sflag:s25], $0x8000  }
0x2a8: {  	[sflag:s25] =	ssyncset.done $0x0  }
0x2a9: {  	[sflag:s25] =	ssyncadd.s32 $0xFFFF8000  }
0x2aa: {  	_ =	swait.ge [sflag:s19], $0x8000  }
0x2ab: {  	s26 =	sadd.s32 $0x1, s26;
	s31 =	rddreg [dreg:$0x9]  }
0x2ac: {  	p0 =	sne.s32 s26, s31  }
.Ltmp6:
0x2ad: {  	_ = 	snop;
	(pc) =	sbr.rel @p0 .LBB2_1-.Ltmp6, $3  }
0x2ae: {  	_ =	sdelay $0x1  }
0x2af: {  	[sflag:s19] =	ssyncset.done $0x0  }
0x2b0: {  	[sflag:s19] =	ssyncadd.s32 $0xFFFF8000  }
0x2b1: {  	_ =	sfence.sel $0x180000  }
0x2b2: {  	[bflag:$0x0] =	sbarrier.arrive $0xFFFF  }
0x2b3: {  	_ =	strace $0x90000047  }
0x2b4: {  	s0 =	stileid.u32;
	[bflag:$0x2] =	sbarrier.arrive $0xFFFF  }
0x2b5: {  	p0 =	sne.s32 s0, $0x0;
	s0 =	rddreg [dreg:$0x4]  }
0x2b6: {  	s0 =	sadd.s32 @!p0 $0x100000, s0  }
0x2b7: {  	[sflag:s0] =	ssyncadd.tile.s32 @!p0 $0x1;
	_ =	shalt  }
.Lfunc_end2:
_tile_overlayer_lowered:
.L_overlay_start_2:
0x2b8: {  	(tag) =	ssettag $0x2  }
0x2b9: {  	s0 =	rddreg [dreg:$0x0];
	s2 =	stileid.u32  }
0x2ba: {  	s1 =	rddreg [dreg:$0x1];
	p0 =	sne.s32 s2, $0x0  }
0x2bb: {  	s3 =	rddreg [dreg:$0x2];
	[bflag:$0x3] =	sbarrier.arrive $0xFFFF;
	s2 =	simm.s32 @!p0 $0x1C07  }
0x2bc: {  	[timem:s3], [sflag:s2] =	dma.local @!p0 [hbm:s0], s1  }
0x2bd: {  	s0 =	simm.s32 @!p0 $0x7  }
0x2be: {  	_ =	swait.ge @!p0 [sflag:s0], s1  }
0x2bf: {  	s1 =	ssub.s32 @!p0 $0x0, s1;
	[sflag:s0] =	ssyncset.done @!p0 $0x0  }
0x2c0: {  	[sflag:s0] =	ssyncadd.s32 @!p0 s1  }
0x2c1: {  	[bflag:$0x3] =	sbarrier.arrive $0xFFFF  }
0x2c2: {  	_ =	shalt  }

</sc_bundles>
